<compile_context>
chip_gen: v7x
topology: tpu7x:2x2x1
jax: 0.10.2.dev20260603
libtpu: 0.0.44.dev20260713+nightly
codegen_flags: <defaults>
</compile_context>

<pallas_src>
import functools

import jax
import jax.numpy as jnp
from jax import lax
from jax.experimental import pallas as pl
from jax.experimental.pallas import tpu as pltpu
from jax.experimental.pallas import tpu_sc as plsc

N = 10000
B = 50
DIN = 128
DH = 128
RESHAPE = 30
MAXN = 256

N_PAD = 10240
CHUNK = 128
NSUB = 16
E_PAD = 32 * 79 * CHUNK
ES = E_PAD // NSUB
NCHUNK = ES // CHUNK
ROWS16 = N_PAD // NSUB

J = 32
NG = 2 * 2 * B * J
GCH = 128
PERW = NG // 32
GCHUNKS = ((0, 128), (128, 72))

_mesh = plsc.VectorSubcoreMesh(core_axis_name="c", subcore_axis_name="s")



@functools.partial(
    pl.kernel, mesh=_mesh,
    out_type=jax.ShapeDtypeStruct((2, N_PAD, DH), jnp.float32),
    scratch_types=[
        pltpu.VMEM((NCHUNK, CHUNK), jnp.int32),
        pltpu.VMEM((CHUNK, DH), jnp.float32),
        pltpu.VMEM_SHARED((N_PAD, DH), jnp.float32),
    ],
)
def _sc_deg(dst_hbm, ones_hbm, zeros_hbm, out_hbm, didx_v, ones_v, acc_sh):
    c = lax.axis_index("c")
    s = lax.axis_index("s")
    pltpu.sync_copy(dst_hbm.at[c, s], didx_v)
    pltpu.sync_copy(zeros_hbm.at[pl.ds(s * ROWS16, ROWS16)],
                    acc_sh.at[pl.ds(s * ROWS16, ROWS16)])
    pltpu.sync_copy(ones_hbm, ones_v)
    plsc.subcore_barrier()

    def body(i, carry):
        pltpu.sync_copy(ones_v, acc_sh.at[didx_v.at[i]], add=True)
        return carry

    lax.fori_loop(0, NCHUNK, body, 0)
    plsc.subcore_barrier()
    pltpu.sync_copy(acc_sh.at[pl.ds(s * ROWS16, ROWS16)],
                    out_hbm.at[c, pl.ds(s * ROWS16, ROWS16)])


@functools.partial(
    pl.kernel, mesh=_mesh,
    out_type=jax.ShapeDtypeStruct((2, N_PAD, DH), jnp.float32),
    scratch_types=[
        pltpu.VMEM((2, CHUNK), jnp.int32),
        pltpu.VMEM((2, CHUNK), jnp.int32),
        pltpu.VMEM((CHUNK, DH), jnp.float32),
        pltpu.VMEM((CHUNK, DH), jnp.float32),
        pltpu.VMEM_SHARED((N_PAD, DH), jnp.float32),
        pltpu.SemaphoreType.DMA,
        pltpu.SemaphoreType.DMA,
        pltpu.SemaphoreType.DMA,
        pltpu.SemaphoreType.DMA,
    ],
)
def _sc_conv(hp_hbm, eidx_hbm, zeros_hbm, out_hbm,
             e0, e1, r0, r1, acc_sh, ise0, ise1, gse0, gse1):
    c = lax.axis_index("c")
    s = lax.axis_index("s")

    def idx_desc(i, ebuf, sem):
        return pltpu.make_async_copy(eidx_hbm.at[c, s, i], ebuf, sem)

    def g_desc(ebuf, rbuf, sem):
        return pltpu.make_async_copy(hp_hbm.at[ebuf.at[0]], rbuf, sem)

    idx_desc(0, e0, ise0).start()
    idx_desc(1, e1, ise1).start()
    pltpu.sync_copy(zeros_hbm.at[pl.ds(s * ROWS16, ROWS16)],
                    acc_sh.at[pl.ds(s * ROWS16, ROWS16)])
    plsc.subcore_barrier()
    idx_desc(0, e0, ise0).wait()
    g_desc(e0, r0, gse0).start()

    def body(i2, carry):
        i = 2 * i2
        g_desc(e0, r0, gse0).wait()
        idx_desc(i + 1, e1, ise1).wait()
        g_desc(e1, r1, gse1).start()
        pltpu.sync_copy(r0, acc_sh.at[e0.at[1]], add=True)

        @pl.when(i + 2 < NCHUNK)
        def _():
            idx_desc(i + 2, e0, ise0).start()

        g_desc(e1, r1, gse1).wait()

        @pl.when(i + 2 < NCHUNK)
        def _():
            idx_desc(i + 2, e0, ise0).wait()
            g_desc(e0, r0, gse0).start()

        pltpu.sync_copy(r1, acc_sh.at[e1.at[1]], add=True)

        @pl.when(i + 3 < NCHUNK)
        def _():
            idx_desc(i + 3, e1, ise1).start()

        return carry

    lax.fori_loop(0, NCHUNK // 2, body, 0)
    plsc.subcore_barrier()
    pltpu.sync_copy(acc_sh.at[pl.ds(s * ROWS16, ROWS16)],
                    out_hbm.at[c, pl.ds(s * ROWS16, ROWS16)])


@functools.partial(
    pl.kernel, mesh=_mesh,
    out_type=jax.ShapeDtypeStruct((7, NG, DH), jnp.float32),
    scratch_types=[
        pltpu.VMEM((2, CHUNK), jnp.int32),
        pltpu.VMEM((2, CHUNK), jnp.int32),
        pltpu.VMEM((CHUNK, DH), jnp.float32),
        pltpu.VMEM((CHUNK, DH), jnp.float32),
        pltpu.VMEM((PERW,), jnp.int32),
        pltpu.VMEM((PERW,), jnp.int32),
        pltpu.VMEM_SHARED((N_PAD, DH), jnp.float32),
        pltpu.SemaphoreType.DMA,
        pltpu.SemaphoreType.DMA,
        pltpu.SemaphoreType.DMA,
        pltpu.SemaphoreType.DMA,
    ],
)
def _sc_conv3(hp_hbm, eidx_hbm, zeros_hbm, agg1_hbm, hp1_hbm, agg2_hbm,
              hp2_hbm, deg_hbm, gidx_hbm, aggidx_hbm, rows_out,
              e0, e1, r0, r1, gi_v, ai_v, acc_sh, ise0, ise1, gse0, gse1):
    c = lax.axis_index("c")
    s = lax.axis_index("s")

    def idx_desc(i, ebuf, sem):
        return pltpu.make_async_copy(eidx_hbm.at[c, s, i], ebuf, sem)

    def g_desc(ebuf, rbuf, sem):
        return pltpu.make_async_copy(hp_hbm.at[ebuf.at[0]], rbuf, sem)

    idx_desc(0, e0, ise0).start()
    idx_desc(1, e1, ise1).start()
    pltpu.sync_copy(zeros_hbm.at[pl.ds(s * ROWS16, ROWS16)],
                    acc_sh.at[pl.ds(s * ROWS16, ROWS16)])
    plsc.subcore_barrier()
    idx_desc(0, e0, ise0).wait()
    g_desc(e0, r0, gse0).start()

    def body(i2, carry):
        i = 2 * i2
        g_desc(e0, r0, gse0).wait()
        idx_desc(i + 1, e1, ise1).wait()
        g_desc(e1, r1, gse1).start()
        pltpu.sync_copy(r0, acc_sh.at[e0.at[1]], add=True)

        @pl.when(i + 2 < NCHUNK)
        def _():
            idx_desc(i + 2, e0, ise0).start()

        g_desc(e1, r1, gse1).wait()

        @pl.when(i + 2 < NCHUNK)
        def _():
            idx_desc(i + 2, e0, ise0).wait()
            g_desc(e0, r0, gse0).start()

        pltpu.sync_copy(r1, acc_sh.at[e1.at[1]], add=True)

        @pl.when(i + 3 < NCHUNK)
        def _():
            idx_desc(i + 3, e1, ise1).start()

        return carry

    lax.fori_loop(0, NCHUNK // 2, body, 0)
    plsc.subcore_barrier()

    w2 = c * NSUB + s
    pltpu.sync_copy(gidx_hbm.at[w2], gi_v)
    pltpu.sync_copy(aggidx_hbm.at[w2], ai_v)
    jobs = ([(t, off, sz, t, False) for t in range(6)
             for (off, sz) in GCHUNKS]
            + [(6, off, sz, 0, True) for (off, sz) in GCHUNKS])
    tabs = (agg1_hbm, hp1_hbm, agg2_hbm, hp2_hbm, hp_hbm, deg_hbm)
    bufs = (r0, r1)
    sems = (gse0, gse1)

    def j_desc(k):
        t, off, sz, ti, from_acc = jobs[k]
        src = acc_sh if from_acc else tabs[ti]
        iv = ai_v if from_acc else gi_v
        return pltpu.make_async_copy(
            src.at[iv.at[pl.ds(off, sz)]],
            bufs[k % 2].at[pl.ds(0, sz)], sems[k % 2])

    j_desc(0).start()
    for k, (t, off, sz, ti, from_acc) in enumerate(jobs):
        j_desc(k).wait()
        if k + 1 < len(jobs):
            j_desc(k + 1).start()
        pltpu.sync_copy(bufs[k % 2].at[pl.ds(0, sz)],
                        rows_out.at[t, pl.ds(w2 * PERW + off, sz)])



_BLK = 512
_GRID = 2 * N_PAD // _BLK


def _mm1_body(x_ref, deg_ref, w_ref, hp_ref, dv_ref):
    dinv = lax.rsqrt(deg_ref[:, :1] + 1.0)
    h = jnp.dot(x_ref[...], w_ref[...], preferred_element_type=jnp.float32)
    hp_ref[...] = h * dinv
    dv_ref[...] = jnp.broadcast_to(dinv, (_BLK, 8))


def _mm1(x, deg, W):
    return pl.pallas_call(
        _mm1_body,
        grid=(_GRID,),
        in_specs=[
            pl.BlockSpec((_BLK, DIN), lambda i: (i, 0)),
            pl.BlockSpec((_BLK, DH), lambda i: (i, 0)),
            pl.BlockSpec((DIN, DH), lambda i: (0, 0)),
        ],
        out_specs=[
            pl.BlockSpec((_BLK, DH), lambda i: (i, 0)),
            pl.BlockSpec((_BLK, 8), lambda i: (i, 0)),
        ],
        out_shape=[
            jax.ShapeDtypeStruct((2 * N_PAD, DH), jnp.float32),
            jax.ShapeDtypeStruct((2 * N_PAD, 8), jnp.float32),
        ],
    )(x, deg, W)


def _epi_body(agg_ref, hp_ref, dv_ref, b_ref, w_ref, hpn_ref):
    dinv = dv_ref[:, :1]
    xl = jnp.maximum(dinv * (agg_ref[...] + hp_ref[...]) + b_ref[...], 0.0)
    hpn_ref[...] = jnp.dot(xl, w_ref[...], preferred_element_type=jnp.float32) * dinv


def _epi(agg, hp, dv, b, Wn):
    return pl.pallas_call(
        _epi_body,
        grid=(_GRID,),
        in_specs=[
            pl.BlockSpec((_BLK, DH), lambda i: (i, 0)),
            pl.BlockSpec((_BLK, DH), lambda i: (i, 0)),
            pl.BlockSpec((_BLK, 8), lambda i: (i, 0)),
            pl.BlockSpec((1, DH), lambda i: (0, 0)),
            pl.BlockSpec((DH, DH), lambda i: (0, 0)),
        ],
        out_specs=pl.BlockSpec((_BLK, DH), lambda i: (i, 0)),
        out_shape=jax.ShapeDtypeStruct((2 * N_PAD, DH), jnp.float32),
    )(agg, hp, dv, b, Wn)


def _rowepi3_body(rows_ref, b_ref, x_ref):
    dinv = lax.rsqrt(rows_ref[5][:, :1] + 1.0)
    for l, (ta, th) in enumerate(((0, 1), (2, 3), (6, 4))):
        x_ref[l] = jnp.maximum(
            dinv * (rows_ref[ta] + rows_ref[th]) + b_ref[l], 0.0)


_REBLK = 256


def _rowepi3(rows7, b_stack):
    return pl.pallas_call(
        _rowepi3_body,
        grid=(NG // _REBLK,),
        in_specs=[
            pl.BlockSpec((7, _REBLK, DH), lambda i: (0, i, 0)),
            pl.BlockSpec((3, 1, DH), lambda i: (0, 0, 0)),
        ],
        out_specs=pl.BlockSpec((3, _REBLK, DH), lambda i: (0, i, 0)),
        out_shape=jax.ShapeDtypeStruct((3, NG, DH), jnp.float32),
    )(rows7, b_stack)


def _bmm_body(a0, a1, c0, c1, w0s, w1s, w0t, w1t, o_ref):
    for l in range(3):
        ys = w0s[0][:, :1] * a0[l] + w1s[0][:, :1] * a1[l]
        yt = w0t[0][:, :1] * c0[l] + w1t[0][:, :1] * c1[l]
        o_ref[0, l] = lax.dot_general(ys, yt, (((1,), (1,)), ((), ())),
                                      preferred_element_type=jnp.float32)


def _bmm(rows, w0s, w1s, w0t, w1t):
    def row_spec(off):
        return pl.BlockSpec((3, J, DH), lambda b: (0, b + off, 0))

    wt_spec = pl.BlockSpec((1, J, 8), lambda b: (b, 0, 0))
    return pl.pallas_call(
        _bmm_body,
        grid=(B,),
        in_specs=[row_spec(0), row_spec(B), row_spec(2 * B), row_spec(3 * B),
                  wt_spec, wt_spec, wt_spec, wt_spec],
        out_specs=pl.BlockSpec((1, 3, J, J), lambda b: (b, 0, 0, 0)),
        out_shape=jax.ShapeDtypeStruct((B, 3, J, J), jnp.float32),
    )(rows, rows, rows, rows, w0s, w1s, w0t, w1t)



def _pad_edges(ei, core):
    src, dst = ei[0].astype(jnp.int32), ei[1].astype(jnp.int32)
    npad = E_PAD - src.shape[0]
    padr = (N + (jnp.arange(npad, dtype=jnp.int32) % 16))
    src_p = jnp.concatenate([src, padr])
    dst_p = jnp.concatenate([dst, padr])
    return src_p + core * N_PAD, dst_p


def _interp_geometry():
    scale = MAXN / RESHAPE
    c = (jnp.arange(RESHAPE, dtype=jnp.float32) + 0.5) * scale - 0.5
    c0 = jnp.floor(c)
    w = c - c0
    i0 = jnp.clip(c0, 0, MAXN - 1).astype(jnp.int32)
    i1 = jnp.clip(c0 + 1, 0, MAXN - 1).astype(jnp.int32)
    return i0, i1, w


def _proj_idx(batch, max_num_nodes, base, i0, i1, w):
    bd = jnp.searchsorted(batch, jnp.arange(B + 1, dtype=batch.dtype)).astype(jnp.int32)
    starts, counts = bd[:B], bd[1:] - bd[:B]
    lim = jnp.minimum(counts, max_num_nodes)
    v0 = i0[None, :] < lim[:, None]
    v1 = i1[None, :] < lim[:, None]
    spread = (jnp.arange(B, dtype=jnp.int32)[:, None] * J
              + jnp.arange(RESHAPE, dtype=jnp.int32)[None, :])
    g0 = jnp.where(v0, starts[:, None] + i0[None, :], spread) + base
    g1 = jnp.where(v1, starts[:, None] + i1[None, :], spread) + base
    w0 = jnp.where(v0, 1.0 - w[None, :], 0.0)
    w1 = jnp.where(v1, w[None, :], 0.0)
    pad2 = ((0, 0), (0, J - RESHAPE))
    g0 = jnp.pad(g0, pad2, constant_values=base)
    g1 = jnp.pad(g1, pad2, constant_values=base)
    w0 = jnp.pad(w0, pad2)
    w1 = jnp.pad(w1, pad2)
    return (g0.reshape(-1), g1.reshape(-1),
            jnp.broadcast_to(w0.reshape(B, J, 1), (B, J, 8)),
            jnp.broadcast_to(w1.reshape(B, J, 1), (B, J, 8)))


def kernel(x_s, edge_index_s, batch_s, x_t, edge_index_t, batch_t,
           W1, b1, W2, b2, W3, b3, max_num_nodes):
    f32 = jnp.float32
    x_both = jnp.zeros((2 * N_PAD, DIN), f32)
    x_both = x_both.at[:N].set(x_s).at[N_PAD:N_PAD + N].set(x_t)

    src_s, dst_s = _pad_edges(edge_index_s, 0)
    src_t, dst_t = _pad_edges(edge_index_t, 1)
    src_a = jnp.stack([src_s, src_t]).reshape(2, NSUB, NCHUNK, 1, CHUNK)
    dst_a = jnp.stack([dst_s, dst_t]).reshape(2, NSUB, NCHUNK, 1, CHUNK)
    eidx = jnp.concatenate([src_a, dst_a], axis=3)
    dst_g = dst_a.reshape(2, NSUB, NCHUNK, CHUNK)

    ones128 = jnp.ones((CHUNK, DH), f32)
    zeros128 = jnp.zeros((N_PAD, DH), f32)

    deg = _sc_deg(dst_g, ones128, zeros128).reshape(2 * N_PAD, DH)

    b1r = b1.reshape(1, DH)
    b2r = b2.reshape(1, DH)
    b3r = b3.reshape(1, DH)

    hp1, dv = _mm1(x_both, deg, W1)
    agg1 = _sc_conv(hp1, eidx, zeros128).reshape(2 * N_PAD, DH)
    hp2 = _epi(agg1, hp1, dv, b1r, W2)
    agg2 = _sc_conv(hp2, eidx, zeros128).reshape(2 * N_PAD, DH)
    hp3 = _epi(agg2, hp2, dv, b2r, W3)

    i0, i1, w = _interp_geometry()
    g0s, g1s, w0s, w1s = _proj_idx(batch_s, max_num_nodes, 0, i0, i1, w)
    g0t, g1t, w0t, w1t = _proj_idx(batch_t, max_num_nodes, N_PAD, i0, i1, w)
    gidx = jnp.concatenate([g0s, g1s, g0t, g1t]).reshape(32, PERW)
    aggidx = gidx - jnp.where(jnp.arange(32) < NSUB, 0, N_PAD)[:, None].astype(jnp.int32)

    rows7 = _sc_conv3(hp3, eidx, zeros128, agg1, hp1, agg2, hp2, deg, gidx, aggidx)
    b_stack = jnp.stack([b1r, b2r, b3r])
    rows = _rowepi3(rows7, b_stack)

    out_full = _bmm(rows, w0s, w1s, w0t, w1t)
    return out_full[:, :, :RESHAPE, :RESHAPE]

# --- scband reference (transcript-rebuilt; emitter-appended) ---
"""Pipeline reference for scband-gnn-71768903516471 (READ-ONLY COPY).

The authoritative reference and input builder live on the scoring server;
editing this copy changes nothing except your own understanding.
"""

import jax, jax.numpy as jnp
import numpy as np

N = 10000
E = 320000
B = 50
DIN = 128
DH = 128
RESHAPE = 30
MAXN = 256


def setup_inputs(seed: int = 0) -> dict:
    key = jax.random.key(seed)
    ks = jax.random.split(key, 12)
    x_s = jax.random.normal(ks[0], (N, DIN), jnp.float32)
    x_t = jax.random.normal(ks[1], (N, DIN), jnp.float32)
    edge_index_s = jax.random.randint(ks[2], (2, E), 0, N)
    edge_index_t = jax.random.randint(ks[3], (2, E), 0, N)
    batch_s = jnp.sort(jax.random.randint(ks[4], (N,), 0, B))
    batch_t = jnp.sort(jax.random.randint(ks[5], (N,), 0, B))
    W1 = jax.random.normal(ks[6], (DIN, DH), jnp.float32) * 0.05
    b1 = jnp.zeros((DH,), jnp.float32)
    W2 = jax.random.normal(ks[7], (DH, DH), jnp.float32) * 0.05
    b2 = jnp.zeros((DH,), jnp.float32)
    W3 = jax.random.normal(ks[8], (DH, DH), jnp.float32) * 0.05
    b3 = jnp.zeros((DH,), jnp.float32)
    return {"x_s": x_s, "edge_index_s": edge_index_s, "batch_s": batch_s,
            "x_t": x_t, "edge_index_t": edge_index_t, "batch_t": batch_t,
            "W1": W1, "b1": b1, "W2": W2, "b2": b2, "W3": W3, "b3": b3,
            "max_num_nodes": MAXN}


def gcn_conv(x, edge_index, W, b):
    n = x.shape[0]
    loop = jnp.arange(n, dtype=edge_index.dtype)
    src = jnp.concatenate([edge_index[0], loop])
    dst = jnp.concatenate([edge_index[1], loop])
    deg = jnp.zeros((n,), x.dtype).at[dst].add(1.0)
    dinv = jnp.where(deg > 0, 1.0 / jnp.sqrt(deg), 0.0)
    norm = dinv[src] * dinv[dst]
    h = x @ W
    out = jnp.zeros((n, W.shape[1]), x.dtype).at[dst].add(h[src] * norm[:, None])
    return out + b


def node_embedding(x, ei, W1, b1, W2, b2, W3, b3):
    x1 = jax.nn.relu(gcn_conv(x, ei, W1, b1))
    x2 = jax.nn.relu(gcn_conv(x1, ei, W2, b2))
    x3 = jax.nn.relu(gcn_conv(x2, ei, W3, b3))
    return x1, x2, x3


def to_dense_batch(x, batch, max_num_nodes, num_graphs):
    n = x.shape[0]
    counts = jnp.bincount(batch, length=num_graphs)
    starts = jnp.concatenate([jnp.zeros((1,), counts.dtype), jnp.cumsum(counts)[:-1]])
    pos = jnp.arange(n) - starts[batch]
    valid = pos < max_num_nodes
    b_idx = jnp.where(valid, batch, 0)
    p_idx = jnp.where(valid, pos, 0)
    vals = jnp.where(valid[:, None], x, 0.0)
    dense = jnp.zeros((num_graphs, MAXN, x.shape[1]), x.dtype).at[b_idx, p_idx].add(vals)
    return dense


def bilinear_resize(img, out_size):
    Bn, C, Hh, Ww = img.shape
    def coords(in_len, out_len):
        scale = in_len / out_len
        c = (jnp.arange(out_len, dtype=jnp.float32) + 0.5) * scale - 0.5
        c0 = jnp.floor(c)
        w = c - c0
        i0 = jnp.clip(c0, 0, in_len - 1).astype(jnp.int32)
        i1 = jnp.clip(c0 + 1, 0, in_len - 1).astype(jnp.int32)
        return i0, i1, w
    y0, y1, wy = coords(Hh, out_size)
    x0, x1, wx = coords(Ww, out_size)
    top = img[:, :, y0, :] * (1.0 - wy)[None, None, :, None] + img[:, :, y1, :] * wy[None, None, :, None]
    out = top[:, :, :, x0] * (1.0 - wx)[None, None, None, :] + top[:, :, :, x1] * wx[None, None, None, :]
    return out


def maxpad_resize(x_t, batch_t, x_s, batch_s, max_num_nodes):
    xt = to_dense_batch(x_t, batch_t, max_num_nodes, B)
    xs = to_dense_batch(x_s, batch_s, max_num_nodes, B)
    sim = jnp.einsum('bnd,bmd->bnm', xs, xt)
    return bilinear_resize(sim[:, None, :, :], RESHAPE)


def reference(x_s, edge_index_s, batch_s, x_t, edge_index_t, batch_t,
              W1, b1, W2, b2, W3, b3, max_num_nodes):
    xs1, xs2, xs3 = node_embedding(x_s, edge_index_s, W1, b1, W2, b2, W3, b3)
    xt1, xt2, xt3 = node_embedding(x_t, edge_index_t, W1, b1, W2, b2, W3, b3)
    o1 = maxpad_resize(xt1, batch_t, xs1, batch_s, max_num_nodes)
    o2 = maxpad_resize(xt2, batch_t, xs2, batch_s, max_num_nodes)
    o3 = maxpad_resize(xt3, batch_t, xs3, batch_s, max_num_nodes)
    return jnp.concatenate([o1, o2, o3], axis=1)

if __name__ == "__main__":
    import jax
    _d = setup_inputs()
    print(jax.jit(kernel)(*tuple(_d.values())))

</pallas_src>

<mosaic_0001>
#map = affine_map<(d0, d1) -> (0, 0)>
#map1 = affine_map<(d0, d1) -> (0, 0, 0, 0, 0)>
#map2 = affine_map<(d0, d1) -> (0, 0, 0)>
module attributes {stable_mosaic.version = 14 : i64} {
  func.func @_sc_conv(%arg0: i32, %arg1: i32, %arg2: memref<20480x128xf32, #tpu.memory_space<hbm>>, %arg3: memref<2x16x158x2x128xi32, #tpu.memory_space<hbm>>, %arg4: memref<10240x128xf32, #tpu.memory_space<hbm>>, %arg5: memref<2x10240x128xf32, #tpu.memory_space<hbm>>, %arg6: memref<2x128xi32, #tpu.memory_space<vmem>>, %arg7: memref<2x128xi32, #tpu.memory_space<vmem>>, %arg8: memref<128x128xf32, #tpu.memory_space<vmem>>, %arg9: memref<128x128xf32, #tpu.memory_space<vmem>>, %arg10: memref<10240x128xf32, #tpu.memory_space<vmem_shared>>, %arg11: memref<!tpu.dma_semaphore, #tpu.memory_space<semaphore_mem>>, %arg12: memref<!tpu.dma_semaphore, #tpu.memory_space<semaphore_mem>>, %arg13: memref<!tpu.dma_semaphore, #tpu.memory_space<semaphore_mem>>, %arg14: memref<!tpu.dma_semaphore, #tpu.memory_space<semaphore_mem>>) attributes {dimension_semantics = [#tpu.dimension_semantics<core_parallel>, #tpu.dimension_semantics<subcore_parallel>], iteration_bounds = array<i64: 2, 16>, scalar_prefetch = 0 : i64, scratch_operands = 9 : i64, tpu.core_type = #tpu.core_type<sc_vector_subcore>, window_params = [{transform_indices = #map}, {transform_indices = #map1}, {transform_indices = #map}, {transform_indices = #map2}]} {
    %dma_start3A = arith.constant 0 : i32
    %dma_start3A_0 = arith.constant 0 : i32
    %dma_start3A_1 = arith.constant 0 : i32
    %dma_start3A_2 = tpu.memref_slice %arg3[%arg0, %arg1, %dma_start3A, %dma_start3A_0, %dma_start3A_1] : memref<2x16x158x2x128xi32, #tpu.memory_space<hbm>> -> memref<1x1x1x2x128xi32, #tpu.memory_space<hbm>>
    %dma_start3A_3 = tpu.memref_squeeze %dma_start3A_2 : memref<1x1x1x2x128xi32, #tpu.memory_space<hbm>> -> memref<2x128xi32, #tpu.memory_space<hbm>>
    %dma_start3A_4 = arith.constant 0 : i32
    %dma_start3A_5 = arith.constant 0 : i32
    %dma_start3A_6 = tpu.memref_slice %arg3[%arg0, %arg1, %dma_start3A, %dma_start3A_4, %dma_start3A_5] : memref<2x16x158x2x128xi32, #tpu.memory_space<hbm>> -> memref<1x1x1x2x128xi32, #tpu.memory_space<hbm>>
    %dma_start3A_7 = tpu.memref_squeeze %dma_start3A_6 : memref<1x1x1x2x128xi32, #tpu.memory_space<hbm>> -> memref<2x128xi32, #tpu.memory_space<hbm>>
    tpu.enqueue_dma source(%dma_start3A_7 : memref<2x128xi32, #tpu.memory_space<hbm>>) target(%arg6 : memref<2x128xi32, #tpu.memory_space<vmem>>) target_semaphore(%arg11 : memref<!tpu.dma_semaphore, #tpu.memory_space<semaphore_mem>>)
    %dma_start3A_8 = arith.constant 1 : i32
    %dma_start3A_9 = arith.constant 0 : i32
    %dma_start3A_10 = arith.constant 0 : i32
    %dma_start3A_11 = tpu.memref_slice %arg3[%arg0, %arg1, %dma_start3A_8, %dma_start3A_9, %dma_start3A_10] : memref<2x16x158x2x128xi32, #tpu.memory_space<hbm>> -> memref<1x1x1x2x128xi32, #tpu.memory_space<hbm>>
    %dma_start3A_12 = tpu.memref_squeeze %dma_start3A_11 : memref<1x1x1x2x128xi32, #tpu.memory_space<hbm>> -> memref<2x128xi32, #tpu.memory_space<hbm>>
    %dma_start3A_13 = arith.constant 0 : i32
    %dma_start3A_14 = arith.constant 0 : i32
    %dma_start3A_15 = tpu.memref_slice %arg3[%arg0, %arg1, %dma_start3A_8, %dma_start3A_13, %dma_start3A_14] : memref<2x16x158x2x128xi32, #tpu.memory_space<hbm>> -> memref<1x1x1x2x128xi32, #tpu.memory_space<hbm>>
    %dma_start3A_16 = tpu.memref_squeeze %dma_start3A_15 : memref<1x1x1x2x128xi32, #tpu.memory_space<hbm>> -> memref<2x128xi32, #tpu.memory_space<hbm>>
    tpu.enqueue_dma source(%dma_start3A_16 : memref<2x128xi32, #tpu.memory_space<hbm>>) target(%arg7 : memref<2x128xi32, #tpu.memory_space<vmem>>) target_semaphore(%arg12 : memref<!tpu.dma_semaphore, #tpu.memory_space<semaphore_mem>>)
    %mul3A = arith.constant 640 : i32
    %mul3A_17 = arith.muli %arg1, %mul3A : i32
    %mul3A_18 = arith.constant 640 : i32
    %mul3A_19 = arith.muli %arg1, %mul3A_18 : i32
    "tpu.region"() ({
      %run_scoped3A = tpu.sem_alloc : memref<!tpu.dma_semaphore, #tpu.memory_space<semaphore_mem>>
      %dma_start3A_45 = arith.constant 0 : i32
      %dma_start3A_46 = tpu.memref_slice %arg10[%mul3A_19, %dma_start3A_45] : memref<10240x128xf32, #tpu.memory_space<vmem_shared>> -> memref<640x128xf32, #tpu.memory_space<vmem_shared>>
      %dma_start3A_47 = arith.constant 0 : i32
      %dma_start3A_48 = tpu.memref_slice %arg4[%mul3A_17, %dma_start3A_47] : memref<10240x128xf32, #tpu.memory_space<hbm>> -> memref<640x128xf32, #tpu.memory_space<hbm>>
      tpu.enqueue_dma source(%dma_start3A_48 : memref<640x128xf32, #tpu.memory_space<hbm>>) target(%dma_start3A_46 : memref<640x128xf32, #tpu.memory_space<vmem_shared>>) target_semaphore(%run_scoped3A : memref<!tpu.dma_semaphore, #tpu.memory_space<semaphore_mem>>)
      %dma_wait3A_49 = arith.constant 0 : i32
      %dma_wait3A_50 = tpu.memref_slice %arg10[%mul3A_19, %dma_wait3A_49] : memref<10240x128xf32, #tpu.memory_space<vmem_shared>> -> memref<640x128xf32, #tpu.memory_space<vmem_shared>>
      %dma_wait3A_51 = arith.constant 0 : i32
      %dma_wait3A_52 = tpu.memref_slice %arg4[%mul3A_17, %dma_wait3A_51] : memref<10240x128xf32, #tpu.memory_space<hbm>> -> memref<640x128xf32, #tpu.memory_space<hbm>>
      tpu.wait_dma2 semaphore(%run_scoped3A : memref<!tpu.dma_semaphore, #tpu.memory_space<semaphore_mem>>) src(%dma_wait3A_52 : memref<640x128xf32, #tpu.memory_space<hbm>>) dst(%dma_wait3A_50 : memref<640x128xf32, #tpu.memory_space<vmem_shared>>)
      tpu.yield
    }) : () -> ()
    %barrier3A = arith.constant 0 : index
    tpu.barrier barrier_id(%barrier3A)
    %dma_wait3A = arith.constant 0 : i32
    %dma_wait3A_20 = arith.constant 0 : i32
    %dma_wait3A_21 = arith.constant 0 : i32
    %dma_wait3A_22 = tpu.memref_slice %arg3[%arg0, %arg1, %dma_wait3A, %dma_wait3A_20, %dma_wait3A_21] : memref<2x16x158x2x128xi32, #tpu.memory_space<hbm>> -> memref<1x1x1x2x128xi32, #tpu.memory_space<hbm>>
    %dma_wait3A_23 = tpu.memref_squeeze %dma_wait3A_22 : memref<1x1x1x2x128xi32, #tpu.memory_space<hbm>> -> memref<2x128xi32, #tpu.memory_space<hbm>>
    %dma_wait3A_24 = arith.constant 0 : i32
    %dma_wait3A_25 = arith.constant 0 : i32
    %dma_wait3A_26 = tpu.memref_slice %arg3[%arg0, %arg1, %dma_wait3A, %dma_wait3A_24, %dma_wait3A_25] : memref<2x16x158x2x128xi32, #tpu.memory_space<hbm>> -> memref<1x1x1x2x128xi32, #tpu.memory_space<hbm>>
    %dma_wait3A_27 = tpu.memref_squeeze %dma_wait3A_26 : memref<1x1x1x2x128xi32, #tpu.memory_space<hbm>> -> memref<2x128xi32, #tpu.memory_space<hbm>>
    tpu.wait_dma2 semaphore(%arg11 : memref<!tpu.dma_semaphore, #tpu.memory_space<semaphore_mem>>) src(%dma_wait3A_27 : memref<2x128xi32, #tpu.memory_space<hbm>>) dst(%arg6 : memref<2x128xi32, #tpu.memory_space<vmem>>)
    %dma_start3A_28 = arith.constant 0 : i32
    %dma_start3A_29 = arith.constant 0 : i32
    %dma_start3A_30 = tpu.memref_slice %arg6[%dma_start3A_28, %dma_start3A_29] : memref<2x128xi32, #tpu.memory_space<vmem>> -> memref<1x128xi32, #tpu.memory_space<vmem>>
    %dma_start3A_31 = tpu.memref_squeeze %dma_start3A_30 : memref<1x128xi32, #tpu.memory_space<vmem>> -> memref<128xi32, #tpu.memory_space<vmem>>
    %dma_start3A_32 = arith.constant 0 : i32
    %dma_start3A_33 = arith.constant 0 : i32
    %dma_start3A_34 = tpu.memref_slice %arg2[%dma_start3A_32, %dma_start3A_33] : memref<20480x128xf32, #tpu.memory_space<hbm>> -> memref<20480x128xf32, #tpu.memory_space<hbm>>
    tpu.enqueue_indirect_dma source(%dma_start3A_34 : memref<20480x128xf32, #tpu.memory_space<hbm>>) target(%arg8 : memref<128x128xf32, #tpu.memory_space<vmem>>) offsets(%dma_start3A_31 : memref<128xi32, #tpu.memory_space<vmem>>) semaphore(%arg13 : memref<!tpu.dma_semaphore, #tpu.memory_space<semaphore_mem>>)
    %scan3A = arith.constant 0 : i32
    %scan3A_35 = arith.constant 0 : i32
    %scan3A_36 = arith.constant 79 : i32
    %scan3A_37 = arith.addi %scan3A_35, %scan3A_36 : i32
    %scan3A_38 = arith.constant 1 : i32
    scf.for %scan3A_45 = %scan3A_35 to %scan3A_37 step %scan3A_38  : i32 {
      %mul3A_46 = arith.constant 2 : i32
      %mul3A_47 = arith.muli %mul3A_46, %scan3A_45 : i32
      %dma_wait3A_48 = arith.constant 0 : i32
      %dma_wait3A_49 = arith.constant 0 : i32
      %dma_wait3A_50 = tpu.memref_slice %arg6[%dma_wait3A_48, %dma_wait3A_49] : memref<2x128xi32, #tpu.memory_space<vmem>> -> memref<1x128xi32, #tpu.memory_space<vmem>>
      %dma_wait3A_51 = tpu.memref_squeeze %dma_wait3A_50 : memref<1x128xi32, #tpu.memory_space<vmem>> -> memref<128xi32, #tpu.memory_space<vmem>>
      %dma_wait3A_52 = arith.constant 0 : i32
      %dma_wait3A_53 = arith.constant 0 : i32
      %dma_wait3A_54 = tpu.memref_slice %arg2[%dma_wait3A_52, %dma_wait3A_53] : memref<20480x128xf32, #tpu.memory_space<hbm>> -> memref<20480x128xf32, #tpu.memory_space<hbm>>
      tpu.wait_indirect_dma semaphore(%arg13 : memref<!tpu.dma_semaphore, #tpu.memory_space<semaphore_mem>>) src(%dma_wait3A_54 : memref<20480x128xf32, #tpu.memory_space<hbm>>) dst(%arg8 : memref<128x128xf32, #tpu.memory_space<vmem>>)
      %add3A = arith.constant 1 : i32
      %add3A_55 = arith.addi %mul3A_47, %add3A : i32
      %dma_wait3A_56 = arith.constant 0 : i32
      %dma_wait3A_57 = arith.constant 0 : i32
      %dma_wait3A_58 = tpu.memref_slice %arg3[%arg0, %arg1, %add3A_55, %dma_wait3A_56, %dma_wait3A_57] : memref<2x16x158x2x128xi32, #tpu.memory_space<hbm>> -> memref<1x1x1x2x128xi32, #tpu.memory_space<hbm>>
      %dma_wait3A_59 = tpu.memref_squeeze %dma_wait3A_58 : memref<1x1x1x2x128xi32, #tpu.memory_space<hbm>> -> memref<2x128xi32, #tpu.memory_space<hbm>>
      %dma_wait3A_60 = arith.constant 0 : i32
      %dma_wait3A_61 = arith.constant 0 : i32
      %dma_wait3A_62 = tpu.memref_slice %arg3[%arg0, %arg1, %add3A_55, %dma_wait3A_60, %dma_wait3A_61] : memref<2x16x158x2x128xi32, #tpu.memory_space<hbm>> -> memref<1x1x1x2x128xi32, #tpu.memory_space<hbm>>
      %dma_wait3A_63 = tpu.memref_squeeze %dma_wait3A_62 : memref<1x1x1x2x128xi32, #tpu.memory_space<hbm>> -> memref<2x128xi32, #tpu.memory_space<hbm>>
      tpu.wait_dma2 semaphore(%arg12 : memref<!tpu.dma_semaphore, #tpu.memory_space<semaphore_mem>>) src(%dma_wait3A_63 : memref<2x128xi32, #tpu.memory_space<hbm>>) dst(%arg7 : memref<2x128xi32, #tpu.memory_space<vmem>>)
      %dma_start3A_64 = arith.constant 0 : i32
      %dma_start3A_65 = arith.constant 0 : i32
      %dma_start3A_66 = tpu.memref_slice %arg7[%dma_start3A_64, %dma_start3A_65] : memref<2x128xi32, #tpu.memory_space<vmem>> -> memref<1x128xi32, #tpu.memory_space<vmem>>
      %dma_start3A_67 = tpu.memref_squeeze %dma_start3A_66 : memref<1x128xi32, #tpu.memory_space<vmem>> -> memref<128xi32, #tpu.memory_space<vmem>>
      %dma_start3A_68 = arith.constant 0 : i32
      %dma_start3A_69 = arith.constant 0 : i32
      %dma_start3A_70 = tpu.memref_slice %arg2[%dma_start3A_68, %dma_start3A_69] : memref<20480x128xf32, #tpu.memory_space<hbm>> -> memref<20480x128xf32, #tpu.memory_space<hbm>>
      tpu.enqueue_indirect_dma source(%dma_start3A_70 : memref<20480x128xf32, #tpu.memory_space<hbm>>) target(%arg9 : memref<128x128xf32, #tpu.memory_space<vmem>>) offsets(%dma_start3A_67 : memref<128xi32, #tpu.memory_space<vmem>>) semaphore(%arg14 : memref<!tpu.dma_semaphore, #tpu.memory_space<semaphore_mem>>)
      %run_scoped3A = arith.constant 1 : i32
      "tpu.region"() ({
        %run_scoped3A_97 = tpu.sem_alloc : memref<!tpu.dma_semaphore, #tpu.memory_space<semaphore_mem>>
        %dma_start3A_98 = arith.constant 0 : i32
        %dma_start3A_99 = tpu.memref_slice %arg6[%run_scoped3A, %dma_start3A_98] : memref<2x128xi32, #tpu.memory_space<vmem>> -> memref<1x128xi32, #tpu.memory_space<vmem>>
        %dma_start3A_100 = tpu.memref_squeeze %dma_start3A_99 : memref<1x128xi32, #tpu.memory_space<vmem>> -> memref<128xi32, #tpu.memory_space<vmem>>
        %dma_start3A_101 = arith.constant 0 : i32
        %dma_start3A_102 = arith.constant 0 : i32
        %dma_start3A_103 = tpu.memref_slice %arg10[%dma_start3A_101, %dma_start3A_102] : memref<10240x128xf32, #tpu.memory_space<vmem_shared>> -> memref<10240x128xf32, #tpu.memory_space<vmem_shared>>
        tpu.enqueue_indirect_dma source(%arg8 : memref<128x128xf32, #tpu.memory_space<vmem>>) target(%dma_start3A_103 : memref<10240x128xf32, #tpu.memory_space<vmem_shared>>) offsets(%dma_start3A_100 : memref<128xi32, #tpu.memory_space<vmem>>) semaphore(%run_scoped3A_97 : memref<!tpu.dma_semaphore, #tpu.memory_space<semaphore_mem>>) {add = true}
        %dma_wait3A_104 = arith.constant 0 : i32
        %dma_wait3A_105 = tpu.memref_slice %arg6[%run_scoped3A, %dma_wait3A_104] : memref<2x128xi32, #tpu.memory_space<vmem>> -> memref<1x128xi32, #tpu.memory_space<vmem>>
        %dma_wait3A_106 = tpu.memref_squeeze %dma_wait3A_105 : memref<1x128xi32, #tpu.memory_space<vmem>> -> memref<128xi32, #tpu.memory_space<vmem>>
        %dma_wait3A_107 = arith.constant 0 : i32
        %dma_wait3A_108 = arith.constant 0 : i32
        %dma_wait3A_109 = tpu.memref_slice %arg10[%dma_wait3A_107, %dma_wait3A_108] : memref<10240x128xf32, #tpu.memory_space<vmem_shared>> -> memref<10240x128xf32, #tpu.memory_space<vmem_shared>>
        tpu.wait_indirect_dma semaphore(%run_scoped3A_97 : memref<!tpu.dma_semaphore, #tpu.memory_space<semaphore_mem>>) src(%arg8 : memref<128x128xf32, #tpu.memory_space<vmem>>) dst(%dma_wait3A_109 : memref<10240x128xf32, #tpu.memory_space<vmem_shared>>)
        tpu.yield
      }) : () -> ()
      %add3A_71 = arith.constant 2 : i32
      %add3A_72 = arith.addi %mul3A_47, %add3A_71 : i32
      %lt3A = arith.constant 158 : i32
      %lt3A_73 = arith.cmpi slt, %add3A_72, %lt3A : i32
      %convert_element_type3A = arith.extui %lt3A_73 : i1 to i32
      %cond3A = arith.constant 0 : i32
      %cond3A_74 = arith.cmpi ne, %convert_element_type3A, %cond3A : i32
      scf.if %cond3A_74 {
        %add3A_97 = arith.constant 2 : i32
        %add3A_98 = arith.addi %mul3A_47, %add3A_97 : i32
        %dma_start3A_99 = arith.constant 0 : i32
        %dma_start3A_100 = arith.constant 0 : i32
        %dma_start3A_101 = tpu.memref_slice %arg3[%arg0, %arg1, %add3A_98, %dma_start3A_99, %dma_start3A_100] : memref<2x16x158x2x128xi32, #tpu.memory_space<hbm>> -> memref<1x1x1x2x128xi32, #tpu.memory_space<hbm>>
        %dma_start3A_102 = tpu.memref_squeeze %dma_start3A_101 : memref<1x1x1x2x128xi32, #tpu.memory_space<hbm>> -> memref<2x128xi32, #tpu.memory_space<hbm>>
        %dma_start3A_103 = arith.constant 0 : i32
        %dma_start3A_104 = arith.constant 0 : i32
        %dma_start3A_105 = tpu.memref_slice %arg3[%arg0, %arg1, %add3A_98, %dma_start3A_103, %dma_start3A_104] : memref<2x16x158x2x128xi32, #tpu.memory_space<hbm>> -> memref<1x1x1x2x128xi32, #tpu.memory_space<hbm>>
        %dma_start3A_106 = tpu.memref_squeeze %dma_start3A_105 : memref<1x1x1x2x128xi32, #tpu.memory_space<hbm>> -> memref<2x128xi32, #tpu.memory_space<hbm>>
        tpu.enqueue_dma source(%dma_start3A_106 : memref<2x128xi32, #tpu.memory_space<hbm>>) target(%arg6 : memref<2x128xi32, #tpu.memory_space<vmem>>) target_semaphore(%arg11 : memref<!tpu.dma_semaphore, #tpu.memory_space<semaphore_mem>>)
      } else {
      }
      %dma_wait3A_75 = arith.constant 0 : i32
      %dma_wait3A_76 = arith.constant 0 : i32
      %dma_wait3A_77 = tpu.memref_slice %arg7[%dma_wait3A_75, %dma_wait3A_76] : memref<2x128xi32, #tpu.memory_space<vmem>> -> memref<1x128xi32, #tpu.memory_space<vmem>>
      %dma_wait3A_78 = tpu.memref_squeeze %dma_wait3A_77 : memref<1x128xi32, #tpu.memory_space<vmem>> -> memref<128xi32, #tpu.memory_space<vmem>>
      %dma_wait3A_79 = arith.constant 0 : i32
      %dma_wait3A_80 = arith.constant 0 : i32
      %dma_wait3A_81 = tpu.memref_slice %arg2[%dma_wait3A_79, %dma_wait3A_80] : memref<20480x128xf32, #tpu.memory_space<hbm>> -> memref<20480x128xf32, #tpu.memory_space<hbm>>
      tpu.wait_indirect_dma semaphore(%arg14 : memref<!tpu.dma_semaphore, #tpu.memory_space<semaphore_mem>>) src(%dma_wait3A_81 : memref<20480x128xf32, #tpu.memory_space<hbm>>) dst(%arg9 : memref<128x128xf32, #tpu.memory_space<vmem>>)
      %add3A_82 = arith.constant 2 : i32
      %add3A_83 = arith.addi %mul3A_47, %add3A_82 : i32
      %lt3A_84 = arith.constant 158 : i32
      %lt3A_85 = arith.cmpi slt, %add3A_83, %lt3A_84 : i32
      %convert_element_type3A_86 = arith.extui %lt3A_85 : i1 to i32
      %cond3A_87 = arith.constant 0 : i32
      %cond3A_88 = arith.cmpi ne, %convert_element_type3A_86, %cond3A_87 : i32
      scf.if %cond3A_88 {
        %add3A_97 = arith.constant 2 : i32
        %add3A_98 = arith.addi %mul3A_47, %add3A_97 : i32
        %dma_wait3A_99 = arith.constant 0 : i32
        %dma_wait3A_100 = arith.constant 0 : i32
        %dma_wait3A_101 = tpu.memref_slice %arg3[%arg0, %arg1, %add3A_98, %dma_wait3A_99, %dma_wait3A_100] : memref<2x16x158x2x128xi32, #tpu.memory_space<hbm>> -> memref<1x1x1x2x128xi32, #tpu.memory_space<hbm>>
        %dma_wait3A_102 = tpu.memref_squeeze %dma_wait3A_101 : memref<1x1x1x2x128xi32, #tpu.memory_space<hbm>> -> memref<2x128xi32, #tpu.memory_space<hbm>>
        %dma_wait3A_103 = arith.constant 0 : i32
        %dma_wait3A_104 = arith.constant 0 : i32
        %dma_wait3A_105 = tpu.memref_slice %arg3[%arg0, %arg1, %add3A_98, %dma_wait3A_103, %dma_wait3A_104] : memref<2x16x158x2x128xi32, #tpu.memory_space<hbm>> -> memref<1x1x1x2x128xi32, #tpu.memory_space<hbm>>
        %dma_wait3A_106 = tpu.memref_squeeze %dma_wait3A_105 : memref<1x1x1x2x128xi32, #tpu.memory_space<hbm>> -> memref<2x128xi32, #tpu.memory_space<hbm>>
        tpu.wait_dma2 semaphore(%arg11 : memref<!tpu.dma_semaphore, #tpu.memory_space<semaphore_mem>>) src(%dma_wait3A_106 : memref<2x128xi32, #tpu.memory_space<hbm>>) dst(%arg6 : memref<2x128xi32, #tpu.memory_space<vmem>>)
        %dma_start3A_107 = arith.constant 0 : i32
        %dma_start3A_108 = arith.constant 0 : i32
        %dma_start3A_109 = tpu.memref_slice %arg6[%dma_start3A_107, %dma_start3A_108] : memref<2x128xi32, #tpu.memory_space<vmem>> -> memref<1x128xi32, #tpu.memory_space<vmem>>
        %dma_start3A_110 = tpu.memref_squeeze %dma_start3A_109 : memref<1x128xi32, #tpu.memory_space<vmem>> -> memref<128xi32, #tpu.memory_space<vmem>>
        %dma_start3A_111 = arith.constant 0 : i32
        %dma_start3A_112 = arith.constant 0 : i32
        %dma_start3A_113 = tpu.memref_slice %arg2[%dma_start3A_111, %dma_start3A_112] : memref<20480x128xf32, #tpu.memory_space<hbm>> -> memref<20480x128xf32, #tpu.memory_space<hbm>>
        tpu.enqueue_indirect_dma source(%dma_start3A_113 : memref<20480x128xf32, #tpu.memory_space<hbm>>) target(%arg8 : memref<128x128xf32, #tpu.memory_space<vmem>>) offsets(%dma_start3A_110 : memref<128xi32, #tpu.memory_space<vmem>>) semaphore(%arg13 : memref<!tpu.dma_semaphore, #tpu.memory_space<semaphore_mem>>)
      } else {
      }
      %run_scoped3A_89 = arith.constant 1 : i32
      "tpu.region"() ({
        %run_scoped3A_97 = tpu.sem_alloc : memref<!tpu.dma_semaphore, #tpu.memory_space<semaphore_mem>>
        %dma_start3A_98 = arith.constant 0 : i32
        %dma_start3A_99 = tpu.memref_slice %arg7[%run_scoped3A_89, %dma_start3A_98] : memref<2x128xi32, #tpu.memory_space<vmem>> -> memref<1x128xi32, #tpu.memory_space<vmem>>
        %dma_start3A_100 = tpu.memref_squeeze %dma_start3A_99 : memref<1x128xi32, #tpu.memory_space<vmem>> -> memref<128xi32, #tpu.memory_space<vmem>>
        %dma_start3A_101 = arith.constant 0 : i32
        %dma_start3A_102 = arith.constant 0 : i32
        %dma_start3A_103 = tpu.memref_slice %arg10[%dma_start3A_101, %dma_start3A_102] : memref<10240x128xf32, #tpu.memory_space<vmem_shared>> -> memref<10240x128xf32, #tpu.memory_space<vmem_shared>>
        tpu.enqueue_indirect_dma source(%arg9 : memref<128x128xf32, #tpu.memory_space<vmem>>) target(%dma_start3A_103 : memref<10240x128xf32, #tpu.memory_space<vmem_shared>>) offsets(%dma_start3A_100 : memref<128xi32, #tpu.memory_space<vmem>>) semaphore(%run_scoped3A_97 : memref<!tpu.dma_semaphore, #tpu.memory_space<semaphore_mem>>) {add = true}
        %dma_wait3A_104 = arith.constant 0 : i32
        %dma_wait3A_105 = tpu.memref_slice %arg7[%run_scoped3A_89, %dma_wait3A_104] : memref<2x128xi32, #tpu.memory_space<vmem>> -> memref<1x128xi32, #tpu.memory_space<vmem>>
        %dma_wait3A_106 = tpu.memref_squeeze %dma_wait3A_105 : memref<1x128xi32, #tpu.memory_space<vmem>> -> memref<128xi32, #tpu.memory_space<vmem>>
        %dma_wait3A_107 = arith.constant 0 : i32
        %dma_wait3A_108 = arith.constant 0 : i32
        %dma_wait3A_109 = tpu.memref_slice %arg10[%dma_wait3A_107, %dma_wait3A_108] : memref<10240x128xf32, #tpu.memory_space<vmem_shared>> -> memref<10240x128xf32, #tpu.memory_space<vmem_shared>>
        tpu.wait_indirect_dma semaphore(%run_scoped3A_97 : memref<!tpu.dma_semaphore, #tpu.memory_space<semaphore_mem>>) src(%arg9 : memref<128x128xf32, #tpu.memory_space<vmem>>) dst(%dma_wait3A_109 : memref<10240x128xf32, #tpu.memory_space<vmem_shared>>)
        tpu.yield
      }) : () -> ()
      %add3A_90 = arith.constant 3 : i32
      %add3A_91 = arith.addi %mul3A_47, %add3A_90 : i32
      %lt3A_92 = arith.constant 158 : i32
      %lt3A_93 = arith.cmpi slt, %add3A_91, %lt3A_92 : i32
      %convert_element_type3A_94 = arith.extui %lt3A_93 : i1 to i32
      %cond3A_95 = arith.constant 0 : i32
      %cond3A_96 = arith.cmpi ne, %convert_element_type3A_94, %cond3A_95 : i32
      scf.if %cond3A_96 {
        %add3A_97 = arith.constant 3 : i32
        %add3A_98 = arith.addi %mul3A_47, %add3A_97 : i32
        %dma_start3A_99 = arith.constant 0 : i32
        %dma_start3A_100 = arith.constant 0 : i32
        %dma_start3A_101 = tpu.memref_slice %arg3[%arg0, %arg1, %add3A_98, %dma_start3A_99, %dma_start3A_100] : memref<2x16x158x2x128xi32, #tpu.memory_space<hbm>> -> memref<1x1x1x2x128xi32, #tpu.memory_space<hbm>>
        %dma_start3A_102 = tpu.memref_squeeze %dma_start3A_101 : memref<1x1x1x2x128xi32, #tpu.memory_space<hbm>> -> memref<2x128xi32, #tpu.memory_space<hbm>>
        %dma_start3A_103 = arith.constant 0 : i32
        %dma_start3A_104 = arith.constant 0 : i32
        %dma_start3A_105 = tpu.memref_slice %arg3[%arg0, %arg1, %add3A_98, %dma_start3A_103, %dma_start3A_104] : memref<2x16x158x2x128xi32, #tpu.memory_space<hbm>> -> memref<1x1x1x2x128xi32, #tpu.memory_space<hbm>>
        %dma_start3A_106 = tpu.memref_squeeze %dma_start3A_105 : memref<1x1x1x2x128xi32, #tpu.memory_space<hbm>> -> memref<2x128xi32, #tpu.memory_space<hbm>>
        tpu.enqueue_dma source(%dma_start3A_106 : memref<2x128xi32, #tpu.memory_space<hbm>>) target(%arg7 : memref<2x128xi32, #tpu.memory_space<vmem>>) target_semaphore(%arg12 : memref<!tpu.dma_semaphore, #tpu.memory_space<semaphore_mem>>)
      } else {
      }
    }
    %scan3A_39 = arith.constant 79 : i32
    %barrier3A_40 = arith.constant 0 : index
    tpu.barrier barrier_id(%barrier3A_40)
    %mul3A_41 = arith.constant 640 : i32
    %mul3A_42 = arith.muli %arg1, %mul3A_41 : i32
    %mul3A_43 = arith.constant 640 : i32
    %mul3A_44 = arith.muli %arg1, %mul3A_43 : i32
    "tpu.region"() ({
      %run_scoped3A = tpu.sem_alloc : memref<!tpu.dma_semaphore, #tpu.memory_space<semaphore_mem>>
      %dma_start3A_45 = arith.constant 0 : i32
      %dma_start3A_46 = tpu.memref_slice %arg5[%arg0, %mul3A_44, %dma_start3A_45] : memref<2x10240x128xf32, #tpu.memory_space<hbm>> -> memref<1x640x128xf32, #tpu.memory_space<hbm>>
      %dma_start3A_47 = tpu.memref_squeeze %dma_start3A_46 : memref<1x640x128xf32, #tpu.memory_space<hbm>> -> memref<640x128xf32, #tpu.memory_space<hbm>>
      %dma_start3A_48 = arith.constant 0 : i32
      %dma_start3A_49 = tpu.memref_slice %arg10[%mul3A_42, %dma_start3A_48] : memref<10240x128xf32, #tpu.memory_space<vmem_shared>> -> memref<640x128xf32, #tpu.memory_space<vmem_shared>>
      tpu.enqueue_dma source(%dma_start3A_49 : memref<640x128xf32, #tpu.memory_space<vmem_shared>>) target(%dma_start3A_47 : memref<640x128xf32, #tpu.memory_space<hbm>>) target_semaphore(%run_scoped3A : memref<!tpu.dma_semaphore, #tpu.memory_space<semaphore_mem>>)
      %dma_wait3A_50 = arith.constant 0 : i32
      %dma_wait3A_51 = tpu.memref_slice %arg5[%arg0, %mul3A_44, %dma_wait3A_50] : memref<2x10240x128xf32, #tpu.memory_space<hbm>> -> memref<1x640x128xf32, #tpu.memory_space<hbm>>
      %dma_wait3A_52 = tpu.memref_squeeze %dma_wait3A_51 : memref<1x640x128xf32, #tpu.memory_space<hbm>> -> memref<640x128xf32, #tpu.memory_space<hbm>>
      %dma_wait3A_53 = arith.constant 0 : i32
      %dma_wait3A_54 = tpu.memref_slice %arg10[%mul3A_42, %dma_wait3A_53] : memref<10240x128xf32, #tpu.memory_space<vmem_shared>> -> memref<640x128xf32, #tpu.memory_space<vmem_shared>>
      tpu.wait_dma2 semaphore(%run_scoped3A : memref<!tpu.dma_semaphore, #tpu.memory_space<semaphore_mem>>) src(%dma_wait3A_54 : memref<640x128xf32, #tpu.memory_space<vmem_shared>>) dst(%dma_wait3A_52 : memref<640x128xf32, #tpu.memory_space<hbm>>)
      tpu.yield
    }) : () -> ()
    return
  }
}

#map = affine_map<(d0, d1) -> (0, 0)>
#map1 = affine_map<(d0, d1) -> (0, 0, 0, 0, 0)>
#map2 = affine_map<(d0, d1) -> (0, 0, 0)>
module attributes {stable_mosaic.version = 14 : i64} {
  func.func @_sc_conv(%arg0: i32, %arg1: i32, %arg2: memref<20480x128xf32, #tpu.memory_space<hbm>>, %arg3: memref<2x16x158x2x128xi32, #tpu.memory_space<hbm>>, %arg4: memref<10240x128xf32, #tpu.memory_space<hbm>>, %arg5: memref<2x10240x128xf32, #tpu.memory_space<hbm>>, %arg6: memref<2x128xi32, #tpu.memory_space<vmem>>, %arg7: memref<2x128xi32, #tpu.memory_space<vmem>>, %arg8: memref<128x128xf32, #tpu.memory_space<vmem>>, %arg9: memref<128x128xf32, #tpu.memory_space<vmem>>, %arg10: memref<10240x128xf32, #tpu.memory_space<vmem_shared>>, %arg11: memref<!tpu.dma_semaphore, #tpu.memory_space<semaphore_mem>>, %arg12: memref<!tpu.dma_semaphore, #tpu.memory_space<semaphore_mem>>, %arg13: memref<!tpu.dma_semaphore, #tpu.memory_space<semaphore_mem>>, %arg14: memref<!tpu.dma_semaphore, #tpu.memory_space<semaphore_mem>>) attributes {dimension_semantics = [#tpu.dimension_semantics<core_parallel>, #tpu.dimension_semantics<subcore_parallel>], iteration_bounds = array<i64: 2, 16>, scalar_prefetch = 0 : i64, scratch_operands = 9 : i64, tpu.core_type = #tpu.core_type<sc_vector_subcore>, window_params = [{transform_indices = #map}, {transform_indices = #map1}, {transform_indices = #map}, {transform_indices = #map2}]} {
    %dma_start3A = arith.constant 0 : i32
    %dma_start3A_0 = arith.constant 0 : i32
    %dma_start3A_1 = arith.constant 0 : i32
    %dma_start3A_2 = tpu.memref_slice %arg3[%arg0, %arg1, %dma_start3A, %dma_start3A_0, %dma_start3A_1] : memref<2x16x158x2x128xi32, #tpu.memory_space<hbm>> -> memref<1x1x1x2x128xi32, #tpu.memory_space<hbm>>
    %dma_start3A_3 = tpu.memref_squeeze %dma_start3A_2 : memref<1x1x1x2x128xi32, #tpu.memory_space<hbm>> -> memref<2x128xi32, #tpu.memory_space<hbm>>
    %dma_start3A_4 = arith.constant 0 : i32
    %dma_start3A_5 = arith.constant 0 : i32
    %dma_start3A_6 = tpu.memref_slice %arg3[%arg0, %arg1, %dma_start3A, %dma_start3A_4, %dma_start3A_5] : memref<2x16x158x2x128xi32, #tpu.memory_space<hbm>> -> memref<1x1x1x2x128xi32, #tpu.memory_space<hbm>>
    %dma_start3A_7 = tpu.memref_squeeze %dma_start3A_6 : memref<1x1x1x2x128xi32, #tpu.memory_space<hbm>> -> memref<2x128xi32, #tpu.memory_space<hbm>>
    tpu.enqueue_dma source(%dma_start3A_7 : memref<2x128xi32, #tpu.memory_space<hbm>>) target(%arg6 : memref<2x128xi32, #tpu.memory_space<vmem>>) target_semaphore(%arg11 : memref<!tpu.dma_semaphore, #tpu.memory_space<semaphore_mem>>)
    %dma_start3A_8 = arith.constant 1 : i32
    %dma_start3A_9 = arith.constant 0 : i32
    %dma_start3A_10 = arith.constant 0 : i32
    %dma_start3A_11 = tpu.memref_slice %arg3[%arg0, %arg1, %dma_start3A_8, %dma_start3A_9, %dma_start3A_10] : memref<2x16x158x2x128xi32, #tpu.memory_space<hbm>> -> memref<1x1x1x2x128xi32, #tpu.memory_space<hbm>>
    %dma_start3A_12 = tpu.memref_squeeze %dma_start3A_11 : memref<1x1x1x2x128xi32, #tpu.memory_space<hbm>> -> memref<2x128xi32, #tpu.memory_space<hbm>>
    %dma_start3A_13 = arith.constant 0 : i32
    %dma_start3A_14 = arith.constant 0 : i32
    %dma_start3A_15 = tpu.memref_slice %arg3[%arg0, %arg1, %dma_start3A_8, %dma_start3A_13, %dma_start3A_14] : memref<2x16x158x2x128xi32, #tpu.memory_space<hbm>> -> memref<1x1x1x2x128xi32, #tpu.memory_space<hbm>>
    %dma_start3A_16 = tpu.memref_squeeze %dma_start3A_15 : memref<1x1x1x2x128xi32, #tpu.memory_space<hbm>> -> memref<2x128xi32, #tpu.memory_space<hbm>>
    tpu.enqueue_dma source(%dma_start3A_16 : memref<2x128xi32, #tpu.memory_space<hbm>>) target(%arg7 : memref<2x128xi32, #tpu.memory_space<vmem>>) target_semaphore(%arg12 : memref<!tpu.dma_semaphore, #tpu.memory_space<semaphore_mem>>)
    %mul3A = arith.constant 640 : i32
    %mul3A_17 = arith.muli %arg1, %mul3A : i32
    %mul3A_18 = arith.constant 640 : i32
    %mul3A_19 = arith.muli %arg1, %mul3A_18 : i32
    "tpu.region"() ({
      %run_scoped3A = tpu.sem_alloc : memref<!tpu.dma_semaphore, #tpu.memory_space<semaphore_mem>>
      %dma_start3A_45 = arith.constant 0 : i32
      %dma_start3A_46 = tpu.memref_slice %arg10[%mul3A_19, %dma_start3A_45] : memref<10240x128xf32, #tpu.memory_space<vmem_shared>> -> memref<640x128xf32, #tpu.memory_space<vmem_shared>>
      %dma_start3A_47 = arith.constant 0 : i32
      %dma_start3A_48 = tpu.memref_slice %arg4[%mul3A_17, %dma_start3A_47] : memref<10240x128xf32, #tpu.memory_space<hbm>> -> memref<640x128xf32, #tpu.memory_space<hbm>>
      tpu.enqueue_dma source(%dma_start3A_48 : memref<640x128xf32, #tpu.memory_space<hbm>>) target(%dma_start3A_46 : memref<640x128xf32, #tpu.memory_space<vmem_shared>>) target_semaphore(%run_scoped3A : memref<!tpu.dma_semaphore, #tpu.memory_space<semaphore_mem>>)
      %dma_wait3A_49 = arith.constant 0 : i32
      %dma_wait3A_50 = tpu.memref_slice %arg10[%mul3A_19, %dma_wait3A_49] : memref<10240x128xf32, #tpu.memory_space<vmem_shared>> -> memref<640x128xf32, #tpu.memory_space<vmem_shared>>
      %dma_wait3A_51 = arith.constant 0 : i32
      %dma_wait3A_52 = tpu.memref_slice %arg4[%mul3A_17, %dma_wait3A_51] : memref<10240x128xf32, #tpu.memory_space<hbm>> -> memref<640x128xf32, #tpu.memory_space<hbm>>
      tpu.wait_dma2 semaphore(%run_scoped3A : memref<!tpu.dma_semaphore, #tpu.memory_space<semaphore_mem>>) src(%dma_wait3A_52 : memref<640x128xf32, #tpu.memory_space<hbm>>) dst(%dma_wait3A_50 : memref<640x128xf32, #tpu.memory_space<vmem_shared>>)
      tpu.yield
    }) : () -> ()
    %barrier3A = arith.constant 0 : index
    tpu.barrier barrier_id(%barrier3A)
    %dma_wait3A = arith.constant 0 : i32
    %dma_wait3A_20 = arith.constant 0 : i32
    %dma_wait3A_21 = arith.constant 0 : i32
    %dma_wait3A_22 = tpu.memref_slice %arg3[%arg0, %arg1, %dma_wait3A, %dma_wait3A_20, %dma_wait3A_21] : memref<2x16x158x2x128xi32, #tpu.memory_space<hbm>> -> memref<1x1x1x2x128xi32, #tpu.memory_space<hbm>>
    %dma_wait3A_23 = tpu.memref_squeeze %dma_wait3A_22 : memref<1x1x1x2x128xi32, #tpu.memory_space<hbm>> -> memref<2x128xi32, #tpu.memory_space<hbm>>
    %dma_wait3A_24 = arith.constant 0 : i32
    %dma_wait3A_25 = arith.constant 0 : i32
    %dma_wait3A_26 = tpu.memref_slice %arg3[%arg0, %arg1, %dma_wait3A, %dma_wait3A_24, %dma_wait3A_25] : memref<2x16x158x2x128xi32, #tpu.memory_space<hbm>> -> memref<1x1x1x2x128xi32, #tpu.memory_space<hbm>>
    %dma_wait3A_27 = tpu.memref_squeeze %dma_wait3A_26 : memref<1x1x1x2x128xi32, #tpu.memory_space<hbm>> -> memref<2x128xi32, #tpu.memory_space<hbm>>
    tpu.wait_dma2 semaphore(%arg11 : memref<!tpu.dma_semaphore, #tpu.memory_space<semaphore_mem>>) src(%dma_wait3A_27 : memref<2x128xi32, #tpu.memory_space<hbm>>) dst(%arg6 : memref<2x128xi32, #tpu.memory_space<vmem>>)
    %dma_start3A_28 = arith.constant 0 : i32
    %dma_start3A_29 = arith.constant 0 : i32
    %dma_start3A_30 = tpu.memref_slice %arg6[%dma_start3A_28, %dma_start3A_29] : memref<2x128xi32, #tpu.memory_space<vmem>> -> memref<1x128xi32, #tpu.memory_space<vmem>>
    %dma_start3A_31 = tpu.memref_squeeze %dma_start3A_30 : memref<1x128xi32, #tpu.memory_space<vmem>> -> memref<128xi32, #tpu.memory_space<vmem>>
    %dma_start3A_32 = arith.constant 0 : i32
    %dma_start3A_33 = arith.constant 0 : i32
    %dma_start3A_34 = tpu.memref_slice %arg2[%dma_start3A_32, %dma_start3A_33] : memref<20480x128xf32, #tpu.memory_space<hbm>> -> memref<20480x128xf32, #tpu.memory_space<hbm>>
    tpu.enqueue_indirect_dma source(%dma_start3A_34 : memref<20480x128xf32, #tpu.memory_space<hbm>>) target(%arg8 : memref<128x128xf32, #tpu.memory_space<vmem>>) offsets(%dma_start3A_31 : memref<128xi32, #tpu.memory_space<vmem>>) semaphore(%arg13 : memref<!tpu.dma_semaphore, #tpu.memory_space<semaphore_mem>>)
    %scan3A = arith.constant 0 : i32
    %scan3A_35 = arith.constant 0 : i32
    %scan3A_36 = arith.constant 79 : i32
    %scan3A_37 = arith.addi %scan3A_35, %scan3A_36 : i32
    %scan3A_38 = arith.constant 1 : i32
    scf.for %scan3A_45 = %scan3A_35 to %scan3A_37 step %scan3A_38  : i32 {
      %mul3A_46 = arith.constant 2 : i32
      %mul3A_47 = arith.muli %mul3A_46, %scan3A_45 : i32
      %dma_wait3A_48 = arith.constant 0 : i32
      %dma_wait3A_49 = arith.constant 0 : i32
      %dma_wait3A_50 = tpu.memref_slice %arg6[%dma_wait3A_48, %dma_wait3A_49] : memref<2x128xi32, #tpu.memory_space<vmem>> -> memref<1x128xi32, #tpu.memory_space<vmem>>
      %dma_wait3A_51 = tpu.memref_squeeze %dma_wait3A_50 : memref<1x128xi32, #tpu.memory_space<vmem>> -> memref<128xi32, #tpu.memory_space<vmem>>
      %dma_wait3A_52 = arith.constant 0 : i32
      %dma_wait3A_53 = arith.constant 0 : i32
      %dma_wait3A_54 = tpu.memref_slice %arg2[%dma_wait3A_52, %dma_wait3A_53] : memref<20480x128xf32, #tpu.memory_space<hbm>> -> memref<20480x128xf32, #tpu.memory_space<hbm>>
      tpu.wait_indirect_dma semaphore(%arg13 : memref<!tpu.dma_semaphore, #tpu.memory_space<semaphore_mem>>) src(%dma_wait3A_54 : memref<20480x128xf32, #tpu.memory_space<hbm>>) dst(%arg8 : memref<128x128xf32, #tpu.memory_space<vmem>>)
      %add3A = arith.constant 1 : i32
      %add3A_55 = arith.addi %mul3A_47, %add3A : i32
      %dma_wait3A_56 = arith.constant 0 : i32
      %dma_wait3A_57 = arith.constant 0 : i32
      %dma_wait3A_58 = tpu.memref_slice %arg3[%arg0, %arg1, %add3A_55, %dma_wait3A_56, %dma_wait3A_57] : memref<2x16x158x2x128xi32, #tpu.memory_space<hbm>> -> memref<1x1x1x2x128xi32, #tpu.memory_space<hbm>>
      %dma_wait3A_59 = tpu.memref_squeeze %dma_wait3A_58 : memref<1x1x1x2x128xi32, #tpu.memory_space<hbm>> -> memref<2x128xi32, #tpu.memory_space<hbm>>
      %dma_wait3A_60 = arith.constant 0 : i32
      %dma_wait3A_61 = arith.constant 0 : i32
      %dma_wait3A_62 = tpu.memref_slice %arg3[%arg0, %arg1, %add3A_55, %dma_wait3A_60, %dma_wait3A_61] : memref<2x16x158x2x128xi32, #tpu.memory_space<hbm>> -> memref<1x1x1x2x128xi32, #tpu.memory_space<hbm>>
      %dma_wait3A_63 = tpu.memref_squeeze %dma_wait3A_62 : memref<1x1x1x2x128xi32, #tpu.memory_space<hbm>> -> memref<2x128xi32, #tpu.memory_space<hbm>>
      tpu.wait_dma2 semaphore(%arg12 : memref<!tpu.dma_semaphore, #tpu.memory_space<semaphore_mem>>) src(%dma_wait3A_63 : memref<2x128xi32, #tpu.memory_space<hbm>>) dst(%arg7 : memref<2x128xi32, #tpu.memory_space<vmem>>)
      %dma_start3A_64 = arith.constant 0 : i32
      %dma_start3A_65 = arith.constant 0 : i32
      %dma_start3A_66 = tpu.memref_slice %arg7[%dma_start3A_64, %dma_start3A_65] : memref<2x128xi32, #tpu.memory_space<vmem>> -> memref<1x128xi32, #tpu.memory_space<vmem>>
      %dma_start3A_67 = tpu.memref_squeeze %dma_start3A_66 : memref<1x128xi32, #tpu.memory_space<vmem>> -> memref<128xi32, #tpu.memory_space<vmem>>
      %dma_start3A_68 = arith.constant 0 : i32
      %dma_start3A_69 = arith.constant 0 : i32
      %dma_start3A_70 = tpu.memref_slice %arg2[%dma_start3A_68, %dma_start3A_69] : memref<20480x128xf32, #tpu.memory_space<hbm>> -> memref<20480x128xf32, #tpu.memory_space<hbm>>
      tpu.enqueue_indirect_dma source(%dma_start3A_70 : memref<20480x128xf32, #tpu.memory_space<hbm>>) target(%arg9 : memref<128x128xf32, #tpu.memory_space<vmem>>) offsets(%dma_start3A_67 : memref<128xi32, #tpu.memory_space<vmem>>) semaphore(%arg14 : memref<!tpu.dma_semaphore, #tpu.memory_space<semaphore_mem>>)
      %run_scoped3A = arith.constant 1 : i32
      "tpu.region"() ({
        %run_scoped3A_97 = tpu.sem_alloc : memref<!tpu.dma_semaphore, #tpu.memory_space<semaphore_mem>>
        %dma_start3A_98 = arith.constant 0 : i32
        %dma_start3A_99 = tpu.memref_slice %arg6[%run_scoped3A, %dma_start3A_98] : memref<2x128xi32, #tpu.memory_space<vmem>> -> memref<1x128xi32, #tpu.memory_space<vmem>>
        %dma_start3A_100 = tpu.memref_squeeze %dma_start3A_99 : memref<1x128xi32, #tpu.memory_space<vmem>> -> memref<128xi32, #tpu.memory_space<vmem>>
        %dma_start3A_101 = arith.constant 0 : i32
        %dma_start3A_102 = arith.constant 0 : i32
        %dma_start3A_103 = tpu.memref_slice %arg10[%dma_start3A_101, %dma_start3A_102] : memref<10240x128xf32, #tpu.memory_space<vmem_shared>> -> memref<10240x128xf32, #tpu.memory_space<vmem_shared>>
        tpu.enqueue_indirect_dma source(%arg8 : memref<128x128xf32, #tpu.memory_space<vmem>>) target(%dma_start3A_103 : memref<10240x128xf32, #tpu.memory_space<vmem_shared>>) offsets(%dma_start3A_100 : memref<128xi32, #tpu.memory_space<vmem>>) semaphore(%run_scoped3A_97 : memref<!tpu.dma_semaphore, #tpu.memory_space<semaphore_mem>>) {add = true}
        %dma_wait3A_104 = arith.constant 0 : i32
        %dma_wait3A_105 = tpu.memref_slice %arg6[%run_scoped3A, %dma_wait3A_104] : memref<2x128xi32, #tpu.memory_space<vmem>> -> memref<1x128xi32, #tpu.memory_space<vmem>>
        %dma_wait3A_106 = tpu.memref_squeeze %dma_wait3A_105 : memref<1x128xi32, #tpu.memory_space<vmem>> -> memref<128xi32, #tpu.memory_space<vmem>>
        %dma_wait3A_107 = arith.constant 0 : i32
        %dma_wait3A_108 = arith.constant 0 : i32
        %dma_wait3A_109 = tpu.memref_slice %arg10[%dma_wait3A_107, %dma_wait3A_108] : memref<10240x128xf32, #tpu.memory_space<vmem_shared>> -> memref<10240x128xf32, #tpu.memory_space<vmem_shared>>
        tpu.wait_indirect_dma semaphore(%run_scoped3A_97 : memref<!tpu.dma_semaphore, #tpu.memory_space<semaphore_mem>>) src(%arg8 : memref<128x128xf32, #tpu.memory_space<vmem>>) dst(%dma_wait3A_109 : memref<10240x128xf32, #tpu.memory_space<vmem_shared>>)
        tpu.yield
      }) : () -> ()
      %add3A_71 = arith.constant 2 : i32
      %add3A_72 = arith.addi %mul3A_47, %add3A_71 : i32
      %lt3A = arith.constant 158 : i32
      %lt3A_73 = arith.cmpi slt, %add3A_72, %lt3A : i32
      %convert_element_type3A = arith.extui %lt3A_73 : i1 to i32
      %cond3A = arith.constant 0 : i32
      %cond3A_74 = arith.cmpi ne, %convert_element_type3A, %cond3A : i32
      scf.if %cond3A_74 {
        %add3A_97 = arith.constant 2 : i32
        %add3A_98 = arith.addi %mul3A_47, %add3A_97 : i32
        %dma_start3A_99 = arith.constant 0 : i32
        %dma_start3A_100 = arith.constant 0 : i32
        %dma_start3A_101 = tpu.memref_slice %arg3[%arg0, %arg1, %add3A_98, %dma_start3A_99, %dma_start3A_100] : memref<2x16x158x2x128xi32, #tpu.memory_space<hbm>> -> memref<1x1x1x2x128xi32, #tpu.memory_space<hbm>>
        %dma_start3A_102 = tpu.memref_squeeze %dma_start3A_101 : memref<1x1x1x2x128xi32, #tpu.memory_space<hbm>> -> memref<2x128xi32, #tpu.memory_space<hbm>>
        %dma_start3A_103 = arith.constant 0 : i32
        %dma_start3A_104 = arith.constant 0 : i32
        %dma_start3A_105 = tpu.memref_slice %arg3[%arg0, %arg1, %add3A_98, %dma_start3A_103, %dma_start3A_104] : memref<2x16x158x2x128xi32, #tpu.memory_space<hbm>> -> memref<1x1x1x2x128xi32, #tpu.memory_space<hbm>>
        %dma_start3A_106 = tpu.memref_squeeze %dma_start3A_105 : memref<1x1x1x2x128xi32, #tpu.memory_space<hbm>> -> memref<2x128xi32, #tpu.memory_space<hbm>>
        tpu.enqueue_dma source(%dma_start3A_106 : memref<2x128xi32, #tpu.memory_space<hbm>>) target(%arg6 : memref<2x128xi32, #tpu.memory_space<vmem>>) target_semaphore(%arg11 : memref<!tpu.dma_semaphore, #tpu.memory_space<semaphore_mem>>)
      } else {
      }
      %dma_wait3A_75 = arith.constant 0 : i32
      %dma_wait3A_76 = arith.constant 0 : i32
      %dma_wait3A_77 = tpu.memref_slice %arg7[%dma_wait3A_75, %dma_wait3A_76] : memref<2x128xi32, #tpu.memory_space<vmem>> -> memref<1x128xi32, #tpu.memory_space<vmem>>
      %dma_wait3A_78 = tpu.memref_squeeze %dma_wait3A_77 : memref<1x128xi32, #tpu.memory_space<vmem>> -> memref<128xi32, #tpu.memory_space<vmem>>
      %dma_wait3A_79 = arith.constant 0 : i32
      %dma_wait3A_80 = arith.constant 0 : i32
      %dma_wait3A_81 = tpu.memref_slice %arg2[%dma_wait3A_79, %dma_wait3A_80] : memref<20480x128xf32, #tpu.memory_space<hbm>> -> memref<20480x128xf32, #tpu.memory_space<hbm>>
      tpu.wait_indirect_dma semaphore(%arg14 : memref<!tpu.dma_semaphore, #tpu.memory_space<semaphore_mem>>) src(%dma_wait3A_81 : memref<20480x128xf32, #tpu.memory_space<hbm>>) dst(%arg9 : memref<128x128xf32, #tpu.memory_space<vmem>>)
      %add3A_82 = arith.constant 2 : i32
      %add3A_83 = arith.addi %mul3A_47, %add3A_82 : i32
      %lt3A_84 = arith.constant 158 : i32
      %lt3A_85 = arith.cmpi slt, %add3A_83, %lt3A_84 : i32
      %convert_element_type3A_86 = arith.extui %lt3A_85 : i1 to i32
      %cond3A_87 = arith.constant 0 : i32
      %cond3A_88 = arith.cmpi ne, %convert_element_type3A_86, %cond3A_87 : i32
      scf.if %cond3A_88 {
        %add3A_97 = arith.constant 2 : i32
        %add3A_98 = arith.addi %mul3A_47, %add3A_97 : i32
        %dma_wait3A_99 = arith.constant 0 : i32
        %dma_wait3A_100 = arith.constant 0 : i32
        %dma_wait3A_101 = tpu.memref_slice %arg3[%arg0, %arg1, %add3A_98, %dma_wait3A_99, %dma_wait3A_100] : memref<2x16x158x2x128xi32, #tpu.memory_space<hbm>> -> memref<1x1x1x2x128xi32, #tpu.memory_space<hbm>>
        %dma_wait3A_102 = tpu.memref_squeeze %dma_wait3A_101 : memref<1x1x1x2x128xi32, #tpu.memory_space<hbm>> -> memref<2x128xi32, #tpu.memory_space<hbm>>
        %dma_wait3A_103 = arith.constant 0 : i32
        %dma_wait3A_104 = arith.constant 0 : i32
        %dma_wait3A_105 = tpu.memref_slice %arg3[%arg0, %arg1, %add3A_98, %dma_wait3A_103, %dma_wait3A_104] : memref<2x16x158x2x128xi32, #tpu.memory_space<hbm>> -> memref<1x1x1x2x128xi32, #tpu.memory_space<hbm>>
        %dma_wait3A_106 = tpu.memref_squeeze %dma_wait3A_105 : memref<1x1x1x2x128xi32, #tpu.memory_space<hbm>> -> memref<2x128xi32, #tpu.memory_space<hbm>>
        tpu.wait_dma2 semaphore(%arg11 : memref<!tpu.dma_semaphore, #tpu.memory_space<semaphore_mem>>) src(%dma_wait3A_106 : memref<2x128xi32, #tpu.memory_space<hbm>>) dst(%arg6 : memref<2x128xi32, #tpu.memory_space<vmem>>)
        %dma_start3A_107 = arith.constant 0 : i32
        %dma_start3A_108 = arith.constant 0 : i32
        %dma_start3A_109 = tpu.memref_slice %arg6[%dma_start3A_107, %dma_start3A_108] : memref<2x128xi32, #tpu.memory_space<vmem>> -> memref<1x128xi32, #tpu.memory_space<vmem>>
        %dma_start3A_110 = tpu.memref_squeeze %dma_start3A_109 : memref<1x128xi32, #tpu.memory_space<vmem>> -> memref<128xi32, #tpu.memory_space<vmem>>
        %dma_start3A_111 = arith.constant 0 : i32
        %dma_start3A_112 = arith.constant 0 : i32
        %dma_start3A_113 = tpu.memref_slice %arg2[%dma_start3A_111, %dma_start3A_112] : memref<20480x128xf32, #tpu.memory_space<hbm>> -> memref<20480x128xf32, #tpu.memory_space<hbm>>
        tpu.enqueue_indirect_dma source(%dma_start3A_113 : memref<20480x128xf32, #tpu.memory_space<hbm>>) target(%arg8 : memref<128x128xf32, #tpu.memory_space<vmem>>) offsets(%dma_start3A_110 : memref<128xi32, #tpu.memory_space<vmem>>) semaphore(%arg13 : memref<!tpu.dma_semaphore, #tpu.memory_space<semaphore_mem>>)
      } else {
      }
      %run_scoped3A_89 = arith.constant 1 : i32
      "tpu.region"() ({
        %run_scoped3A_97 = tpu.sem_alloc : memref<!tpu.dma_semaphore, #tpu.memory_space<semaphore_mem>>
        %dma_start3A_98 = arith.constant 0 : i32
        %dma_start3A_99 = tpu.memref_slice %arg7[%run_scoped3A_89, %dma_start3A_98] : memref<2x128xi32, #tpu.memory_space<vmem>> -> memref<1x128xi32, #tpu.memory_space<vmem>>
        %dma_start3A_100 = tpu.memref_squeeze %dma_start3A_99 : memref<1x128xi32, #tpu.memory_space<vmem>> -> memref<128xi32, #tpu.memory_space<vmem>>
        %dma_start3A_101 = arith.constant 0 : i32
        %dma_start3A_102 = arith.constant 0 : i32
        %dma_start3A_103 = tpu.memref_slice %arg10[%dma_start3A_101, %dma_start3A_102] : memref<10240x128xf32, #tpu.memory_space<vmem_shared>> -> memref<10240x128xf32, #tpu.memory_space<vmem_shared>>
        tpu.enqueue_indirect_dma source(%arg9 : memref<128x128xf32, #tpu.memory_space<vmem>>) target(%dma_start3A_103 : memref<10240x128xf32, #tpu.memory_space<vmem_shared>>) offsets(%dma_start3A_100 : memref<128xi32, #tpu.memory_space<vmem>>) semaphore(%run_scoped3A_97 : memref<!tpu.dma_semaphore, #tpu.memory_space<semaphore_mem>>) {add = true}
        %dma_wait3A_104 = arith.constant 0 : i32
        %dma_wait3A_105 = tpu.memref_slice %arg7[%run_scoped3A_89, %dma_wait3A_104] : memref<2x128xi32, #tpu.memory_space<vmem>> -> memref<1x128xi32, #tpu.memory_space<vmem>>
        %dma_wait3A_106 = tpu.memref_squeeze %dma_wait3A_105 : memref<1x128xi32, #tpu.memory_space<vmem>> -> memref<128xi32, #tpu.memory_space<vmem>>
        %dma_wait3A_107 = arith.constant 0 : i32
        %dma_wait3A_108 = arith.constant 0 : i32
        %dma_wait3A_109 = tpu.memref_slice %arg10[%dma_wait3A_107, %dma_wait3A_108] : memref<10240x128xf32, #tpu.memory_space<vmem_shared>> -> memref<10240x128xf32, #tpu.memory_space<vmem_shared>>
        tpu.wait_indirect_dma semaphore(%run_scoped3A_97 : memref<!tpu.dma_semaphore, #tpu.memory_space<semaphore_mem>>) src(%arg9 : memref<128x128xf32, #tpu.memory_space<vmem>>) dst(%dma_wait3A_109 : memref<10240x128xf32, #tpu.memory_space<vmem_shared>>)
        tpu.yield
      }) : () -> ()
      %add3A_90 = arith.constant 3 : i32
      %add3A_91 = arith.addi %mul3A_47, %add3A_90 : i32
      %lt3A_92 = arith.constant 158 : i32
      %lt3A_93 = arith.cmpi slt, %add3A_91, %lt3A_92 : i32
      %convert_element_type3A_94 = arith.extui %lt3A_93 : i1 to i32
      %cond3A_95 = arith.constant 0 : i32
      %cond3A_96 = arith.cmpi ne, %convert_element_type3A_94, %cond3A_95 : i32
      scf.if %cond3A_96 {
        %add3A_97 = arith.constant 3 : i32
        %add3A_98 = arith.addi %mul3A_47, %add3A_97 : i32
        %dma_start3A_99 = arith.constant 0 : i32
        %dma_start3A_100 = arith.constant 0 : i32
        %dma_start3A_101 = tpu.memref_slice %arg3[%arg0, %arg1, %add3A_98, %dma_start3A_99, %dma_start3A_100] : memref<2x16x158x2x128xi32, #tpu.memory_space<hbm>> -> memref<1x1x1x2x128xi32, #tpu.memory_space<hbm>>
        %dma_start3A_102 = tpu.memref_squeeze %dma_start3A_101 : memref<1x1x1x2x128xi32, #tpu.memory_space<hbm>> -> memref<2x128xi32, #tpu.memory_space<hbm>>
        %dma_start3A_103 = arith.constant 0 : i32
        %dma_start3A_104 = arith.constant 0 : i32
        %dma_start3A_105 = tpu.memref_slice %arg3[%arg0, %arg1, %add3A_98, %dma_start3A_103, %dma_start3A_104] : memref<2x16x158x2x128xi32, #tpu.memory_space<hbm>> -> memref<1x1x1x2x128xi32, #tpu.memory_space<hbm>>
        %dma_start3A_106 = tpu.memref_squeeze %dma_start3A_105 : memref<1x1x1x2x128xi32, #tpu.memory_space<hbm>> -> memref<2x128xi32, #tpu.memory_space<hbm>>
        tpu.enqueue_dma source(%dma_start3A_106 : memref<2x128xi32, #tpu.memory_space<hbm>>) target(%arg7 : memref<2x128xi32, #tpu.memory_space<vmem>>) target_semaphore(%arg12 : memref<!tpu.dma_semaphore, #tpu.memory_space<semaphore_mem>>)
      } else {
      }
    }
    %scan3A_39 = arith.constant 79 : i32
    %barrier3A_40 = arith.constant 0 : index
    tpu.barrier barrier_id(%barrier3A_40)
    %mul3A_41 = arith.constant 640 : i32
    %mul3A_42 = arith.muli %arg1, %mul3A_41 : i32
    %mul3A_43 = arith.constant 640 : i32
    %mul3A_44 = arith.muli %arg1, %mul3A_43 : i32
    "tpu.region"() ({
      %run_scoped3A = tpu.sem_alloc : memref<!tpu.dma_semaphore, #tpu.memory_space<semaphore_mem>>
      %dma_start3A_45 = arith.constant 0 : i32
      %dma_start3A_46 = tpu.memref_slice %arg5[%arg0, %mul3A_44, %dma_start3A_45] : memref<2x10240x128xf32, #tpu.memory_space<hbm>> -> memref<1x640x128xf32, #tpu.memory_space<hbm>>
      %dma_start3A_47 = tpu.memref_squeeze %dma_start3A_46 : memref<1x640x128xf32, #tpu.memory_space<hbm>> -> memref<640x128xf32, #tpu.memory_space<hbm>>
      %dma_start3A_48 = arith.constant 0 : i32
      %dma_start3A_49 = tpu.memref_slice %arg10[%mul3A_42, %dma_start3A_48] : memref<10240x128xf32, #tpu.memory_space<vmem_shared>> -> memref<640x128xf32, #tpu.memory_space<vmem_shared>>
      tpu.enqueue_dma source(%dma_start3A_49 : memref<640x128xf32, #tpu.memory_space<vmem_shared>>) target(%dma_start3A_47 : memref<640x128xf32, #tpu.memory_space<hbm>>) target_semaphore(%run_scoped3A : memref<!tpu.dma_semaphore, #tpu.memory_space<semaphore_mem>>)
      %dma_wait3A_50 = arith.constant 0 : i32
      %dma_wait3A_51 = tpu.memref_slice %arg5[%arg0, %mul3A_44, %dma_wait3A_50] : memref<2x10240x128xf32, #tpu.memory_space<hbm>> -> memref<1x640x128xf32, #tpu.memory_space<hbm>>
      %dma_wait3A_52 = tpu.memref_squeeze %dma_wait3A_51 : memref<1x640x128xf32, #tpu.memory_space<hbm>> -> memref<640x128xf32, #tpu.memory_space<hbm>>
      %dma_wait3A_53 = arith.constant 0 : i32
      %dma_wait3A_54 = tpu.memref_slice %arg10[%mul3A_42, %dma_wait3A_53] : memref<10240x128xf32, #tpu.memory_space<vmem_shared>> -> memref<640x128xf32, #tpu.memory_space<vmem_shared>>
      tpu.wait_dma2 semaphore(%run_scoped3A : memref<!tpu.dma_semaphore, #tpu.memory_space<semaphore_mem>>) src(%dma_wait3A_54 : memref<640x128xf32, #tpu.memory_space<vmem_shared>>) dst(%dma_wait3A_52 : memref<640x128xf32, #tpu.memory_space<hbm>>)
      tpu.yield
    }) : () -> ()
    return
  }
}

#map = affine_map<(d0, d1) -> (0, 0, 0, 0)>
#map1 = affine_map<(d0, d1) -> (0, 0)>
#map2 = affine_map<(d0, d1) -> (0, 0, 0)>
module attributes {stable_mosaic.version = 14 : i64} {
  func.func @_sc_deg(%arg0: i32, %arg1: i32, %arg2: memref<2x16x158x128xi32, #tpu.memory_space<hbm>>, %arg3: memref<128x128xf32, #tpu.memory_space<hbm>>, %arg4: memref<10240x128xf32, #tpu.memory_space<hbm>>, %arg5: memref<2x10240x128xf32, #tpu.memory_space<hbm>>, %arg6: memref<158x128xi32, #tpu.memory_space<vmem>>, %arg7: memref<128x128xf32, #tpu.memory_space<vmem>>, %arg8: memref<10240x128xf32, #tpu.memory_space<vmem_shared>>) attributes {dimension_semantics = [#tpu.dimension_semantics<core_parallel>, #tpu.dimension_semantics<subcore_parallel>], iteration_bounds = array<i64: 2, 16>, scalar_prefetch = 0 : i64, scratch_operands = 3 : i64, tpu.core_type = #tpu.core_type<sc_vector_subcore>, window_params = [{transform_indices = #map}, {transform_indices = #map1}, {transform_indices = #map1}, {transform_indices = #map2}]} {
    "tpu.region"() ({
      %run_scoped3A = tpu.sem_alloc : memref<!tpu.dma_semaphore, #tpu.memory_space<semaphore_mem>>
      %dma_start3A = arith.constant 0 : i32
      %dma_start3A_13 = arith.constant 0 : i32
      %dma_start3A_14 = tpu.memref_slice %arg2[%arg0, %arg1, %dma_start3A, %dma_start3A_13] : memref<2x16x158x128xi32, #tpu.memory_space<hbm>> -> memref<1x1x158x128xi32, #tpu.memory_space<hbm>>
      %dma_start3A_15 = tpu.memref_squeeze %dma_start3A_14 : memref<1x1x158x128xi32, #tpu.memory_space<hbm>> -> memref<158x128xi32, #tpu.memory_space<hbm>>
      %dma_start3A_16 = arith.constant 0 : i32
      %dma_start3A_17 = arith.constant 0 : i32
      %dma_start3A_18 = tpu.memref_slice %arg2[%arg0, %arg1, %dma_start3A_16, %dma_start3A_17] : memref<2x16x158x128xi32, #tpu.memory_space<hbm>> -> memref<1x1x158x128xi32, #tpu.memory_space<hbm>>
      %dma_start3A_19 = tpu.memref_squeeze %dma_start3A_18 : memref<1x1x158x128xi32, #tpu.memory_space<hbm>> -> memref<158x128xi32, #tpu.memory_space<hbm>>
      tpu.enqueue_dma source(%dma_start3A_19 : memref<158x128xi32, #tpu.memory_space<hbm>>) target(%arg6 : memref<158x128xi32, #tpu.memory_space<vmem>>) target_semaphore(%run_scoped3A : memref<!tpu.dma_semaphore, #tpu.memory_space<semaphore_mem>>)
      %dma_wait3A = arith.constant 0 : i32
      %dma_wait3A_20 = arith.constant 0 : i32
      %dma_wait3A_21 = tpu.memref_slice %arg2[%arg0, %arg1, %dma_wait3A, %dma_wait3A_20] : memref<2x16x158x128xi32, #tpu.memory_space<hbm>> -> memref<1x1x158x128xi32, #tpu.memory_space<hbm>>
      %dma_wait3A_22 = tpu.memref_squeeze %dma_wait3A_21 : memref<1x1x158x128xi32, #tpu.memory_space<hbm>> -> memref<158x128xi32, #tpu.memory_space<hbm>>
      %dma_wait3A_23 = arith.constant 0 : i32
      %dma_wait3A_24 = arith.constant 0 : i32
      %dma_wait3A_25 = tpu.memref_slice %arg2[%arg0, %arg1, %dma_wait3A_23, %dma_wait3A_24] : memref<2x16x158x128xi32, #tpu.memory_space<hbm>> -> memref<1x1x158x128xi32, #tpu.memory_space<hbm>>
      %dma_wait3A_26 = tpu.memref_squeeze %dma_wait3A_25 : memref<1x1x158x128xi32, #tpu.memory_space<hbm>> -> memref<158x128xi32, #tpu.memory_space<hbm>>
      tpu.wait_dma2 semaphore(%run_scoped3A : memref<!tpu.dma_semaphore, #tpu.memory_space<semaphore_mem>>) src(%dma_wait3A_26 : memref<158x128xi32, #tpu.memory_space<hbm>>) dst(%arg6 : memref<158x128xi32, #tpu.memory_space<vmem>>)
      tpu.yield
    }) : () -> ()
    %mul3A = arith.constant 640 : i32
    %mul3A_0 = arith.muli %arg1, %mul3A : i32
    %mul3A_1 = arith.constant 640 : i32
    %mul3A_2 = arith.muli %arg1, %mul3A_1 : i32
    "tpu.region"() ({
      %run_scoped3A = tpu.sem_alloc : memref<!tpu.dma_semaphore, #tpu.memory_space<semaphore_mem>>
      %dma_start3A = arith.constant 0 : i32
      %dma_start3A_13 = tpu.memref_slice %arg8[%mul3A_2, %dma_start3A] : memref<10240x128xf32, #tpu.memory_space<vmem_shared>> -> memref<640x128xf32, #tpu.memory_space<vmem_shared>>
      %dma_start3A_14 = arith.constant 0 : i32
      %dma_start3A_15 = tpu.memref_slice %arg4[%mul3A_0, %dma_start3A_14] : memref<10240x128xf32, #tpu.memory_space<hbm>> -> memref<640x128xf32, #tpu.memory_space<hbm>>
      tpu.enqueue_dma source(%dma_start3A_15 : memref<640x128xf32, #tpu.memory_space<hbm>>) target(%dma_start3A_13 : memref<640x128xf32, #tpu.memory_space<vmem_shared>>) target_semaphore(%run_scoped3A : memref<!tpu.dma_semaphore, #tpu.memory_space<semaphore_mem>>)
      %dma_wait3A = arith.constant 0 : i32
      %dma_wait3A_16 = tpu.memref_slice %arg8[%mul3A_2, %dma_wait3A] : memref<10240x128xf32, #tpu.memory_space<vmem_shared>> -> memref<640x128xf32, #tpu.memory_space<vmem_shared>>
      %dma_wait3A_17 = arith.constant 0 : i32
      %dma_wait3A_18 = tpu.memref_slice %arg4[%mul3A_0, %dma_wait3A_17] : memref<10240x128xf32, #tpu.memory_space<hbm>> -> memref<640x128xf32, #tpu.memory_space<hbm>>
      tpu.wait_dma2 semaphore(%run_scoped3A : memref<!tpu.dma_semaphore, #tpu.memory_space<semaphore_mem>>) src(%dma_wait3A_18 : memref<640x128xf32, #tpu.memory_space<hbm>>) dst(%dma_wait3A_16 : memref<640x128xf32, #tpu.memory_space<vmem_shared>>)
      tpu.yield
    }) : () -> ()
    "tpu.region"() ({
      %run_scoped3A = tpu.sem_alloc : memref<!tpu.dma_semaphore, #tpu.memory_space<semaphore_mem>>
      tpu.enqueue_dma source(%arg3 : memref<128x128xf32, #tpu.memory_space<hbm>>) target(%arg7 : memref<128x128xf32, #tpu.memory_space<vmem>>) target_semaphore(%run_scoped3A : memref<!tpu.dma_semaphore, #tpu.memory_space<semaphore_mem>>)
      tpu.wait_dma2 semaphore(%run_scoped3A : memref<!tpu.dma_semaphore, #tpu.memory_space<semaphore_mem>>) src(%arg3 : memref<128x128xf32, #tpu.memory_space<hbm>>) dst(%arg7 : memref<128x128xf32, #tpu.memory_space<vmem>>)
      tpu.yield
    }) : () -> ()
    %barrier3A = arith.constant 0 : index
    tpu.barrier barrier_id(%barrier3A)
    %scan3A = arith.constant 0 : i32
    %scan3A_3 = arith.constant 0 : i32
    %scan3A_4 = arith.constant 158 : i32
    %scan3A_5 = arith.addi %scan3A_3, %scan3A_4 : i32
    %scan3A_6 = arith.constant 1 : i32
    scf.for %scan3A_13 = %scan3A_3 to %scan3A_5 step %scan3A_6  : i32 {
      "tpu.region"() ({
        %run_scoped3A = tpu.sem_alloc : memref<!tpu.dma_semaphore, #tpu.memory_space<semaphore_mem>>
        %dma_start3A = arith.constant 0 : i32
        %dma_start3A_14 = tpu.memref_slice %arg6[%scan3A_13, %dma_start3A] : memref<158x128xi32, #tpu.memory_space<vmem>> -> memref<1x128xi32, #tpu.memory_space<vmem>>
        %dma_start3A_15 = tpu.memref_squeeze %dma_start3A_14 : memref<1x128xi32, #tpu.memory_space<vmem>> -> memref<128xi32, #tpu.memory_space<vmem>>
        %dma_start3A_16 = arith.constant 0 : i32
        %dma_start3A_17 = arith.constant 0 : i32
        %dma_start3A_18 = tpu.memref_slice %arg8[%dma_start3A_16, %dma_start3A_17] : memref<10240x128xf32, #tpu.memory_space<vmem_shared>> -> memref<10240x128xf32, #tpu.memory_space<vmem_shared>>
        tpu.enqueue_indirect_dma source(%arg7 : memref<128x128xf32, #tpu.memory_space<vmem>>) target(%dma_start3A_18 : memref<10240x128xf32, #tpu.memory_space<vmem_shared>>) offsets(%dma_start3A_15 : memref<128xi32, #tpu.memory_space<vmem>>) semaphore(%run_scoped3A : memref<!tpu.dma_semaphore, #tpu.memory_space<semaphore_mem>>) {add = true}
        %dma_wait3A = arith.constant 0 : i32
        %dma_wait3A_19 = tpu.memref_slice %arg6[%scan3A_13, %dma_wait3A] : memref<158x128xi32, #tpu.memory_space<vmem>> -> memref<1x128xi32, #tpu.memory_space<vmem>>
        %dma_wait3A_20 = tpu.memref_squeeze %dma_wait3A_19 : memref<1x128xi32, #tpu.memory_space<vmem>> -> memref<128xi32, #tpu.memory_space<vmem>>
        %dma_wait3A_21 = arith.constant 0 : i32
        %dma_wait3A_22 = arith.constant 0 : i32
        %dma_wait3A_23 = tpu.memref_slice %arg8[%dma_wait3A_21, %dma_wait3A_22] : memref<10240x128xf32, #tpu.memory_space<vmem_shared>> -> memref<10240x128xf32, #tpu.memory_space<vmem_shared>>
        tpu.wait_indirect_dma semaphore(%run_scoped3A : memref<!tpu.dma_semaphore, #tpu.memory_space<semaphore_mem>>) src(%arg7 : memref<128x128xf32, #tpu.memory_space<vmem>>) dst(%dma_wait3A_23 : memref<10240x128xf32, #tpu.memory_space<vmem_shared>>)
        tpu.yield
      }) : () -> ()
    }
    %scan3A_7 = arith.constant 158 : i32
    %barrier3A_8 = arith.constant 0 : index
    tpu.barrier barrier_id(%barrier3A_8)
    %mul3A_9 = arith.constant 640 : i32
    %mul3A_10 = arith.muli %arg1, %mul3A_9 : i32
    %mul3A_11 = arith.constant 640 : i32
    %mul3A_12 = arith.muli %arg1, %mul3A_11 : i32
    "tpu.region"() ({
      %run_scoped3A = tpu.sem_alloc : memref<!tpu.dma_semaphore, #tpu.memory_space<semaphore_mem>>
      %dma_start3A = arith.constant 0 : i32
      %dma_start3A_13 = tpu.memref_slice %arg5[%arg0, %mul3A_12, %dma_start3A] : memref<2x10240x128xf32, #tpu.memory_space<hbm>> -> memref<1x640x128xf32, #tpu.memory_space<hbm>>
      %dma_start3A_14 = tpu.memref_squeeze %dma_start3A_13 : memref<1x640x128xf32, #tpu.memory_space<hbm>> -> memref<640x128xf32, #tpu.memory_space<hbm>>
      %dma_start3A_15 = arith.constant 0 : i32
      %dma_start3A_16 = tpu.memref_slice %arg8[%mul3A_10, %dma_start3A_15] : memref<10240x128xf32, #tpu.memory_space<vmem_shared>> -> memref<640x128xf32, #tpu.memory_space<vmem_shared>>
      tpu.enqueue_dma source(%dma_start3A_16 : memref<640x128xf32, #tpu.memory_space<vmem_shared>>) target(%dma_start3A_14 : memref<640x128xf32, #tpu.memory_space<hbm>>) target_semaphore(%run_scoped3A : memref<!tpu.dma_semaphore, #tpu.memory_space<semaphore_mem>>)
      %dma_wait3A = arith.constant 0 : i32
      %dma_wait3A_17 = tpu.memref_slice %arg5[%arg0, %mul3A_12, %dma_wait3A] : memref<2x10240x128xf32, #tpu.memory_space<hbm>> -> memref<1x640x128xf32, #tpu.memory_space<hbm>>
      %dma_wait3A_18 = tpu.memref_squeeze %dma_wait3A_17 : memref<1x640x128xf32, #tpu.memory_space<hbm>> -> memref<640x128xf32, #tpu.memory_space<hbm>>
      %dma_wait3A_19 = arith.constant 0 : i32
      %dma_wait3A_20 = tpu.memref_slice %arg8[%mul3A_10, %dma_wait3A_19] : memref<10240x128xf32, #tpu.memory_space<vmem_shared>> -> memref<640x128xf32, #tpu.memory_space<vmem_shared>>
      tpu.wait_dma2 semaphore(%run_scoped3A : memref<!tpu.dma_semaphore, #tpu.memory_space<semaphore_mem>>) src(%dma_wait3A_20 : memref<640x128xf32, #tpu.memory_space<vmem_shared>>) dst(%dma_wait3A_18 : memref<640x128xf32, #tpu.memory_space<hbm>>)
      tpu.yield
    }) : () -> ()
    return
  }
}

#map = affine_map<(d0, d1) -> (0, 0)>
#map1 = affine_map<(d0, d1) -> (0, 0, 0, 0, 0)>
#map2 = affine_map<(d0, d1) -> (0, 0, 0)>
module attributes {stable_mosaic.version = 14 : i64} {
  func.func @_sc_conv3(%arg0: i32, %arg1: i32, %arg2: memref<20480x128xf32, #tpu.memory_space<hbm>>, %arg3: memref<2x16x158x2x128xi32, #tpu.memory_space<hbm>>, %arg4: memref<10240x128xf32, #tpu.memory_space<hbm>>, %arg5: memref<20480x128xf32, #tpu.memory_space<hbm>>, %arg6: memref<20480x128xf32, #tpu.memory_space<hbm>>, %arg7: memref<20480x128xf32, #tpu.memory_space<hbm>>, %arg8: memref<20480x128xf32, #tpu.memory_space<hbm>>, %arg9: memref<20480x128xf32, #tpu.memory_space<hbm>>, %arg10: memref<32x200xi32, #tpu.memory_space<hbm>>, %arg11: memref<32x200xi32, #tpu.memory_space<hbm>>, %arg12: memref<7x6400x128xf32, #tpu.memory_space<hbm>>, %arg13: memref<2x128xi32, #tpu.memory_space<vmem>>, %arg14: memref<2x128xi32, #tpu.memory_space<vmem>>, %arg15: memref<128x128xf32, #tpu.memory_space<vmem>>, %arg16: memref<128x128xf32, #tpu.memory_space<vmem>>, %arg17: memref<200xi32, #tpu.memory_space<vmem>>, %arg18: memref<200xi32, #tpu.memory_space<vmem>>, %arg19: memref<10240x128xf32, #tpu.memory_space<vmem_shared>>, %arg20: memref<!tpu.dma_semaphore, #tpu.memory_space<semaphore_mem>>, %arg21: memref<!tpu.dma_semaphore, #tpu.memory_space<semaphore_mem>>, %arg22: memref<!tpu.dma_semaphore, #tpu.memory_space<semaphore_mem>>, %arg23: memref<!tpu.dma_semaphore, #tpu.memory_space<semaphore_mem>>) attributes {dimension_semantics = [#tpu.dimension_semantics<core_parallel>, #tpu.dimension_semantics<subcore_parallel>], iteration_bounds = array<i64: 2, 16>, scalar_prefetch = 0 : i64, scratch_operands = 11 : i64, tpu.core_type = #tpu.core_type<sc_vector_subcore>, window_params = [{transform_indices = #map}, {transform_indices = #map1}, {transform_indices = #map}, {transform_indices = #map}, {transform_indices = #map}, {transform_indices = #map}, {transform_indices = #map}, {transform_indices = #map}, {transform_indices = #map}, {transform_indices = #map}, {transform_indices = #map2}]} {
    %dma_start3A = arith.constant 0 : i32
    %dma_start3A_0 = arith.constant 0 : i32
    %dma_start3A_1 = arith.constant 0 : i32
    %dma_start3A_2 = tpu.memref_slice %arg3[%arg0, %arg1, %dma_start3A, %dma_start3A_0, %dma_start3A_1] : memref<2x16x158x2x128xi32, #tpu.memory_space<hbm>> -> memref<1x1x1x2x128xi32, #tpu.memory_space<hbm>>
    %dma_start3A_3 = tpu.memref_squeeze %dma_start3A_2 : memref<1x1x1x2x128xi32, #tpu.memory_space<hbm>> -> memref<2x128xi32, #tpu.memory_space<hbm>>
    %dma_start3A_4 = arith.constant 0 : i32
    %dma_start3A_5 = arith.constant 0 : i32
    %dma_start3A_6 = tpu.memref_slice %arg3[%arg0, %arg1, %dma_start3A, %dma_start3A_4, %dma_start3A_5] : memref<2x16x158x2x128xi32, #tpu.memory_space<hbm>> -> memref<1x1x1x2x128xi32, #tpu.memory_space<hbm>>
    %dma_start3A_7 = tpu.memref_squeeze %dma_start3A_6 : memref<1x1x1x2x128xi32, #tpu.memory_space<hbm>> -> memref<2x128xi32, #tpu.memory_space<hbm>>
    tpu.enqueue_dma source(%dma_start3A_7 : memref<2x128xi32, #tpu.memory_space<hbm>>) target(%arg13 : memref<2x128xi32, #tpu.memory_space<vmem>>) target_semaphore(%arg20 : memref<!tpu.dma_semaphore, #tpu.memory_space<semaphore_mem>>)
    %dma_start3A_8 = arith.constant 1 : i32
    %dma_start3A_9 = arith.constant 0 : i32
    %dma_start3A_10 = arith.constant 0 : i32
    %dma_start3A_11 = tpu.memref_slice %arg3[%arg0, %arg1, %dma_start3A_8, %dma_start3A_9, %dma_start3A_10] : memref<2x16x158x2x128xi32, #tpu.memory_space<hbm>> -> memref<1x1x1x2x128xi32, #tpu.memory_space<hbm>>
    %dma_start3A_12 = tpu.memref_squeeze %dma_start3A_11 : memref<1x1x1x2x128xi32, #tpu.memory_space<hbm>> -> memref<2x128xi32, #tpu.memory_space<hbm>>
    %dma_start3A_13 = arith.constant 0 : i32
    %dma_start3A_14 = arith.constant 0 : i32
    %dma_start3A_15 = tpu.memref_slice %arg3[%arg0, %arg1, %dma_start3A_8, %dma_start3A_13, %dma_start3A_14] : memref<2x16x158x2x128xi32, #tpu.memory_space<hbm>> -> memref<1x1x1x2x128xi32, #tpu.memory_space<hbm>>
    %dma_start3A_16 = tpu.memref_squeeze %dma_start3A_15 : memref<1x1x1x2x128xi32, #tpu.memory_space<hbm>> -> memref<2x128xi32, #tpu.memory_space<hbm>>
    tpu.enqueue_dma source(%dma_start3A_16 : memref<2x128xi32, #tpu.memory_space<hbm>>) target(%arg14 : memref<2x128xi32, #tpu.memory_space<vmem>>) target_semaphore(%arg21 : memref<!tpu.dma_semaphore, #tpu.memory_space<semaphore_mem>>)
    %mul3A = arith.constant 640 : i32
    %mul3A_17 = arith.muli %arg1, %mul3A : i32
    %mul3A_18 = arith.constant 640 : i32
    %mul3A_19 = arith.muli %arg1, %mul3A_18 : i32
    "tpu.region"() ({
      %run_scoped3A_336 = tpu.sem_alloc : memref<!tpu.dma_semaphore, #tpu.memory_space<semaphore_mem>>
      %dma_start3A_337 = arith.constant 0 : i32
      %dma_start3A_338 = tpu.memref_slice %arg19[%mul3A_19, %dma_start3A_337] : memref<10240x128xf32, #tpu.memory_space<vmem_shared>> -> memref<640x128xf32, #tpu.memory_space<vmem_shared>>
      %dma_start3A_339 = arith.constant 0 : i32
      %dma_start3A_340 = tpu.memref_slice %arg4[%mul3A_17, %dma_start3A_339] : memref<10240x128xf32, #tpu.memory_space<hbm>> -> memref<640x128xf32, #tpu.memory_space<hbm>>
      tpu.enqueue_dma source(%dma_start3A_340 : memref<640x128xf32, #tpu.memory_space<hbm>>) target(%dma_start3A_338 : memref<640x128xf32, #tpu.memory_space<vmem_shared>>) target_semaphore(%run_scoped3A_336 : memref<!tpu.dma_semaphore, #tpu.memory_space<semaphore_mem>>)
      %dma_wait3A_341 = arith.constant 0 : i32
      %dma_wait3A_342 = tpu.memref_slice %arg19[%mul3A_19, %dma_wait3A_341] : memref<10240x128xf32, #tpu.memory_space<vmem_shared>> -> memref<640x128xf32, #tpu.memory_space<vmem_shared>>
      %dma_wait3A_343 = arith.constant 0 : i32
      %dma_wait3A_344 = tpu.memref_slice %arg4[%mul3A_17, %dma_wait3A_343] : memref<10240x128xf32, #tpu.memory_space<hbm>> -> memref<640x128xf32, #tpu.memory_space<hbm>>
      tpu.wait_dma2 semaphore(%run_scoped3A_336 : memref<!tpu.dma_semaphore, #tpu.memory_space<semaphore_mem>>) src(%dma_wait3A_344 : memref<640x128xf32, #tpu.memory_space<hbm>>) dst(%dma_wait3A_342 : memref<640x128xf32, #tpu.memory_space<vmem_shared>>)
      tpu.yield
    }) : () -> ()
    %barrier3A = arith.constant 0 : index
    tpu.barrier barrier_id(%barrier3A)
    %dma_wait3A = arith.constant 0 : i32
    %dma_wait3A_20 = arith.constant 0 : i32
    %dma_wait3A_21 = arith.constant 0 : i32
    %dma_wait3A_22 = tpu.memref_slice %arg3[%arg0, %arg1, %dma_wait3A, %dma_wait3A_20, %dma_wait3A_21] : memref<2x16x158x2x128xi32, #tpu.memory_space<hbm>> -> memref<1x1x1x2x128xi32, #tpu.memory_space<hbm>>
    %dma_wait3A_23 = tpu.memref_squeeze %dma_wait3A_22 : memref<1x1x1x2x128xi32, #tpu.memory_space<hbm>> -> memref<2x128xi32, #tpu.memory_space<hbm>>
    %dma_wait3A_24 = arith.constant 0 : i32
    %dma_wait3A_25 = arith.constant 0 : i32
    %dma_wait3A_26 = tpu.memref_slice %arg3[%arg0, %arg1, %dma_wait3A, %dma_wait3A_24, %dma_wait3A_25] : memref<2x16x158x2x128xi32, #tpu.memory_space<hbm>> -> memref<1x1x1x2x128xi32, #tpu.memory_space<hbm>>
    %dma_wait3A_27 = tpu.memref_squeeze %dma_wait3A_26 : memref<1x1x1x2x128xi32, #tpu.memory_space<hbm>> -> memref<2x128xi32, #tpu.memory_space<hbm>>
    tpu.wait_dma2 semaphore(%arg20 : memref<!tpu.dma_semaphore, #tpu.memory_space<semaphore_mem>>) src(%dma_wait3A_27 : memref<2x128xi32, #tpu.memory_space<hbm>>) dst(%arg13 : memref<2x128xi32, #tpu.memory_space<vmem>>)
    %dma_start3A_28 = arith.constant 0 : i32
    %dma_start3A_29 = arith.constant 0 : i32
    %dma_start3A_30 = tpu.memref_slice %arg13[%dma_start3A_28, %dma_start3A_29] : memref<2x128xi32, #tpu.memory_space<vmem>> -> memref<1x128xi32, #tpu.memory_space<vmem>>
    %dma_start3A_31 = tpu.memref_squeeze %dma_start3A_30 : memref<1x128xi32, #tpu.memory_space<vmem>> -> memref<128xi32, #tpu.memory_space<vmem>>
    %dma_start3A_32 = arith.constant 0 : i32
    %dma_start3A_33 = arith.constant 0 : i32
    %dma_start3A_34 = tpu.memref_slice %arg2[%dma_start3A_32, %dma_start3A_33] : memref<20480x128xf32, #tpu.memory_space<hbm>> -> memref<20480x128xf32, #tpu.memory_space<hbm>>
    tpu.enqueue_indirect_dma source(%dma_start3A_34 : memref<20480x128xf32, #tpu.memory_space<hbm>>) target(%arg15 : memref<128x128xf32, #tpu.memory_space<vmem>>) offsets(%dma_start3A_31 : memref<128xi32, #tpu.memory_space<vmem>>) semaphore(%arg22 : memref<!tpu.dma_semaphore, #tpu.memory_space<semaphore_mem>>)
    %scan3A = arith.constant 0 : i32
    %scan3A_35 = arith.constant 0 : i32
    %scan3A_36 = arith.constant 79 : i32
    %scan3A_37 = arith.addi %scan3A_35, %scan3A_36 : i32
    %scan3A_38 = arith.constant 1 : i32
    scf.for %scan3A_336 = %scan3A_35 to %scan3A_37 step %scan3A_38  : i32 {
      %mul3A_337 = arith.constant 2 : i32
      %mul3A_338 = arith.muli %mul3A_337, %scan3A_336 : i32
      %dma_wait3A_339 = arith.constant 0 : i32
      %dma_wait3A_340 = arith.constant 0 : i32
      %dma_wait3A_341 = tpu.memref_slice %arg13[%dma_wait3A_339, %dma_wait3A_340] : memref<2x128xi32, #tpu.memory_space<vmem>> -> memref<1x128xi32, #tpu.memory_space<vmem>>
      %dma_wait3A_342 = tpu.memref_squeeze %dma_wait3A_341 : memref<1x128xi32, #tpu.memory_space<vmem>> -> memref<128xi32, #tpu.memory_space<vmem>>
      %dma_wait3A_343 = arith.constant 0 : i32
      %dma_wait3A_344 = arith.constant 0 : i32
      %dma_wait3A_345 = tpu.memref_slice %arg2[%dma_wait3A_343, %dma_wait3A_344] : memref<20480x128xf32, #tpu.memory_space<hbm>> -> memref<20480x128xf32, #tpu.memory_space<hbm>>
      tpu.wait_indirect_dma semaphore(%arg22 : memref<!tpu.dma_semaphore, #tpu.memory_space<semaphore_mem>>) src(%dma_wait3A_345 : memref<20480x128xf32, #tpu.memory_space<hbm>>) dst(%arg15 : memref<128x128xf32, #tpu.memory_space<vmem>>)
      %add3A_346 = arith.constant 1 : i32
      %add3A_347 = arith.addi %mul3A_338, %add3A_346 : i32
      %dma_wait3A_348 = arith.constant 0 : i32
      %dma_wait3A_349 = arith.constant 0 : i32
      %dma_wait3A_350 = tpu.memref_slice %arg3[%arg0, %arg1, %add3A_347, %dma_wait3A_348, %dma_wait3A_349] : memref<2x16x158x2x128xi32, #tpu.memory_space<hbm>> -> memref<1x1x1x2x128xi32, #tpu.memory_space<hbm>>
      %dma_wait3A_351 = tpu.memref_squeeze %dma_wait3A_350 : memref<1x1x1x2x128xi32, #tpu.memory_space<hbm>> -> memref<2x128xi32, #tpu.memory_space<hbm>>
      %dma_wait3A_352 = arith.constant 0 : i32
      %dma_wait3A_353 = arith.constant 0 : i32
      %dma_wait3A_354 = tpu.memref_slice %arg3[%arg0, %arg1, %add3A_347, %dma_wait3A_352, %dma_wait3A_353] : memref<2x16x158x2x128xi32, #tpu.memory_space<hbm>> -> memref<1x1x1x2x128xi32, #tpu.memory_space<hbm>>
      %dma_wait3A_355 = tpu.memref_squeeze %dma_wait3A_354 : memref<1x1x1x2x128xi32, #tpu.memory_space<hbm>> -> memref<2x128xi32, #tpu.memory_space<hbm>>
      tpu.wait_dma2 semaphore(%arg21 : memref<!tpu.dma_semaphore, #tpu.memory_space<semaphore_mem>>) src(%dma_wait3A_355 : memref<2x128xi32, #tpu.memory_space<hbm>>) dst(%arg14 : memref<2x128xi32, #tpu.memory_space<vmem>>)
      %dma_start3A_356 = arith.constant 0 : i32
      %dma_start3A_357 = arith.constant 0 : i32
      %dma_start3A_358 = tpu.memref_slice %arg14[%dma_start3A_356, %dma_start3A_357] : memref<2x128xi32, #tpu.memory_space<vmem>> -> memref<1x128xi32, #tpu.memory_space<vmem>>
      %dma_start3A_359 = tpu.memref_squeeze %dma_start3A_358 : memref<1x128xi32, #tpu.memory_space<vmem>> -> memref<128xi32, #tpu.memory_space<vmem>>
      %dma_start3A_360 = arith.constant 0 : i32
      %dma_start3A_361 = arith.constant 0 : i32
      %dma_start3A_362 = tpu.memref_slice %arg2[%dma_start3A_360, %dma_start3A_361] : memref<20480x128xf32, #tpu.memory_space<hbm>> -> memref<20480x128xf32, #tpu.memory_space<hbm>>
      tpu.enqueue_indirect_dma source(%dma_start3A_362 : memref<20480x128xf32, #tpu.memory_space<hbm>>) target(%arg16 : memref<128x128xf32, #tpu.memory_space<vmem>>) offsets(%dma_start3A_359 : memref<128xi32, #tpu.memory_space<vmem>>) semaphore(%arg23 : memref<!tpu.dma_semaphore, #tpu.memory_space<semaphore_mem>>)
      %run_scoped3A_363 = arith.constant 1 : i32
      "tpu.region"() ({
        %run_scoped3A_390 = tpu.sem_alloc : memref<!tpu.dma_semaphore, #tpu.memory_space<semaphore_mem>>
        %dma_start3A_391 = arith.constant 0 : i32
        %dma_start3A_392 = tpu.memref_slice %arg13[%run_scoped3A_363, %dma_start3A_391] : memref<2x128xi32, #tpu.memory_space<vmem>> -> memref<1x128xi32, #tpu.memory_space<vmem>>
        %dma_start3A_393 = tpu.memref_squeeze %dma_start3A_392 : memref<1x128xi32, #tpu.memory_space<vmem>> -> memref<128xi32, #tpu.memory_space<vmem>>
        %dma_start3A_394 = arith.constant 0 : i32
        %dma_start3A_395 = arith.constant 0 : i32
        %dma_start3A_396 = tpu.memref_slice %arg19[%dma_start3A_394, %dma_start3A_395] : memref<10240x128xf32, #tpu.memory_space<vmem_shared>> -> memref<10240x128xf32, #tpu.memory_space<vmem_shared>>
        tpu.enqueue_indirect_dma source(%arg15 : memref<128x128xf32, #tpu.memory_space<vmem>>) target(%dma_start3A_396 : memref<10240x128xf32, #tpu.memory_space<vmem_shared>>) offsets(%dma_start3A_393 : memref<128xi32, #tpu.memory_space<vmem>>) semaphore(%run_scoped3A_390 : memref<!tpu.dma_semaphore, #tpu.memory_space<semaphore_mem>>) {add = true}
        %dma_wait3A_397 = arith.constant 0 : i32
        %dma_wait3A_398 = tpu.memref_slice %arg13[%run_scoped3A_363, %dma_wait3A_397] : memref<2x128xi32, #tpu.memory_space<vmem>> -> memref<1x128xi32, #tpu.memory_space<vmem>>
        %dma_wait3A_399 = tpu.memref_squeeze %dma_wait3A_398 : memref<1x128xi32, #tpu.memory_space<vmem>> -> memref<128xi32, #tpu.memory_space<vmem>>
        %dma_wait3A_400 = arith.constant 0 : i32
        %dma_wait3A_401 = arith.constant 0 : i32
        %dma_wait3A_402 = tpu.memref_slice %arg19[%dma_wait3A_400, %dma_wait3A_401] : memref<10240x128xf32, #tpu.memory_space<vmem_shared>> -> memref<10240x128xf32, #tpu.memory_space<vmem_shared>>
        tpu.wait_indirect_dma semaphore(%run_scoped3A_390 : memref<!tpu.dma_semaphore, #tpu.memory_space<semaphore_mem>>) src(%arg15 : memref<128x128xf32, #tpu.memory_space<vmem>>) dst(%dma_wait3A_402 : memref<10240x128xf32, #tpu.memory_space<vmem_shared>>)
        tpu.yield
      }) : () -> ()
      %add3A_364 = arith.constant 2 : i32
      %add3A_365 = arith.addi %mul3A_338, %add3A_364 : i32
      %lt3A = arith.constant 158 : i32
      %lt3A_366 = arith.cmpi slt, %add3A_365, %lt3A : i32
      %convert_element_type3A = arith.extui %lt3A_366 : i1 to i32
      %cond3A = arith.constant 0 : i32
      %cond3A_367 = arith.cmpi ne, %convert_element_type3A, %cond3A : i32
      scf.if %cond3A_367 {
        %add3A_390 = arith.constant 2 : i32
        %add3A_391 = arith.addi %mul3A_338, %add3A_390 : i32
        %dma_start3A_392 = arith.constant 0 : i32
        %dma_start3A_393 = arith.constant 0 : i32
        %dma_start3A_394 = tpu.memref_slice %arg3[%arg0, %arg1, %add3A_391, %dma_start3A_392, %dma_start3A_393] : memref<2x16x158x2x128xi32, #tpu.memory_space<hbm>> -> memref<1x1x1x2x128xi32, #tpu.memory_space<hbm>>
        %dma_start3A_395 = tpu.memref_squeeze %dma_start3A_394 : memref<1x1x1x2x128xi32, #tpu.memory_space<hbm>> -> memref<2x128xi32, #tpu.memory_space<hbm>>
        %dma_start3A_396 = arith.constant 0 : i32
        %dma_start3A_397 = arith.constant 0 : i32
        %dma_start3A_398 = tpu.memref_slice %arg3[%arg0, %arg1, %add3A_391, %dma_start3A_396, %dma_start3A_397] : memref<2x16x158x2x128xi32, #tpu.memory_space<hbm>> -> memref<1x1x1x2x128xi32, #tpu.memory_space<hbm>>
        %dma_start3A_399 = tpu.memref_squeeze %dma_start3A_398 : memref<1x1x1x2x128xi32, #tpu.memory_space<hbm>> -> memref<2x128xi32, #tpu.memory_space<hbm>>
        tpu.enqueue_dma source(%dma_start3A_399 : memref<2x128xi32, #tpu.memory_space<hbm>>) target(%arg13 : memref<2x128xi32, #tpu.memory_space<vmem>>) target_semaphore(%arg20 : memref<!tpu.dma_semaphore, #tpu.memory_space<semaphore_mem>>)
      } else {
      }
      %dma_wait3A_368 = arith.constant 0 : i32
      %dma_wait3A_369 = arith.constant 0 : i32
      %dma_wait3A_370 = tpu.memref_slice %arg14[%dma_wait3A_368, %dma_wait3A_369] : memref<2x128xi32, #tpu.memory_space<vmem>> -> memref<1x128xi32, #tpu.memory_space<vmem>>
      %dma_wait3A_371 = tpu.memref_squeeze %dma_wait3A_370 : memref<1x128xi32, #tpu.memory_space<vmem>> -> memref<128xi32, #tpu.memory_space<vmem>>
      %dma_wait3A_372 = arith.constant 0 : i32
      %dma_wait3A_373 = arith.constant 0 : i32
      %dma_wait3A_374 = tpu.memref_slice %arg2[%dma_wait3A_372, %dma_wait3A_373] : memref<20480x128xf32, #tpu.memory_space<hbm>> -> memref<20480x128xf32, #tpu.memory_space<hbm>>
      tpu.wait_indirect_dma semaphore(%arg23 : memref<!tpu.dma_semaphore, #tpu.memory_space<semaphore_mem>>) src(%dma_wait3A_374 : memref<20480x128xf32, #tpu.memory_space<hbm>>) dst(%arg16 : memref<128x128xf32, #tpu.memory_space<vmem>>)
      %add3A_375 = arith.constant 2 : i32
      %add3A_376 = arith.addi %mul3A_338, %add3A_375 : i32
      %lt3A_377 = arith.constant 158 : i32
      %lt3A_378 = arith.cmpi slt, %add3A_376, %lt3A_377 : i32
      %convert_element_type3A_379 = arith.extui %lt3A_378 : i1 to i32
      %cond3A_380 = arith.constant 0 : i32
      %cond3A_381 = arith.cmpi ne, %convert_element_type3A_379, %cond3A_380 : i32
      scf.if %cond3A_381 {
        %add3A_390 = arith.constant 2 : i32
        %add3A_391 = arith.addi %mul3A_338, %add3A_390 : i32
        %dma_wait3A_392 = arith.constant 0 : i32
        %dma_wait3A_393 = arith.constant 0 : i32
        %dma_wait3A_394 = tpu.memref_slice %arg3[%arg0, %arg1, %add3A_391, %dma_wait3A_392, %dma_wait3A_393] : memref<2x16x158x2x128xi32, #tpu.memory_space<hbm>> -> memref<1x1x1x2x128xi32, #tpu.memory_space<hbm>>
        %dma_wait3A_395 = tpu.memref_squeeze %dma_wait3A_394 : memref<1x1x1x2x128xi32, #tpu.memory_space<hbm>> -> memref<2x128xi32, #tpu.memory_space<hbm>>
        %dma_wait3A_396 = arith.constant 0 : i32
        %dma_wait3A_397 = arith.constant 0 : i32
        %dma_wait3A_398 = tpu.memref_slice %arg3[%arg0, %arg1, %add3A_391, %dma_wait3A_396, %dma_wait3A_397] : memref<2x16x158x2x128xi32, #tpu.memory_space<hbm>> -> memref<1x1x1x2x128xi32, #tpu.memory_space<hbm>>
        %dma_wait3A_399 = tpu.memref_squeeze %dma_wait3A_398 : memref<1x1x1x2x128xi32, #tpu.memory_space<hbm>> -> memref<2x128xi32, #tpu.memory_space<hbm>>
        tpu.wait_dma2 semaphore(%arg20 : memref<!tpu.dma_semaphore, #tpu.memory_space<semaphore_mem>>) src(%dma_wait3A_399 : memref<2x128xi32, #tpu.memory_space<hbm>>) dst(%arg13 : memref<2x128xi32, #tpu.memory_space<vmem>>)
        %dma_start3A_400 = arith.constant 0 : i32
        %dma_start3A_401 = arith.constant 0 : i32
        %dma_start3A_402 = tpu.memref_slice %arg13[%dma_start3A_400, %dma_start3A_401] : memref<2x128xi32, #tpu.memory_space<vmem>> -> memref<1x128xi32, #tpu.memory_space<vmem>>
        %dma_start3A_403 = tpu.memref_squeeze %dma_start3A_402 : memref<1x128xi32, #tpu.memory_space<vmem>> -> memref<128xi32, #tpu.memory_space<vmem>>
        %dma_start3A_404 = arith.constant 0 : i32
        %dma_start3A_405 = arith.constant 0 : i32
        %dma_start3A_406 = tpu.memref_slice %arg2[%dma_start3A_404, %dma_start3A_405] : memref<20480x128xf32, #tpu.memory_space<hbm>> -> memref<20480x128xf32, #tpu.memory_space<hbm>>
        tpu.enqueue_indirect_dma source(%dma_start3A_406 : memref<20480x128xf32, #tpu.memory_space<hbm>>) target(%arg15 : memref<128x128xf32, #tpu.memory_space<vmem>>) offsets(%dma_start3A_403 : memref<128xi32, #tpu.memory_space<vmem>>) semaphore(%arg22 : memref<!tpu.dma_semaphore, #tpu.memory_space<semaphore_mem>>)
      } else {
      }
      %run_scoped3A_382 = arith.constant 1 : i32
      "tpu.region"() ({
        %run_scoped3A_390 = tpu.sem_alloc : memref<!tpu.dma_semaphore, #tpu.memory_space<semaphore_mem>>
        %dma_start3A_391 = arith.constant 0 : i32
        %dma_start3A_392 = tpu.memref_slice %arg14[%run_scoped3A_382, %dma_start3A_391] : memref<2x128xi32, #tpu.memory_space<vmem>> -> memref<1x128xi32, #tpu.memory_space<vmem>>
        %dma_start3A_393 = tpu.memref_squeeze %dma_start3A_392 : memref<1x128xi32, #tpu.memory_space<vmem>> -> memref<128xi32, #tpu.memory_space<vmem>>
        %dma_start3A_394 = arith.constant 0 : i32
        %dma_start3A_395 = arith.constant 0 : i32
        %dma_start3A_396 = tpu.memref_slice %arg19[%dma_start3A_394, %dma_start3A_395] : memref<10240x128xf32, #tpu.memory_space<vmem_shared>> -> memref<10240x128xf32, #tpu.memory_space<vmem_shared>>
        tpu.enqueue_indirect_dma source(%arg16 : memref<128x128xf32, #tpu.memory_space<vmem>>) target(%dma_start3A_396 : memref<10240x128xf32, #tpu.memory_space<vmem_shared>>) offsets(%dma_start3A_393 : memref<128xi32, #tpu.memory_space<vmem>>) semaphore(%run_scoped3A_390 : memref<!tpu.dma_semaphore, #tpu.memory_space<semaphore_mem>>) {add = true}
        %dma_wait3A_397 = arith.constant 0 : i32
        %dma_wait3A_398 = tpu.memref_slice %arg14[%run_scoped3A_382, %dma_wait3A_397] : memref<2x128xi32, #tpu.memory_space<vmem>> -> memref<1x128xi32, #tpu.memory_space<vmem>>
        %dma_wait3A_399 = tpu.memref_squeeze %dma_wait3A_398 : memref<1x128xi32, #tpu.memory_space<vmem>> -> memref<128xi32, #tpu.memory_space<vmem>>
        %dma_wait3A_400 = arith.constant 0 : i32
        %dma_wait3A_401 = arith.constant 0 : i32
        %dma_wait3A_402 = tpu.memref_slice %arg19[%dma_wait3A_400, %dma_wait3A_401] : memref<10240x128xf32, #tpu.memory_space<vmem_shared>> -> memref<10240x128xf32, #tpu.memory_space<vmem_shared>>
        tpu.wait_indirect_dma semaphore(%run_scoped3A_390 : memref<!tpu.dma_semaphore, #tpu.memory_space<semaphore_mem>>) src(%arg16 : memref<128x128xf32, #tpu.memory_space<vmem>>) dst(%dma_wait3A_402 : memref<10240x128xf32, #tpu.memory_space<vmem_shared>>)
        tpu.yield
      }) : () -> ()
      %add3A_383 = arith.constant 3 : i32
      %add3A_384 = arith.addi %mul3A_338, %add3A_383 : i32
      %lt3A_385 = arith.constant 158 : i32
      %lt3A_386 = arith.cmpi slt, %add3A_384, %lt3A_385 : i32
      %convert_element_type3A_387 = arith.extui %lt3A_386 : i1 to i32
      %cond3A_388 = arith.constant 0 : i32
      %cond3A_389 = arith.cmpi ne, %convert_element_type3A_387, %cond3A_388 : i32
      scf.if %cond3A_389 {
        %add3A_390 = arith.constant 3 : i32
        %add3A_391 = arith.addi %mul3A_338, %add3A_390 : i32
        %dma_start3A_392 = arith.constant 0 : i32
        %dma_start3A_393 = arith.constant 0 : i32
        %dma_start3A_394 = tpu.memref_slice %arg3[%arg0, %arg1, %add3A_391, %dma_start3A_392, %dma_start3A_393] : memref<2x16x158x2x128xi32, #tpu.memory_space<hbm>> -> memref<1x1x1x2x128xi32, #tpu.memory_space<hbm>>
        %dma_start3A_395 = tpu.memref_squeeze %dma_start3A_394 : memref<1x1x1x2x128xi32, #tpu.memory_space<hbm>> -> memref<2x128xi32, #tpu.memory_space<hbm>>
        %dma_start3A_396 = arith.constant 0 : i32
        %dma_start3A_397 = arith.constant 0 : i32
        %dma_start3A_398 = tpu.memref_slice %arg3[%arg0, %arg1, %add3A_391, %dma_start3A_396, %dma_start3A_397] : memref<2x16x158x2x128xi32, #tpu.memory_space<hbm>> -> memref<1x1x1x2x128xi32, #tpu.memory_space<hbm>>
        %dma_start3A_399 = tpu.memref_squeeze %dma_start3A_398 : memref<1x1x1x2x128xi32, #tpu.memory_space<hbm>> -> memref<2x128xi32, #tpu.memory_space<hbm>>
        tpu.enqueue_dma source(%dma_start3A_399 : memref<2x128xi32, #tpu.memory_space<hbm>>) target(%arg14 : memref<2x128xi32, #tpu.memory_space<vmem>>) target_semaphore(%arg21 : memref<!tpu.dma_semaphore, #tpu.memory_space<semaphore_mem>>)
      } else {
      }
    }
    %scan3A_39 = arith.constant 79 : i32
    %barrier3A_40 = arith.constant 0 : index
    tpu.barrier barrier_id(%barrier3A_40)
    %mul3A_41 = arith.constant 16 : i32
    %mul3A_42 = arith.muli %arg0, %mul3A_41 : i32
    %add3A = arith.addi %mul3A_42, %arg1 : i32
    "tpu.region"() ({
      %run_scoped3A_336 = tpu.sem_alloc : memref<!tpu.dma_semaphore, #tpu.memory_space<semaphore_mem>>
      %dma_start3A_337 = arith.constant 0 : i32
      %dma_start3A_338 = tpu.memref_slice %arg10[%add3A, %dma_start3A_337] : memref<32x200xi32, #tpu.memory_space<hbm>> -> memref<1x200xi32, #tpu.memory_space<hbm>>
      %dma_start3A_339 = tpu.memref_squeeze %dma_start3A_338 : memref<1x200xi32, #tpu.memory_space<hbm>> -> memref<200xi32, #tpu.memory_space<hbm>>
      %dma_start3A_340 = arith.constant 0 : i32
      %dma_start3A_341 = tpu.memref_slice %arg10[%add3A, %dma_start3A_340] : memref<32x200xi32, #tpu.memory_space<hbm>> -> memref<1x200xi32, #tpu.memory_space<hbm>>
      %dma_start3A_342 = tpu.memref_squeeze %dma_start3A_341 : memref<1x200xi32, #tpu.memory_space<hbm>> -> memref<200xi32, #tpu.memory_space<hbm>>
      tpu.enqueue_dma source(%dma_start3A_342 : memref<200xi32, #tpu.memory_space<hbm>>) target(%arg17 : memref<200xi32, #tpu.memory_space<vmem>>) target_semaphore(%run_scoped3A_336 : memref<!tpu.dma_semaphore, #tpu.memory_space<semaphore_mem>>)
      %dma_wait3A_343 = arith.constant 0 : i32
      %dma_wait3A_344 = tpu.memref_slice %arg10[%add3A, %dma_wait3A_343] : memref<32x200xi32, #tpu.memory_space<hbm>> -> memref<1x200xi32, #tpu.memory_space<hbm>>
      %dma_wait3A_345 = tpu.memref_squeeze %dma_wait3A_344 : memref<1x200xi32, #tpu.memory_space<hbm>> -> memref<200xi32, #tpu.memory_space<hbm>>
      %dma_wait3A_346 = arith.constant 0 : i32
      %dma_wait3A_347 = tpu.memref_slice %arg10[%add3A, %dma_wait3A_346] : memref<32x200xi32, #tpu.memory_space<hbm>> -> memref<1x200xi32, #tpu.memory_space<hbm>>
      %dma_wait3A_348 = tpu.memref_squeeze %dma_wait3A_347 : memref<1x200xi32, #tpu.memory_space<hbm>> -> memref<200xi32, #tpu.memory_space<hbm>>
      tpu.wait_dma2 semaphore(%run_scoped3A_336 : memref<!tpu.dma_semaphore, #tpu.memory_space<semaphore_mem>>) src(%dma_wait3A_348 : memref<200xi32, #tpu.memory_space<hbm>>) dst(%arg17 : memref<200xi32, #tpu.memory_space<vmem>>)
      tpu.yield
    }) : () -> ()
    "tpu.region"() ({
      %run_scoped3A_336 = tpu.sem_alloc : memref<!tpu.dma_semaphore, #tpu.memory_space<semaphore_mem>>
      %dma_start3A_337 = arith.constant 0 : i32
      %dma_start3A_338 = tpu.memref_slice %arg11[%add3A, %dma_start3A_337] : memref<32x200xi32, #tpu.memory_space<hbm>> -> memref<1x200xi32, #tpu.memory_space<hbm>>
      %dma_start3A_339 = tpu.memref_squeeze %dma_start3A_338 : memref<1x200xi32, #tpu.memory_space<hbm>> -> memref<200xi32, #tpu.memory_space<hbm>>
      %dma_start3A_340 = arith.constant 0 : i32
      %dma_start3A_341 = tpu.memref_slice %arg11[%add3A, %dma_start3A_340] : memref<32x200xi32, #tpu.memory_space<hbm>> -> memref<1x200xi32, #tpu.memory_space<hbm>>
      %dma_start3A_342 = tpu.memref_squeeze %dma_start3A_341 : memref<1x200xi32, #tpu.memory_space<hbm>> -> memref<200xi32, #tpu.memory_space<hbm>>
      tpu.enqueue_dma source(%dma_start3A_342 : memref<200xi32, #tpu.memory_space<hbm>>) target(%arg18 : memref<200xi32, #tpu.memory_space<vmem>>) target_semaphore(%run_scoped3A_336 : memref<!tpu.dma_semaphore, #tpu.memory_space<semaphore_mem>>)
      %dma_wait3A_343 = arith.constant 0 : i32
      %dma_wait3A_344 = tpu.memref_slice %arg11[%add3A, %dma_wait3A_343] : memref<32x200xi32, #tpu.memory_space<hbm>> -> memref<1x200xi32, #tpu.memory_space<hbm>>
      %dma_wait3A_345 = tpu.memref_squeeze %dma_wait3A_344 : memref<1x200xi32, #tpu.memory_space<hbm>> -> memref<200xi32, #tpu.memory_space<hbm>>
      %dma_wait3A_346 = arith.constant 0 : i32
      %dma_wait3A_347 = tpu.memref_slice %arg11[%add3A, %dma_wait3A_346] : memref<32x200xi32, #tpu.memory_space<hbm>> -> memref<1x200xi32, #tpu.memory_space<hbm>>
      %dma_wait3A_348 = tpu.memref_squeeze %dma_wait3A_347 : memref<1x200xi32, #tpu.memory_space<hbm>> -> memref<200xi32, #tpu.memory_space<hbm>>
      tpu.wait_dma2 semaphore(%run_scoped3A_336 : memref<!tpu.dma_semaphore, #tpu.memory_space<semaphore_mem>>) src(%dma_wait3A_348 : memref<200xi32, #tpu.memory_space<hbm>>) dst(%arg18 : memref<200xi32, #tpu.memory_space<vmem>>)
      tpu.yield
    }) : () -> ()
    %dma_start3A_43 = arith.constant 0 : i32
    %dma_start3A_44 = arith.constant 0 : i32
    %dma_start3A_45 = tpu.memref_slice %arg15[%dma_start3A_43, %dma_start3A_44] : memref<128x128xf32, #tpu.memory_space<vmem>> -> memref<128x128xf32, #tpu.memory_space<vmem>>
    %dma_start3A_46 = arith.constant 0 : i32
    %dma_start3A_47 = tpu.memref_slice %arg17[%dma_start3A_46] : memref<200xi32, #tpu.memory_space<vmem>> -> memref<128xi32, #tpu.memory_space<vmem>>
    %dma_start3A_48 = arith.constant 0 : i32
    %dma_start3A_49 = arith.constant 0 : i32
    %dma_start3A_50 = tpu.memref_slice %arg5[%dma_start3A_48, %dma_start3A_49] : memref<20480x128xf32, #tpu.memory_space<hbm>> -> memref<20480x128xf32, #tpu.memory_space<hbm>>
    tpu.enqueue_indirect_dma source(%dma_start3A_50 : memref<20480x128xf32, #tpu.memory_space<hbm>>) target(%dma_start3A_45 : memref<128x128xf32, #tpu.memory_space<vmem>>) offsets(%dma_start3A_47 : memref<128xi32, #tpu.memory_space<vmem>>) semaphore(%arg22 : memref<!tpu.dma_semaphore, #tpu.memory_space<semaphore_mem>>)
    %dma_wait3A_51 = arith.constant 0 : i32
    %dma_wait3A_52 = arith.constant 0 : i32
    %dma_wait3A_53 = tpu.memref_slice %arg15[%dma_wait3A_51, %dma_wait3A_52] : memref<128x128xf32, #tpu.memory_space<vmem>> -> memref<128x128xf32, #tpu.memory_space<vmem>>
    %dma_wait3A_54 = arith.constant 0 : i32
    %dma_wait3A_55 = tpu.memref_slice %arg17[%dma_wait3A_54] : memref<200xi32, #tpu.memory_space<vmem>> -> memref<128xi32, #tpu.memory_space<vmem>>
    %dma_wait3A_56 = arith.constant 0 : i32
    %dma_wait3A_57 = arith.constant 0 : i32
    %dma_wait3A_58 = tpu.memref_slice %arg5[%dma_wait3A_56, %dma_wait3A_57] : memref<20480x128xf32, #tpu.memory_space<hbm>> -> memref<20480x128xf32, #tpu.memory_space<hbm>>
    tpu.wait_indirect_dma semaphore(%arg22 : memref<!tpu.dma_semaphore, #tpu.memory_space<semaphore_mem>>) src(%dma_wait3A_58 : memref<20480x128xf32, #tpu.memory_space<hbm>>) dst(%dma_wait3A_53 : memref<128x128xf32, #tpu.memory_space<vmem>>)
    %dma_start3A_59 = arith.constant 0 : i32
    %dma_start3A_60 = arith.constant 0 : i32
    %dma_start3A_61 = tpu.memref_slice %arg16[%dma_start3A_59, %dma_start3A_60] : memref<128x128xf32, #tpu.memory_space<vmem>> -> memref<72x128xf32, #tpu.memory_space<vmem>>
    %dma_start3A_62 = arith.constant 128 : i32
    %dma_start3A_63 = tpu.memref_slice %arg17[%dma_start3A_62] : memref<200xi32, #tpu.memory_space<vmem>> -> memref<72xi32, #tpu.memory_space<vmem>>
    %dma_start3A_64 = arith.constant 0 : i32
    %dma_start3A_65 = arith.constant 0 : i32
    %dma_start3A_66 = tpu.memref_slice %arg5[%dma_start3A_64, %dma_start3A_65] : memref<20480x128xf32, #tpu.memory_space<hbm>> -> memref<20480x128xf32, #tpu.memory_space<hbm>>
    tpu.enqueue_indirect_dma source(%dma_start3A_66 : memref<20480x128xf32, #tpu.memory_space<hbm>>) target(%dma_start3A_61 : memref<72x128xf32, #tpu.memory_space<vmem>>) offsets(%dma_start3A_63 : memref<72xi32, #tpu.memory_space<vmem>>) semaphore(%arg23 : memref<!tpu.dma_semaphore, #tpu.memory_space<semaphore_mem>>)
    %mul3A_67 = arith.constant 200 : i32
    %mul3A_68 = arith.muli %add3A, %mul3A_67 : i32
    %add3A_69 = arith.constant 0 : i32
    %add3A_70 = arith.addi %mul3A_68, %add3A_69 : i32
    %run_scoped3A = arith.constant 0 : i32
    "tpu.region"() ({
      %run_scoped3A_336 = tpu.sem_alloc : memref<!tpu.dma_semaphore, #tpu.memory_space<semaphore_mem>>
      %dma_start3A_337 = arith.constant 0 : i32
      %dma_start3A_338 = arith.constant 0 : i32
      %dma_start3A_339 = tpu.memref_slice %arg15[%dma_start3A_337, %dma_start3A_338] : memref<128x128xf32, #tpu.memory_space<vmem>> -> memref<128x128xf32, #tpu.memory_space<vmem>>
      %dma_start3A_340 = arith.constant 0 : i32
      %dma_start3A_341 = tpu.memref_slice %arg12[%run_scoped3A, %add3A_70, %dma_start3A_340] : memref<7x6400x128xf32, #tpu.memory_space<hbm>> -> memref<1x128x128xf32, #tpu.memory_space<hbm>>
      %dma_start3A_342 = tpu.memref_squeeze %dma_start3A_341 : memref<1x128x128xf32, #tpu.memory_space<hbm>> -> memref<128x128xf32, #tpu.memory_space<hbm>>
      %dma_start3A_343 = arith.constant 0 : i32
      %dma_start3A_344 = tpu.memref_slice %arg12[%run_scoped3A, %add3A_70, %dma_start3A_343] : memref<7x6400x128xf32, #tpu.memory_space<hbm>> -> memref<1x128x128xf32, #tpu.memory_space<hbm>>
      %dma_start3A_345 = tpu.memref_squeeze %dma_start3A_344 : memref<1x128x128xf32, #tpu.memory_space<hbm>> -> memref<128x128xf32, #tpu.memory_space<hbm>>
      %dma_start3A_346 = arith.constant 0 : i32
      %dma_start3A_347 = arith.constant 0 : i32
      %dma_start3A_348 = tpu.memref_slice %arg15[%dma_start3A_346, %dma_start3A_347] : memref<128x128xf32, #tpu.memory_space<vmem>> -> memref<128x128xf32, #tpu.memory_space<vmem>>
      tpu.enqueue_dma source(%dma_start3A_348 : memref<128x128xf32, #tpu.memory_space<vmem>>) target(%dma_start3A_345 : memref<128x128xf32, #tpu.memory_space<hbm>>) target_semaphore(%run_scoped3A_336 : memref<!tpu.dma_semaphore, #tpu.memory_space<semaphore_mem>>)
      %dma_wait3A_349 = arith.constant 0 : i32
      %dma_wait3A_350 = arith.constant 0 : i32
      %dma_wait3A_351 = tpu.memref_slice %arg15[%dma_wait3A_349, %dma_wait3A_350] : memref<128x128xf32, #tpu.memory_space<vmem>> -> memref<128x128xf32, #tpu.memory_space<vmem>>
      %dma_wait3A_352 = arith.constant 0 : i32
      %dma_wait3A_353 = tpu.memref_slice %arg12[%run_scoped3A, %add3A_70, %dma_wait3A_352] : memref<7x6400x128xf32, #tpu.memory_space<hbm>> -> memref<1x128x128xf32, #tpu.memory_space<hbm>>
      %dma_wait3A_354 = tpu.memref_squeeze %dma_wait3A_353 : memref<1x128x128xf32, #tpu.memory_space<hbm>> -> memref<128x128xf32, #tpu.memory_space<hbm>>
      %dma_wait3A_355 = arith.constant 0 : i32
      %dma_wait3A_356 = tpu.memref_slice %arg12[%run_scoped3A, %add3A_70, %dma_wait3A_355] : memref<7x6400x128xf32, #tpu.memory_space<hbm>> -> memref<1x128x128xf32, #tpu.memory_space<hbm>>
      %dma_wait3A_357 = tpu.memref_squeeze %dma_wait3A_356 : memref<1x128x128xf32, #tpu.memory_space<hbm>> -> memref<128x128xf32, #tpu.memory_space<hbm>>
      %dma_wait3A_358 = arith.constant 0 : i32
      %dma_wait3A_359 = arith.constant 0 : i32
      %dma_wait3A_360 = tpu.memref_slice %arg15[%dma_wait3A_358, %dma_wait3A_359] : memref<128x128xf32, #tpu.memory_space<vmem>> -> memref<128x128xf32, #tpu.memory_space<vmem>>
      tpu.wait_dma2 semaphore(%run_scoped3A_336 : memref<!tpu.dma_semaphore, #tpu.memory_space<semaphore_mem>>) src(%dma_wait3A_360 : memref<128x128xf32, #tpu.memory_space<vmem>>) dst(%dma_wait3A_357 : memref<128x128xf32, #tpu.memory_space<hbm>>)
      tpu.yield
    }) : () -> ()
    %dma_wait3A_71 = arith.constant 0 : i32
    %dma_wait3A_72 = arith.constant 0 : i32
    %dma_wait3A_73 = tpu.memref_slice %arg16[%dma_wait3A_71, %dma_wait3A_72] : memref<128x128xf32, #tpu.memory_space<vmem>> -> memref<72x128xf32, #tpu.memory_space<vmem>>
    %dma_wait3A_74 = arith.constant 128 : i32
    %dma_wait3A_75 = tpu.memref_slice %arg17[%dma_wait3A_74] : memref<200xi32, #tpu.memory_space<vmem>> -> memref<72xi32, #tpu.memory_space<vmem>>
    %dma_wait3A_76 = arith.constant 0 : i32
    %dma_wait3A_77 = arith.constant 0 : i32
    %dma_wait3A_78 = tpu.memref_slice %arg5[%dma_wait3A_76, %dma_wait3A_77] : memref<20480x128xf32, #tpu.memory_space<hbm>> -> memref<20480x128xf32, #tpu.memory_space<hbm>>
    tpu.wait_indirect_dma semaphore(%arg23 : memref<!tpu.dma_semaphore, #tpu.memory_space<semaphore_mem>>) src(%dma_wait3A_78 : memref<20480x128xf32, #tpu.memory_space<hbm>>) dst(%dma_wait3A_73 : memref<72x128xf32, #tpu.memory_space<vmem>>)
    %dma_start3A_79 = arith.constant 0 : i32
    %dma_start3A_80 = arith.constant 0 : i32
    %dma_start3A_81 = tpu.memref_slice %arg15[%dma_start3A_79, %dma_start3A_80] : memref<128x128xf32, #tpu.memory_space<vmem>> -> memref<128x128xf32, #tpu.memory_space<vmem>>
    %dma_start3A_82 = arith.constant 0 : i32
    %dma_start3A_83 = tpu.memref_slice %arg17[%dma_start3A_82] : memref<200xi32, #tpu.memory_space<vmem>> -> memref<128xi32, #tpu.memory_space<vmem>>
    %dma_start3A_84 = arith.constant 0 : i32
    %dma_start3A_85 = arith.constant 0 : i32
    %dma_start3A_86 = tpu.memref_slice %arg6[%dma_start3A_84, %dma_start3A_85] : memref<20480x128xf32, #tpu.memory_space<hbm>> -> memref<20480x128xf32, #tpu.memory_space<hbm>>
    tpu.enqueue_indirect_dma source(%dma_start3A_86 : memref<20480x128xf32, #tpu.memory_space<hbm>>) target(%dma_start3A_81 : memref<128x128xf32, #tpu.memory_space<vmem>>) offsets(%dma_start3A_83 : memref<128xi32, #tpu.memory_space<vmem>>) semaphore(%arg22 : memref<!tpu.dma_semaphore, #tpu.memory_space<semaphore_mem>>)
    %mul3A_87 = arith.constant 200 : i32
    %mul3A_88 = arith.muli %add3A, %mul3A_87 : i32
    %add3A_89 = arith.constant 128 : i32
    %add3A_90 = arith.addi %mul3A_88, %add3A_89 : i32
    %run_scoped3A_91 = arith.constant 0 : i32
    "tpu.region"() ({
      %run_scoped3A_336 = tpu.sem_alloc : memref<!tpu.dma_semaphore, #tpu.memory_space<semaphore_mem>>
      %dma_start3A_337 = arith.constant 0 : i32
      %dma_start3A_338 = arith.constant 0 : i32
      %dma_start3A_339 = tpu.memref_slice %arg16[%dma_start3A_337, %dma_start3A_338] : memref<128x128xf32, #tpu.memory_space<vmem>> -> memref<72x128xf32, #tpu.memory_space<vmem>>
      %dma_start3A_340 = arith.constant 0 : i32
      %dma_start3A_341 = tpu.memref_slice %arg12[%run_scoped3A_91, %add3A_90, %dma_start3A_340] : memref<7x6400x128xf32, #tpu.memory_space<hbm>> -> memref<1x72x128xf32, #tpu.memory_space<hbm>>
      %dma_start3A_342 = tpu.memref_squeeze %dma_start3A_341 : memref<1x72x128xf32, #tpu.memory_space<hbm>> -> memref<72x128xf32, #tpu.memory_space<hbm>>
      %dma_start3A_343 = arith.constant 0 : i32
      %dma_start3A_344 = tpu.memref_slice %arg12[%run_scoped3A_91, %add3A_90, %dma_start3A_343] : memref<7x6400x128xf32, #tpu.memory_space<hbm>> -> memref<1x72x128xf32, #tpu.memory_space<hbm>>
      %dma_start3A_345 = tpu.memref_squeeze %dma_start3A_344 : memref<1x72x128xf32, #tpu.memory_space<hbm>> -> memref<72x128xf32, #tpu.memory_space<hbm>>
      %dma_start3A_346 = arith.constant 0 : i32
      %dma_start3A_347 = arith.constant 0 : i32
      %dma_start3A_348 = tpu.memref_slice %arg16[%dma_start3A_346, %dma_start3A_347] : memref<128x128xf32, #tpu.memory_space<vmem>> -> memref<72x128xf32, #tpu.memory_space<vmem>>
      tpu.enqueue_dma source(%dma_start3A_348 : memref<72x128xf32, #tpu.memory_space<vmem>>) target(%dma_start3A_345 : memref<72x128xf32, #tpu.memory_space<hbm>>) target_semaphore(%run_scoped3A_336 : memref<!tpu.dma_semaphore, #tpu.memory_space<semaphore_mem>>)
      %dma_wait3A_349 = arith.constant 0 : i32
      %dma_wait3A_350 = arith.constant 0 : i32
      %dma_wait3A_351 = tpu.memref_slice %arg16[%dma_wait3A_349, %dma_wait3A_350] : memref<128x128xf32, #tpu.memory_space<vmem>> -> memref<72x128xf32, #tpu.memory_space<vmem>>
      %dma_wait3A_352 = arith.constant 0 : i32
      %dma_wait3A_353 = tpu.memref_slice %arg12[%run_scoped3A_91, %add3A_90, %dma_wait3A_352] : memref<7x6400x128xf32, #tpu.memory_space<hbm>> -> memref<1x72x128xf32, #tpu.memory_space<hbm>>
      %dma_wait3A_354 = tpu.memref_squeeze %dma_wait3A_353 : memref<1x72x128xf32, #tpu.memory_space<hbm>> -> memref<72x128xf32, #tpu.memory_space<hbm>>
      %dma_wait3A_355 = arith.constant 0 : i32
      %dma_wait3A_356 = tpu.memref_slice %arg12[%run_scoped3A_91, %add3A_90, %dma_wait3A_355] : memref<7x6400x128xf32, #tpu.memory_space<hbm>> -> memref<1x72x128xf32, #tpu.memory_space<hbm>>
      %dma_wait3A_357 = tpu.memref_squeeze %dma_wait3A_356 : memref<1x72x128xf32, #tpu.memory_space<hbm>> -> memref<72x128xf32, #tpu.memory_space<hbm>>
      %dma_wait3A_358 = arith.constant 0 : i32
      %dma_wait3A_359 = arith.constant 0 : i32
      %dma_wait3A_360 = tpu.memref_slice %arg16[%dma_wait3A_358, %dma_wait3A_359] : memref<128x128xf32, #tpu.memory_space<vmem>> -> memref<72x128xf32, #tpu.memory_space<vmem>>
      tpu.wait_dma2 semaphore(%run_scoped3A_336 : memref<!tpu.dma_semaphore, #tpu.memory_space<semaphore_mem>>) src(%dma_wait3A_360 : memref<72x128xf32, #tpu.memory_space<vmem>>) dst(%dma_wait3A_357 : memref<72x128xf32, #tpu.memory_space<hbm>>)
      tpu.yield
    }) : () -> ()
    %dma_wait3A_92 = arith.constant 0 : i32
    %dma_wait3A_93 = arith.constant 0 : i32
    %dma_wait3A_94 = tpu.memref_slice %arg15[%dma_wait3A_92, %dma_wait3A_93] : memref<128x128xf32, #tpu.memory_space<vmem>> -> memref<128x128xf32, #tpu.memory_space<vmem>>
    %dma_wait3A_95 = arith.constant 0 : i32
    %dma_wait3A_96 = tpu.memref_slice %arg17[%dma_wait3A_95] : memref<200xi32, #tpu.memory_space<vmem>> -> memref<128xi32, #tpu.memory_space<vmem>>
    %dma_wait3A_97 = arith.constant 0 : i32
    %dma_wait3A_98 = arith.constant 0 : i32
    %dma_wait3A_99 = tpu.memref_slice %arg6[%dma_wait3A_97, %dma_wait3A_98] : memref<20480x128xf32, #tpu.memory_space<hbm>> -> memref<20480x128xf32, #tpu.memory_space<hbm>>
    tpu.wait_indirect_dma semaphore(%arg22 : memref<!tpu.dma_semaphore, #tpu.memory_space<semaphore_mem>>) src(%dma_wait3A_99 : memref<20480x128xf32, #tpu.memory_space<hbm>>) dst(%dma_wait3A_94 : memref<128x128xf32, #tpu.memory_space<vmem>>)
    %dma_start3A_100 = arith.constant 0 : i32
    %dma_start3A_101 = arith.constant 0 : i32
    %dma_start3A_102 = tpu.memref_slice %arg16[%dma_start3A_100, %dma_start3A_101] : memref<128x128xf32, #tpu.memory_space<vmem>> -> memref<72x128xf32, #tpu.memory_space<vmem>>
    %dma_start3A_103 = arith.constant 128 : i32
    %dma_start3A_104 = tpu.memref_slice %arg17[%dma_start3A_103] : memref<200xi32, #tpu.memory_space<vmem>> -> memref<72xi32, #tpu.memory_space<vmem>>
    %dma_start3A_105 = arith.constant 0 : i32
    %dma_start3A_106 = arith.constant 0 : i32
    %dma_start3A_107 = tpu.memref_slice %arg6[%dma_start3A_105, %dma_start3A_106] : memref<20480x128xf32, #tpu.memory_space<hbm>> -> memref<20480x128xf32, #tpu.memory_space<hbm>>
    tpu.enqueue_indirect_dma source(%dma_start3A_107 : memref<20480x128xf32, #tpu.memory_space<hbm>>) target(%dma_start3A_102 : memref<72x128xf32, #tpu.memory_space<vmem>>) offsets(%dma_start3A_104 : memref<72xi32, #tpu.memory_space<vmem>>) semaphore(%arg23 : memref<!tpu.dma_semaphore, #tpu.memory_space<semaphore_mem>>)
    %mul3A_108 = arith.constant 200 : i32
    %mul3A_109 = arith.muli %add3A, %mul3A_108 : i32
    %add3A_110 = arith.constant 0 : i32
    %add3A_111 = arith.addi %mul3A_109, %add3A_110 : i32
    %run_scoped3A_112 = arith.constant 1 : i32
    "tpu.region"() ({
      %run_scoped3A_336 = tpu.sem_alloc : memref<!tpu.dma_semaphore, #tpu.memory_space<semaphore_mem>>
      %dma_start3A_337 = arith.constant 0 : i32
      %dma_start3A_338 = arith.constant 0 : i32
      %dma_start3A_339 = tpu.memref_slice %arg15[%dma_start3A_337, %dma_start3A_338] : memref<128x128xf32, #tpu.memory_space<vmem>> -> memref<128x128xf32, #tpu.memory_space<vmem>>
      %dma_start3A_340 = arith.constant 0 : i32
      %dma_start3A_341 = tpu.memref_slice %arg12[%run_scoped3A_112, %add3A_111, %dma_start3A_340] : memref<7x6400x128xf32, #tpu.memory_space<hbm>> -> memref<1x128x128xf32, #tpu.memory_space<hbm>>
      %dma_start3A_342 = tpu.memref_squeeze %dma_start3A_341 : memref<1x128x128xf32, #tpu.memory_space<hbm>> -> memref<128x128xf32, #tpu.memory_space<hbm>>
      %dma_start3A_343 = arith.constant 0 : i32
      %dma_start3A_344 = tpu.memref_slice %arg12[%run_scoped3A_112, %add3A_111, %dma_start3A_343] : memref<7x6400x128xf32, #tpu.memory_space<hbm>> -> memref<1x128x128xf32, #tpu.memory_space<hbm>>
      %dma_start3A_345 = tpu.memref_squeeze %dma_start3A_344 : memref<1x128x128xf32, #tpu.memory_space<hbm>> -> memref<128x128xf32, #tpu.memory_space<hbm>>
      %dma_start3A_346 = arith.constant 0 : i32
      %dma_start3A_347 = arith.constant 0 : i32
      %dma_start3A_348 = tpu.memref_slice %arg15[%dma_start3A_346, %dma_start3A_347] : memref<128x128xf32, #tpu.memory_space<vmem>> -> memref<128x128xf32, #tpu.memory_space<vmem>>
      tpu.enqueue_dma source(%dma_start3A_348 : memref<128x128xf32, #tpu.memory_space<vmem>>) target(%dma_start3A_345 : memref<128x128xf32, #tpu.memory_space<hbm>>) target_semaphore(%run_scoped3A_336 : memref<!tpu.dma_semaphore, #tpu.memory_space<semaphore_mem>>)
      %dma_wait3A_349 = arith.constant 0 : i32
      %dma_wait3A_350 = arith.constant 0 : i32
      %dma_wait3A_351 = tpu.memref_slice %arg15[%dma_wait3A_349, %dma_wait3A_350] : memref<128x128xf32, #tpu.memory_space<vmem>> -> memref<128x128xf32, #tpu.memory_space<vmem>>
      %dma_wait3A_352 = arith.constant 0 : i32
      %dma_wait3A_353 = tpu.memref_slice %arg12[%run_scoped3A_112, %add3A_111, %dma_wait3A_352] : memref<7x6400x128xf32, #tpu.memory_space<hbm>> -> memref<1x128x128xf32, #tpu.memory_space<hbm>>
      %dma_wait3A_354 = tpu.memref_squeeze %dma_wait3A_353 : memref<1x128x128xf32, #tpu.memory_space<hbm>> -> memref<128x128xf32, #tpu.memory_space<hbm>>
      %dma_wait3A_355 = arith.constant 0 : i32
      %dma_wait3A_356 = tpu.memref_slice %arg12[%run_scoped3A_112, %add3A_111, %dma_wait3A_355] : memref<7x6400x128xf32, #tpu.memory_space<hbm>> -> memref<1x128x128xf32, #tpu.memory_space<hbm>>
      %dma_wait3A_357 = tpu.memref_squeeze %dma_wait3A_356 : memref<1x128x128xf32, #tpu.memory_space<hbm>> -> memref<128x128xf32, #tpu.memory_space<hbm>>
      %dma_wait3A_358 = arith.constant 0 : i32
      %dma_wait3A_359 = arith.constant 0 : i32
      %dma_wait3A_360 = tpu.memref_slice %arg15[%dma_wait3A_358, %dma_wait3A_359] : memref<128x128xf32, #tpu.memory_space<vmem>> -> memref<128x128xf32, #tpu.memory_space<vmem>>
      tpu.wait_dma2 semaphore(%run_scoped3A_336 : memref<!tpu.dma_semaphore, #tpu.memory_space<semaphore_mem>>) src(%dma_wait3A_360 : memref<128x128xf32, #tpu.memory_space<vmem>>) dst(%dma_wait3A_357 : memref<128x128xf32, #tpu.memory_space<hbm>>)
      tpu.yield
    }) : () -> ()
    %dma_wait3A_113 = arith.constant 0 : i32
    %dma_wait3A_114 = arith.constant 0 : i32
    %dma_wait3A_115 = tpu.memref_slice %arg16[%dma_wait3A_113, %dma_wait3A_114] : memref<128x128xf32, #tpu.memory_space<vmem>> -> memref<72x128xf32, #tpu.memory_space<vmem>>
    %dma_wait3A_116 = arith.constant 128 : i32
    %dma_wait3A_117 = tpu.memref_slice %arg17[%dma_wait3A_116] : memref<200xi32, #tpu.memory_space<vmem>> -> memref<72xi32, #tpu.memory_space<vmem>>
    %dma_wait3A_118 = arith.constant 0 : i32
    %dma_wait3A_119 = arith.constant 0 : i32
    %dma_wait3A_120 = tpu.memref_slice %arg6[%dma_wait3A_118, %dma_wait3A_119] : memref<20480x128xf32, #tpu.memory_space<hbm>> -> memref<20480x128xf32, #tpu.memory_space<hbm>>
    tpu.wait_indirect_dma semaphore(%arg23 : memref<!tpu.dma_semaphore, #tpu.memory_space<semaphore_mem>>) src(%dma_wait3A_120 : memref<20480x128xf32, #tpu.memory_space<hbm>>) dst(%dma_wait3A_115 : memref<72x128xf32, #tpu.memory_space<vmem>>)
    %dma_start3A_121 = arith.constant 0 : i32
    %dma_start3A_122 = arith.constant 0 : i32
    %dma_start3A_123 = tpu.memref_slice %arg15[%dma_start3A_121, %dma_start3A_122] : memref<128x128xf32, #tpu.memory_space<vmem>> -> memref<128x128xf32, #tpu.memory_space<vmem>>
    %dma_start3A_124 = arith.constant 0 : i32
    %dma_start3A_125 = tpu.memref_slice %arg17[%dma_start3A_124] : memref<200xi32, #tpu.memory_space<vmem>> -> memref<128xi32, #tpu.memory_space<vmem>>
    %dma_start3A_126 = arith.constant 0 : i32
    %dma_start3A_127 = arith.constant 0 : i32
    %dma_start3A_128 = tpu.memref_slice %arg7[%dma_start3A_126, %dma_start3A_127] : memref<20480x128xf32, #tpu.memory_space<hbm>> -> memref<20480x128xf32, #tpu.memory_space<hbm>>
    tpu.enqueue_indirect_dma source(%dma_start3A_128 : memref<20480x128xf32, #tpu.memory_space<hbm>>) target(%dma_start3A_123 : memref<128x128xf32, #tpu.memory_space<vmem>>) offsets(%dma_start3A_125 : memref<128xi32, #tpu.memory_space<vmem>>) semaphore(%arg22 : memref<!tpu.dma_semaphore, #tpu.memory_space<semaphore_mem>>)
    %mul3A_129 = arith.constant 200 : i32
    %mul3A_130 = arith.muli %add3A, %mul3A_129 : i32
    %add3A_131 = arith.constant 128 : i32
    %add3A_132 = arith.addi %mul3A_130, %add3A_131 : i32
    %run_scoped3A_133 = arith.constant 1 : i32
    "tpu.region"() ({
      %run_scoped3A_336 = tpu.sem_alloc : memref<!tpu.dma_semaphore, #tpu.memory_space<semaphore_mem>>
      %dma_start3A_337 = arith.constant 0 : i32
      %dma_start3A_338 = arith.constant 0 : i32
      %dma_start3A_339 = tpu.memref_slice %arg16[%dma_start3A_337, %dma_start3A_338] : memref<128x128xf32, #tpu.memory_space<vmem>> -> memref<72x128xf32, #tpu.memory_space<vmem>>
      %dma_start3A_340 = arith.constant 0 : i32
      %dma_start3A_341 = tpu.memref_slice %arg12[%run_scoped3A_133, %add3A_132, %dma_start3A_340] : memref<7x6400x128xf32, #tpu.memory_space<hbm>> -> memref<1x72x128xf32, #tpu.memory_space<hbm>>
      %dma_start3A_342 = tpu.memref_squeeze %dma_start3A_341 : memref<1x72x128xf32, #tpu.memory_space<hbm>> -> memref<72x128xf32, #tpu.memory_space<hbm>>
      %dma_start3A_343 = arith.constant 0 : i32
      %dma_start3A_344 = tpu.memref_slice %arg12[%run_scoped3A_133, %add3A_132, %dma_start3A_343] : memref<7x6400x128xf32, #tpu.memory_space<hbm>> -> memref<1x72x128xf32, #tpu.memory_space<hbm>>
      %dma_start3A_345 = tpu.memref_squeeze %dma_start3A_344 : memref<1x72x128xf32, #tpu.memory_space<hbm>> -> memref<72x128xf32, #tpu.memory_space<hbm>>
      %dma_start3A_346 = arith.constant 0 : i32
      %dma_start3A_347 = arith.constant 0 : i32
      %dma_start3A_348 = tpu.memref_slice %arg16[%dma_start3A_346, %dma_start3A_347] : memref<128x128xf32, #tpu.memory_space<vmem>> -> memref<72x128xf32, #tpu.memory_space<vmem>>
      tpu.enqueue_dma source(%dma_start3A_348 : memref<72x128xf32, #tpu.memory_space<vmem>>) target(%dma_start3A_345 : memref<72x128xf32, #tpu.memory_space<hbm>>) target_semaphore(%run_scoped3A_336 : memref<!tpu.dma_semaphore, #tpu.memory_space<semaphore_mem>>)
      %dma_wait3A_349 = arith.constant 0 : i32
      %dma_wait3A_350 = arith.constant 0 : i32
      %dma_wait3A_351 = tpu.memref_slice %arg16[%dma_wait3A_349, %dma_wait3A_350] : memref<128x128xf32, #tpu.memory_space<vmem>> -> memref<72x128xf32, #tpu.memory_space<vmem>>
      %dma_wait3A_352 = arith.constant 0 : i32
      %dma_wait3A_353 = tpu.memref_slice %arg12[%run_scoped3A_133, %add3A_132, %dma_wait3A_352] : memref<7x6400x128xf32, #tpu.memory_space<hbm>> -> memref<1x72x128xf32, #tpu.memory_space<hbm>>
      %dma_wait3A_354 = tpu.memref_squeeze %dma_wait3A_353 : memref<1x72x128xf32, #tpu.memory_space<hbm>> -> memref<72x128xf32, #tpu.memory_space<hbm>>
      %dma_wait3A_355 = arith.constant 0 : i32
      %dma_wait3A_356 = tpu.memref_slice %arg12[%run_scoped3A_133, %add3A_132, %dma_wait3A_355] : memref<7x6400x128xf32, #tpu.memory_space<hbm>> -> memref<1x72x128xf32, #tpu.memory_space<hbm>>
      %dma_wait3A_357 = tpu.memref_squeeze %dma_wait3A_356 : memref<1x72x128xf32, #tpu.memory_space<hbm>> -> memref<72x128xf32, #tpu.memory_space<hbm>>
      %dma_wait3A_358 = arith.constant 0 : i32
      %dma_wait3A_359 = arith.constant 0 : i32
      %dma_wait3A_360 = tpu.memref_slice %arg16[%dma_wait3A_358, %dma_wait3A_359] : memref<128x128xf32, #tpu.memory_space<vmem>> -> memref<72x128xf32, #tpu.memory_space<vmem>>
      tpu.wait_dma2 semaphore(%run_scoped3A_336 : memref<!tpu.dma_semaphore, #tpu.memory_space<semaphore_mem>>) src(%dma_wait3A_360 : memref<72x128xf32, #tpu.memory_space<vmem>>) dst(%dma_wait3A_357 : memref<72x128xf32, #tpu.memory_space<hbm>>)
      tpu.yield
    }) : () -> ()
    %dma_wait3A_134 = arith.constant 0 : i32
    %dma_wait3A_135 = arith.constant 0 : i32
    %dma_wait3A_136 = tpu.memref_slice %arg15[%dma_wait3A_134, %dma_wait3A_135] : memref<128x128xf32, #tpu.memory_space<vmem>> -> memref<128x128xf32, #tpu.memory_space<vmem>>
    %dma_wait3A_137 = arith.constant 0 : i32
    %dma_wait3A_138 = tpu.memref_slice %arg17[%dma_wait3A_137] : memref<200xi32, #tpu.memory_space<vmem>> -> memref<128xi32, #tpu.memory_space<vmem>>
    %dma_wait3A_139 = arith.constant 0 : i32
    %dma_wait3A_140 = arith.constant 0 : i32
    %dma_wait3A_141 = tpu.memref_slice %arg7[%dma_wait3A_139, %dma_wait3A_140] : memref<20480x128xf32, #tpu.memory_space<hbm>> -> memref<20480x128xf32, #tpu.memory_space<hbm>>
    tpu.wait_indirect_dma semaphore(%arg22 : memref<!tpu.dma_semaphore, #tpu.memory_space<semaphore_mem>>) src(%dma_wait3A_141 : memref<20480x128xf32, #tpu.memory_space<hbm>>) dst(%dma_wait3A_136 : memref<128x128xf32, #tpu.memory_space<vmem>>)
    %dma_start3A_142 = arith.constant 0 : i32
    %dma_start3A_143 = arith.constant 0 : i32
    %dma_start3A_144 = tpu.memref_slice %arg16[%dma_start3A_142, %dma_start3A_143] : memref<128x128xf32, #tpu.memory_space<vmem>> -> memref<72x128xf32, #tpu.memory_space<vmem>>
    %dma_start3A_145 = arith.constant 128 : i32
    %dma_start3A_146 = tpu.memref_slice %arg17[%dma_start3A_145] : memref<200xi32, #tpu.memory_space<vmem>> -> memref<72xi32, #tpu.memory_space<vmem>>
    %dma_start3A_147 = arith.constant 0 : i32
    %dma_start3A_148 = arith.constant 0 : i32
    %dma_start3A_149 = tpu.memref_slice %arg7[%dma_start3A_147, %dma_start3A_148] : memref<20480x128xf32, #tpu.memory_space<hbm>> -> memref<20480x128xf32, #tpu.memory_space<hbm>>
    tpu.enqueue_indirect_dma source(%dma_start3A_149 : memref<20480x128xf32, #tpu.memory_space<hbm>>) target(%dma_start3A_144 : memref<72x128xf32, #tpu.memory_space<vmem>>) offsets(%dma_start3A_146 : memref<72xi32, #tpu.memory_space<vmem>>) semaphore(%arg23 : memref<!tpu.dma_semaphore, #tpu.memory_space<semaphore_mem>>)
    %mul3A_150 = arith.constant 200 : i32
    %mul3A_151 = arith.muli %add3A, %mul3A_150 : i32
    %add3A_152 = arith.constant 0 : i32
    %add3A_153 = arith.addi %mul3A_151, %add3A_152 : i32
    %run_scoped3A_154 = arith.constant 2 : i32
    "tpu.region"() ({
      %run_scoped3A_336 = tpu.sem_alloc : memref<!tpu.dma_semaphore, #tpu.memory_space<semaphore_mem>>
      %dma_start3A_337 = arith.constant 0 : i32
      %dma_start3A_338 = arith.constant 0 : i32
      %dma_start3A_339 = tpu.memref_slice %arg15[%dma_start3A_337, %dma_start3A_338] : memref<128x128xf32, #tpu.memory_space<vmem>> -> memref<128x128xf32, #tpu.memory_space<vmem>>
      %dma_start3A_340 = arith.constant 0 : i32
      %dma_start3A_341 = tpu.memref_slice %arg12[%run_scoped3A_154, %add3A_153, %dma_start3A_340] : memref<7x6400x128xf32, #tpu.memory_space<hbm>> -> memref<1x128x128xf32, #tpu.memory_space<hbm>>
      %dma_start3A_342 = tpu.memref_squeeze %dma_start3A_341 : memref<1x128x128xf32, #tpu.memory_space<hbm>> -> memref<128x128xf32, #tpu.memory_space<hbm>>
      %dma_start3A_343 = arith.constant 0 : i32
      %dma_start3A_344 = tpu.memref_slice %arg12[%run_scoped3A_154, %add3A_153, %dma_start3A_343] : memref<7x6400x128xf32, #tpu.memory_space<hbm>> -> memref<1x128x128xf32, #tpu.memory_space<hbm>>
      %dma_start3A_345 = tpu.memref_squeeze %dma_start3A_344 : memref<1x128x128xf32, #tpu.memory_space<hbm>> -> memref<128x128xf32, #tpu.memory_space<hbm>>
      %dma_start3A_346 = arith.constant 0 : i32
      %dma_start3A_347 = arith.constant 0 : i32
      %dma_start3A_348 = tpu.memref_slice %arg15[%dma_start3A_346, %dma_start3A_347] : memref<128x128xf32, #tpu.memory_space<vmem>> -> memref<128x128xf32, #tpu.memory_space<vmem>>
      tpu.enqueue_dma source(%dma_start3A_348 : memref<128x128xf32, #tpu.memory_space<vmem>>) target(%dma_start3A_345 : memref<128x128xf32, #tpu.memory_space<hbm>>) target_semaphore(%run_scoped3A_336 : memref<!tpu.dma_semaphore, #tpu.memory_space<semaphore_mem>>)
      %dma_wait3A_349 = arith.constant 0 : i32
      %dma_wait3A_350 = arith.constant 0 : i32
      %dma_wait3A_351 = tpu.memref_slice %arg15[%dma_wait3A_349, %dma_wait3A_350] : memref<128x128xf32, #tpu.memory_space<vmem>> -> memref<128x128xf32, #tpu.memory_space<vmem>>
      %dma_wait3A_352 = arith.constant 0 : i32
      %dma_wait3A_353 = tpu.memref_slice %arg12[%run_scoped3A_154, %add3A_153, %dma_wait3A_352] : memref<7x6400x128xf32, #tpu.memory_space<hbm>> -> memref<1x128x128xf32, #tpu.memory_space<hbm>>
      %dma_wait3A_354 = tpu.memref_squeeze %dma_wait3A_353 : memref<1x128x128xf32, #tpu.memory_space<hbm>> -> memref<128x128xf32, #tpu.memory_space<hbm>>
      %dma_wait3A_355 = arith.constant 0 : i32
      %dma_wait3A_356 = tpu.memref_slice %arg12[%run_scoped3A_154, %add3A_153, %dma_wait3A_355] : memref<7x6400x128xf32, #tpu.memory_space<hbm>> -> memref<1x128x128xf32, #tpu.memory_space<hbm>>
      %dma_wait3A_357 = tpu.memref_squeeze %dma_wait3A_356 : memref<1x128x128xf32, #tpu.memory_space<hbm>> -> memref<128x128xf32, #tpu.memory_space<hbm>>
      %dma_wait3A_358 = arith.constant 0 : i32
      %dma_wait3A_359 = arith.constant 0 : i32
      %dma_wait3A_360 = tpu.memref_slice %arg15[%dma_wait3A_358, %dma_wait3A_359] : memref<128x128xf32, #tpu.memory_space<vmem>> -> memref<128x128xf32, #tpu.memory_space<vmem>>
      tpu.wait_dma2 semaphore(%run_scoped3A_336 : memref<!tpu.dma_semaphore, #tpu.memory_space<semaphore_mem>>) src(%dma_wait3A_360 : memref<128x128xf32, #tpu.memory_space<vmem>>) dst(%dma_wait3A_357 : memref<128x128xf32, #tpu.memory_space<hbm>>)
      tpu.yield
    }) : () -> ()
    %dma_wait3A_155 = arith.constant 0 : i32
    %dma_wait3A_156 = arith.constant 0 : i32
    %dma_wait3A_157 = tpu.memref_slice %arg16[%dma_wait3A_155, %dma_wait3A_156] : memref<128x128xf32, #tpu.memory_space<vmem>> -> memref<72x128xf32, #tpu.memory_space<vmem>>
    %dma_wait3A_158 = arith.constant 128 : i32
    %dma_wait3A_159 = tpu.memref_slice %arg17[%dma_wait3A_158] : memref<200xi32, #tpu.memory_space<vmem>> -> memref<72xi32, #tpu.memory_space<vmem>>
    %dma_wait3A_160 = arith.constant 0 : i32
    %dma_wait3A_161 = arith.constant 0 : i32
    %dma_wait3A_162 = tpu.memref_slice %arg7[%dma_wait3A_160, %dma_wait3A_161] : memref<20480x128xf32, #tpu.memory_space<hbm>> -> memref<20480x128xf32, #tpu.memory_space<hbm>>
    tpu.wait_indirect_dma semaphore(%arg23 : memref<!tpu.dma_semaphore, #tpu.memory_space<semaphore_mem>>) src(%dma_wait3A_162 : memref<20480x128xf32, #tpu.memory_space<hbm>>) dst(%dma_wait3A_157 : memref<72x128xf32, #tpu.memory_space<vmem>>)
    %dma_start3A_163 = arith.constant 0 : i32
    %dma_start3A_164 = arith.constant 0 : i32
    %dma_start3A_165 = tpu.memref_slice %arg15[%dma_start3A_163, %dma_start3A_164] : memref<128x128xf32, #tpu.memory_space<vmem>> -> memref<128x128xf32, #tpu.memory_space<vmem>>
    %dma_start3A_166 = arith.constant 0 : i32
    %dma_start3A_167 = tpu.memref_slice %arg17[%dma_start3A_166] : memref<200xi32, #tpu.memory_space<vmem>> -> memref<128xi32, #tpu.memory_space<vmem>>
    %dma_start3A_168 = arith.constant 0 : i32
    %dma_start3A_169 = arith.constant 0 : i32
    %dma_start3A_170 = tpu.memref_slice %arg8[%dma_start3A_168, %dma_start3A_169] : memref<20480x128xf32, #tpu.memory_space<hbm>> -> memref<20480x128xf32, #tpu.memory_space<hbm>>
    tpu.enqueue_indirect_dma source(%dma_start3A_170 : memref<20480x128xf32, #tpu.memory_space<hbm>>) target(%dma_start3A_165 : memref<128x128xf32, #tpu.memory_space<vmem>>) offsets(%dma_start3A_167 : memref<128xi32, #tpu.memory_space<vmem>>) semaphore(%arg22 : memref<!tpu.dma_semaphore, #tpu.memory_space<semaphore_mem>>)
    %mul3A_171 = arith.constant 200 : i32
    %mul3A_172 = arith.muli %add3A, %mul3A_171 : i32
    %add3A_173 = arith.constant 128 : i32
    %add3A_174 = arith.addi %mul3A_172, %add3A_173 : i32
    %run_scoped3A_175 = arith.constant 2 : i32
    "tpu.region"() ({
      %run_scoped3A_336 = tpu.sem_alloc : memref<!tpu.dma_semaphore, #tpu.memory_space<semaphore_mem>>
      %dma_start3A_337 = arith.constant 0 : i32
      %dma_start3A_338 = arith.constant 0 : i32
      %dma_start3A_339 = tpu.memref_slice %arg16[%dma_start3A_337, %dma_start3A_338] : memref<128x128xf32, #tpu.memory_space<vmem>> -> memref<72x128xf32, #tpu.memory_space<vmem>>
      %dma_start3A_340 = arith.constant 0 : i32
      %dma_start3A_341 = tpu.memref_slice %arg12[%run_scoped3A_175, %add3A_174, %dma_start3A_340] : memref<7x6400x128xf32, #tpu.memory_space<hbm>> -> memref<1x72x128xf32, #tpu.memory_space<hbm>>
      %dma_start3A_342 = tpu.memref_squeeze %dma_start3A_341 : memref<1x72x128xf32, #tpu.memory_space<hbm>> -> memref<72x128xf32, #tpu.memory_space<hbm>>
      %dma_start3A_343 = arith.constant 0 : i32
      %dma_start3A_344 = tpu.memref_slice %arg12[%run_scoped3A_175, %add3A_174, %dma_start3A_343] : memref<7x6400x128xf32, #tpu.memory_space<hbm>> -> memref<1x72x128xf32, #tpu.memory_space<hbm>>
      %dma_start3A_345 = tpu.memref_squeeze %dma_start3A_344 : memref<1x72x128xf32, #tpu.memory_space<hbm>> -> memref<72x128xf32, #tpu.memory_space<hbm>>
      %dma_start3A_346 = arith.constant 0 : i32
      %dma_start3A_347 = arith.constant 0 : i32
      %dma_start3A_348 = tpu.memref_slice %arg16[%dma_start3A_346, %dma_start3A_347] : memref<128x128xf32, #tpu.memory_space<vmem>> -> memref<72x128xf32, #tpu.memory_space<vmem>>
      tpu.enqueue_dma source(%dma_start3A_348 : memref<72x128xf32, #tpu.memory_space<vmem>>) target(%dma_start3A_345 : memref<72x128xf32, #tpu.memory_space<hbm>>) target_semaphore(%run_scoped3A_336 : memref<!tpu.dma_semaphore, #tpu.memory_space<semaphore_mem>>)
      %dma_wait3A_349 = arith.constant 0 : i32
      %dma_wait3A_350 = arith.constant 0 : i32
      %dma_wait3A_351 = tpu.memref_slice %arg16[%dma_wait3A_349, %dma_wait3A_350] : memref<128x128xf32, #tpu.memory_space<vmem>> -> memref<72x128xf32, #tpu.memory_space<vmem>>
      %dma_wait3A_352 = arith.constant 0 : i32
      %dma_wait3A_353 = tpu.memref_slice %arg12[%run_scoped3A_175, %add3A_174, %dma_wait3A_352] : memref<7x6400x128xf32, #tpu.memory_space<hbm>> -> memref<1x72x128xf32, #tpu.memory_space<hbm>>
      %dma_wait3A_354 = tpu.memref_squeeze %dma_wait3A_353 : memref<1x72x128xf32, #tpu.memory_space<hbm>> -> memref<72x128xf32, #tpu.memory_space<hbm>>
      %dma_wait3A_355 = arith.constant 0 : i32
      %dma_wait3A_356 = tpu.memref_slice %arg12[%run_scoped3A_175, %add3A_174, %dma_wait3A_355] : memref<7x6400x128xf32, #tpu.memory_space<hbm>> -> memref<1x72x128xf32, #tpu.memory_space<hbm>>
      %dma_wait3A_357 = tpu.memref_squeeze %dma_wait3A_356 : memref<1x72x128xf32, #tpu.memory_space<hbm>> -> memref<72x128xf32, #tpu.memory_space<hbm>>
      %dma_wait3A_358 = arith.constant 0 : i32
      %dma_wait3A_359 = arith.constant 0 : i32
      %dma_wait3A_360 = tpu.memref_slice %arg16[%dma_wait3A_358, %dma_wait3A_359] : memref<128x128xf32, #tpu.memory_space<vmem>> -> memref<72x128xf32, #tpu.memory_space<vmem>>
      tpu.wait_dma2 semaphore(%run_scoped3A_336 : memref<!tpu.dma_semaphore, #tpu.memory_space<semaphore_mem>>) src(%dma_wait3A_360 : memref<72x128xf32, #tpu.memory_space<vmem>>) dst(%dma_wait3A_357 : memref<72x128xf32, #tpu.memory_space<hbm>>)
      tpu.yield
    }) : () -> ()
    %dma_wait3A_176 = arith.constant 0 : i32
    %dma_wait3A_177 = arith.constant 0 : i32
    %dma_wait3A_178 = tpu.memref_slice %arg15[%dma_wait3A_176, %dma_wait3A_177] : memref<128x128xf32, #tpu.memory_space<vmem>> -> memref<128x128xf32, #tpu.memory_space<vmem>>
    %dma_wait3A_179 = arith.constant 0 : i32
    %dma_wait3A_180 = tpu.memref_slice %arg17[%dma_wait3A_179] : memref<200xi32, #tpu.memory_space<vmem>> -> memref<128xi32, #tpu.memory_space<vmem>>
    %dma_wait3A_181 = arith.constant 0 : i32
    %dma_wait3A_182 = arith.constant 0 : i32
    %dma_wait3A_183 = tpu.memref_slice %arg8[%dma_wait3A_181, %dma_wait3A_182] : memref<20480x128xf32, #tpu.memory_space<hbm>> -> memref<20480x128xf32, #tpu.memory_space<hbm>>
    tpu.wait_indirect_dma semaphore(%arg22 : memref<!tpu.dma_semaphore, #tpu.memory_space<semaphore_mem>>) src(%dma_wait3A_183 : memref<20480x128xf32, #tpu.memory_space<hbm>>) dst(%dma_wait3A_178 : memref<128x128xf32, #tpu.memory_space<vmem>>)
    %dma_start3A_184 = arith.constant 0 : i32
    %dma_start3A_185 = arith.constant 0 : i32
    %dma_start3A_186 = tpu.memref_slice %arg16[%dma_start3A_184, %dma_start3A_185] : memref<128x128xf32, #tpu.memory_space<vmem>> -> memref<72x128xf32, #tpu.memory_space<vmem>>
    %dma_start3A_187 = arith.constant 128 : i32
    %dma_start3A_188 = tpu.memref_slice %arg17[%dma_start3A_187] : memref<200xi32, #tpu.memory_space<vmem>> -> memref<72xi32, #tpu.memory_space<vmem>>
    %dma_start3A_189 = arith.constant 0 : i32
    %dma_start3A_190 = arith.constant 0 : i32
    %dma_start3A_191 = tpu.memref_slice %arg8[%dma_start3A_189, %dma_start3A_190] : memref<20480x128xf32, #tpu.memory_space<hbm>> -> memref<20480x128xf32, #tpu.memory_space<hbm>>
    tpu.enqueue_indirect_dma source(%dma_start3A_191 : memref<20480x128xf32, #tpu.memory_space<hbm>>) target(%dma_start3A_186 : memref<72x128xf32, #tpu.memory_space<vmem>>) offsets(%dma_start3A_188 : memref<72xi32, #tpu.memory_space<vmem>>) semaphore(%arg23 : memref<!tpu.dma_semaphore, #tpu.memory_space<semaphore_mem>>)
    %mul3A_192 = arith.constant 200 : i32
    %mul3A_193 = arith.muli %add3A, %mul3A_192 : i32
    %add3A_194 = arith.constant 0 : i32
    %add3A_195 = arith.addi %mul3A_193, %add3A_194 : i32
    %run_scoped3A_196 = arith.constant 3 : i32
    "tpu.region"() ({
      %run_scoped3A_336 = tpu.sem_alloc : memref<!tpu.dma_semaphore, #tpu.memory_space<semaphore_mem>>
      %dma_start3A_337 = arith.constant 0 : i32
      %dma_start3A_338 = arith.constant 0 : i32
      %dma_start3A_339 = tpu.memref_slice %arg15[%dma_start3A_337, %dma_start3A_338] : memref<128x128xf32, #tpu.memory_space<vmem>> -> memref<128x128xf32, #tpu.memory_space<vmem>>
      %dma_start3A_340 = arith.constant 0 : i32
      %dma_start3A_341 = tpu.memref_slice %arg12[%run_scoped3A_196, %add3A_195, %dma_start3A_340] : memref<7x6400x128xf32, #tpu.memory_space<hbm>> -> memref<1x128x128xf32, #tpu.memory_space<hbm>>
      %dma_start3A_342 = tpu.memref_squeeze %dma_start3A_341 : memref<1x128x128xf32, #tpu.memory_space<hbm>> -> memref<128x128xf32, #tpu.memory_space<hbm>>
      %dma_start3A_343 = arith.constant 0 : i32
      %dma_start3A_344 = tpu.memref_slice %arg12[%run_scoped3A_196, %add3A_195, %dma_start3A_343] : memref<7x6400x128xf32, #tpu.memory_space<hbm>> -> memref<1x128x128xf32, #tpu.memory_space<hbm>>
      %dma_start3A_345 = tpu.memref_squeeze %dma_start3A_344 : memref<1x128x128xf32, #tpu.memory_space<hbm>> -> memref<128x128xf32, #tpu.memory_space<hbm>>
      %dma_start3A_346 = arith.constant 0 : i32
      %dma_start3A_347 = arith.constant 0 : i32
      %dma_start3A_348 = tpu.memref_slice %arg15[%dma_start3A_346, %dma_start3A_347] : memref<128x128xf32, #tpu.memory_space<vmem>> -> memref<128x128xf32, #tpu.memory_space<vmem>>
      tpu.enqueue_dma source(%dma_start3A_348 : memref<128x128xf32, #tpu.memory_space<vmem>>) target(%dma_start3A_345 : memref<128x128xf32, #tpu.memory_space<hbm>>) target_semaphore(%run_scoped3A_336 : memref<!tpu.dma_semaphore, #tpu.memory_space<semaphore_mem>>)
      %dma_wait3A_349 = arith.constant 0 : i32
      %dma_wait3A_350 = arith.constant 0 : i32
      %dma_wait3A_351 = tpu.memref_slice %arg15[%dma_wait3A_349, %dma_wait3A_350] : memref<128x128xf32, #tpu.memory_space<vmem>> -> memref<128x128xf32, #tpu.memory_space<vmem>>
      %dma_wait3A_352 = arith.constant 0 : i32
      %dma_wait3A_353 = tpu.memref_slice %arg12[%run_scoped3A_196, %add3A_195, %dma_wait3A_352] : memref<7x6400x128xf32, #tpu.memory_space<hbm>> -> memref<1x128x128xf32, #tpu.memory_space<hbm>>
      %dma_wait3A_354 = tpu.memref_squeeze %dma_wait3A_353 : memref<1x128x128xf32, #tpu.memory_space<hbm>> -> memref<128x128xf32, #tpu.memory_space<hbm>>
      %dma_wait3A_355 = arith.constant 0 : i32
      %dma_wait3A_356 = tpu.memref_slice %arg12[%run_scoped3A_196, %add3A_195, %dma_wait3A_355] : memref<7x6400x128xf32, #tpu.memory_space<hbm>> -> memref<1x128x128xf32, #tpu.memory_space<hbm>>
      %dma_wait3A_357 = tpu.memref_squeeze %dma_wait3A_356 : memref<1x128x128xf32, #tpu.memory_space<hbm>> -> memref<128x128xf32, #tpu.memory_space<hbm>>
      %dma_wait3A_358 = arith.constant 0 : i32
      %dma_wait3A_359 = arith.constant 0 : i32
      %dma_wait3A_360 = tpu.memref_slice %arg15[%dma_wait3A_358, %dma_wait3A_359] : memref<128x128xf32, #tpu.memory_space<vmem>> -> memref<128x128xf32, #tpu.memory_space<vmem>>
      tpu.wait_dma2 semaphore(%run_scoped3A_336 : memref<!tpu.dma_semaphore, #tpu.memory_space<semaphore_mem>>) src(%dma_wait3A_360 : memref<128x128xf32, #tpu.memory_space<vmem>>) dst(%dma_wait3A_357 : memref<128x128xf32, #tpu.memory_space<hbm>>)
      tpu.yield
    }) : () -> ()
    %dma_wait3A_197 = arith.constant 0 : i32
    %dma_wait3A_198 = arith.constant 0 : i32
    %dma_wait3A_199 = tpu.memref_slice %arg16[%dma_wait3A_197, %dma_wait3A_198] : memref<128x128xf32, #tpu.memory_space<vmem>> -> memref<72x128xf32, #tpu.memory_space<vmem>>
    %dma_wait3A_200 = arith.constant 128 : i32
    %dma_wait3A_201 = tpu.memref_slice %arg17[%dma_wait3A_200] : memref<200xi32, #tpu.memory_space<vmem>> -> memref<72xi32, #tpu.memory_space<vmem>>
    %dma_wait3A_202 = arith.constant 0 : i32
    %dma_wait3A_203 = arith.constant 0 : i32
    %dma_wait3A_204 = tpu.memref_slice %arg8[%dma_wait3A_202, %dma_wait3A_203] : memref<20480x128xf32, #tpu.memory_space<hbm>> -> memref<20480x128xf32, #tpu.memory_space<hbm>>
    tpu.wait_indirect_dma semaphore(%arg23 : memref<!tpu.dma_semaphore, #tpu.memory_space<semaphore_mem>>) src(%dma_wait3A_204 : memref<20480x128xf32, #tpu.memory_space<hbm>>) dst(%dma_wait3A_199 : memref<72x128xf32, #tpu.memory_space<vmem>>)
    %dma_start3A_205 = arith.constant 0 : i32
    %dma_start3A_206 = arith.constant 0 : i32
    %dma_start3A_207 = tpu.memref_slice %arg15[%dma_start3A_205, %dma_start3A_206] : memref<128x128xf32, #tpu.memory_space<vmem>> -> memref<128x128xf32, #tpu.memory_space<vmem>>
    %dma_start3A_208 = arith.constant 0 : i32
    %dma_start3A_209 = tpu.memref_slice %arg17[%dma_start3A_208] : memref<200xi32, #tpu.memory_space<vmem>> -> memref<128xi32, #tpu.memory_space<vmem>>
    %dma_start3A_210 = arith.constant 0 : i32
    %dma_start3A_211 = arith.constant 0 : i32
    %dma_start3A_212 = tpu.memref_slice %arg2[%dma_start3A_210, %dma_start3A_211] : memref<20480x128xf32, #tpu.memory_space<hbm>> -> memref<20480x128xf32, #tpu.memory_space<hbm>>
    tpu.enqueue_indirect_dma source(%dma_start3A_212 : memref<20480x128xf32, #tpu.memory_space<hbm>>) target(%dma_start3A_207 : memref<128x128xf32, #tpu.memory_space<vmem>>) offsets(%dma_start3A_209 : memref<128xi32, #tpu.memory_space<vmem>>) semaphore(%arg22 : memref<!tpu.dma_semaphore, #tpu.memory_space<semaphore_mem>>)
    %mul3A_213 = arith.constant 200 : i32
    %mul3A_214 = arith.muli %add3A, %mul3A_213 : i32
    %add3A_215 = arith.constant 128 : i32
    %add3A_216 = arith.addi %mul3A_214, %add3A_215 : i32
    %run_scoped3A_217 = arith.constant 3 : i32
    "tpu.region"() ({
      %run_scoped3A_336 = tpu.sem_alloc : memref<!tpu.dma_semaphore, #tpu.memory_space<semaphore_mem>>
      %dma_start3A_337 = arith.constant 0 : i32
      %dma_start3A_338 = arith.constant 0 : i32
      %dma_start3A_339 = tpu.memref_slice %arg16[%dma_start3A_337, %dma_start3A_338] : memref<128x128xf32, #tpu.memory_space<vmem>> -> memref<72x128xf32, #tpu.memory_space<vmem>>
      %dma_start3A_340 = arith.constant 0 : i32
      %dma_start3A_341 = tpu.memref_slice %arg12[%run_scoped3A_217, %add3A_216, %dma_start3A_340] : memref<7x6400x128xf32, #tpu.memory_space<hbm>> -> memref<1x72x128xf32, #tpu.memory_space<hbm>>
      %dma_start3A_342 = tpu.memref_squeeze %dma_start3A_341 : memref<1x72x128xf32, #tpu.memory_space<hbm>> -> memref<72x128xf32, #tpu.memory_space<hbm>>
      %dma_start3A_343 = arith.constant 0 : i32
      %dma_start3A_344 = tpu.memref_slice %arg12[%run_scoped3A_217, %add3A_216, %dma_start3A_343] : memref<7x6400x128xf32, #tpu.memory_space<hbm>> -> memref<1x72x128xf32, #tpu.memory_space<hbm>>
      %dma_start3A_345 = tpu.memref_squeeze %dma_start3A_344 : memref<1x72x128xf32, #tpu.memory_space<hbm>> -> memref<72x128xf32, #tpu.memory_space<hbm>>
      %dma_start3A_346 = arith.constant 0 : i32
      %dma_start3A_347 = arith.constant 0 : i32
      %dma_start3A_348 = tpu.memref_slice %arg16[%dma_start3A_346, %dma_start3A_347] : memref<128x128xf32, #tpu.memory_space<vmem>> -> memref<72x128xf32, #tpu.memory_space<vmem>>
      tpu.enqueue_dma source(%dma_start3A_348 : memref<72x128xf32, #tpu.memory_space<vmem>>) target(%dma_start3A_345 : memref<72x128xf32, #tpu.memory_space<hbm>>) target_semaphore(%run_scoped3A_336 : memref<!tpu.dma_semaphore, #tpu.memory_space<semaphore_mem>>)
      %dma_wait3A_349 = arith.constant 0 : i32
      %dma_wait3A_350 = arith.constant 0 : i32
      %dma_wait3A_351 = tpu.memref_slice %arg16[%dma_wait3A_349, %dma_wait3A_350] : memref<128x128xf32, #tpu.memory_space<vmem>> -> memref<72x128xf32, #tpu.memory_space<vmem>>
      %dma_wait3A_352 = arith.constant 0 : i32
      %dma_wait3A_353 = tpu.memref_slice %arg12[%run_scoped3A_217, %add3A_216, %dma_wait3A_352] : memref<7x6400x128xf32, #tpu.memory_space<hbm>> -> memref<1x72x128xf32, #tpu.memory_space<hbm>>
      %dma_wait3A_354 = tpu.memref_squeeze %dma_wait3A_353 : memref<1x72x128xf32, #tpu.memory_space<hbm>> -> memref<72x128xf32, #tpu.memory_space<hbm>>
      %dma_wait3A_355 = arith.constant 0 : i32
      %dma_wait3A_356 = tpu.memref_slice %arg12[%run_scoped3A_217, %add3A_216, %dma_wait3A_355] : memref<7x6400x128xf32, #tpu.memory_space<hbm>> -> memref<1x72x128xf32, #tpu.memory_space<hbm>>
      %dma_wait3A_357 = tpu.memref_squeeze %dma_wait3A_356 : memref<1x72x128xf32, #tpu.memory_space<hbm>> -> memref<72x128xf32, #tpu.memory_space<hbm>>
      %dma_wait3A_358 = arith.constant 0 : i32
      %dma_wait3A_359 = arith.constant 0 : i32
      %dma_wait3A_360 = tpu.memref_slice %arg16[%dma_wait3A_358, %dma_wait3A_359] : memref<128x128xf32, #tpu.memory_space<vmem>> -> memref<72x128xf32, #tpu.memory_space<vmem>>
      tpu.wait_dma2 semaphore(%run_scoped3A_336 : memref<!tpu.dma_semaphore, #tpu.memory_space<semaphore_mem>>) src(%dma_wait3A_360 : memref<72x128xf32, #tpu.memory_space<vmem>>) dst(%dma_wait3A_357 : memref<72x128xf32, #tpu.memory_space<hbm>>)
      tpu.yield
    }) : () -> ()
    %dma_wait3A_218 = arith.constant 0 : i32
    %dma_wait3A_219 = arith.constant 0 : i32
    %dma_wait3A_220 = tpu.memref_slice %arg15[%dma_wait3A_218, %dma_wait3A_219] : memref<128x128xf32, #tpu.memory_space<vmem>> -> memref<128x128xf32, #tpu.memory_space<vmem>>
    %dma_wait3A_221 = arith.constant 0 : i32
    %dma_wait3A_222 = tpu.memref_slice %arg17[%dma_wait3A_221] : memref<200xi32, #tpu.memory_space<vmem>> -> memref<128xi32, #tpu.memory_space<vmem>>
    %dma_wait3A_223 = arith.constant 0 : i32
    %dma_wait3A_224 = arith.constant 0 : i32
    %dma_wait3A_225 = tpu.memref_slice %arg2[%dma_wait3A_223, %dma_wait3A_224] : memref<20480x128xf32, #tpu.memory_space<hbm>> -> memref<20480x128xf32, #tpu.memory_space<hbm>>
    tpu.wait_indirect_dma semaphore(%arg22 : memref<!tpu.dma_semaphore, #tpu.memory_space<semaphore_mem>>) src(%dma_wait3A_225 : memref<20480x128xf32, #tpu.memory_space<hbm>>) dst(%dma_wait3A_220 : memref<128x128xf32, #tpu.memory_space<vmem>>)
    %dma_start3A_226 = arith.constant 0 : i32
    %dma_start3A_227 = arith.constant 0 : i32
    %dma_start3A_228 = tpu.memref_slice %arg16[%dma_start3A_226, %dma_start3A_227] : memref<128x128xf32, #tpu.memory_space<vmem>> -> memref<72x128xf32, #tpu.memory_space<vmem>>
    %dma_start3A_229 = arith.constant 128 : i32
    %dma_start3A_230 = tpu.memref_slice %arg17[%dma_start3A_229] : memref<200xi32, #tpu.memory_space<vmem>> -> memref<72xi32, #tpu.memory_space<vmem>>
    %dma_start3A_231 = arith.constant 0 : i32
    %dma_start3A_232 = arith.constant 0 : i32
    %dma_start3A_233 = tpu.memref_slice %arg2[%dma_start3A_231, %dma_start3A_232] : memref<20480x128xf32, #tpu.memory_space<hbm>> -> memref<20480x128xf32, #tpu.memory_space<hbm>>
    tpu.enqueue_indirect_dma source(%dma_start3A_233 : memref<20480x128xf32, #tpu.memory_space<hbm>>) target(%dma_start3A_228 : memref<72x128xf32, #tpu.memory_space<vmem>>) offsets(%dma_start3A_230 : memref<72xi32, #tpu.memory_space<vmem>>) semaphore(%arg23 : memref<!tpu.dma_semaphore, #tpu.memory_space<semaphore_mem>>)
    %mul3A_234 = arith.constant 200 : i32
    %mul3A_235 = arith.muli %add3A, %mul3A_234 : i32
    %add3A_236 = arith.constant 0 : i32
    %add3A_237 = arith.addi %mul3A_235, %add3A_236 : i32
    %run_scoped3A_238 = arith.constant 4 : i32
    "tpu.region"() ({
      %run_scoped3A_336 = tpu.sem_alloc : memref<!tpu.dma_semaphore, #tpu.memory_space<semaphore_mem>>
      %dma_start3A_337 = arith.constant 0 : i32
      %dma_start3A_338 = arith.constant 0 : i32
      %dma_start3A_339 = tpu.memref_slice %arg15[%dma_start3A_337, %dma_start3A_338] : memref<128x128xf32, #tpu.memory_space<vmem>> -> memref<128x128xf32, #tpu.memory_space<vmem>>
      %dma_start3A_340 = arith.constant 0 : i32
      %dma_start3A_341 = tpu.memref_slice %arg12[%run_scoped3A_238, %add3A_237, %dma_start3A_340] : memref<7x6400x128xf32, #tpu.memory_space<hbm>> -> memref<1x128x128xf32, #tpu.memory_space<hbm>>
      %dma_start3A_342 = tpu.memref_squeeze %dma_start3A_341 : memref<1x128x128xf32, #tpu.memory_space<hbm>> -> memref<128x128xf32, #tpu.memory_space<hbm>>
      %dma_start3A_343 = arith.constant 0 : i32
      %dma_start3A_344 = tpu.memref_slice %arg12[%run_scoped3A_238, %add3A_237, %dma_start3A_343] : memref<7x6400x128xf32, #tpu.memory_space<hbm>> -> memref<1x128x128xf32, #tpu.memory_space<hbm>>
      %dma_start3A_345 = tpu.memref_squeeze %dma_start3A_344 : memref<1x128x128xf32, #tpu.memory_space<hbm>> -> memref<128x128xf32, #tpu.memory_space<hbm>>
      %dma_start3A_346 = arith.constant 0 : i32
      %dma_start3A_347 = arith.constant 0 : i32
      %dma_start3A_348 = tpu.memref_slice %arg15[%dma_start3A_346, %dma_start3A_347] : memref<128x128xf32, #tpu.memory_space<vmem>> -> memref<128x128xf32, #tpu.memory_space<vmem>>
      tpu.enqueue_dma source(%dma_start3A_348 : memref<128x128xf32, #tpu.memory_space<vmem>>) target(%dma_start3A_345 : memref<128x128xf32, #tpu.memory_space<hbm>>) target_semaphore(%run_scoped3A_336 : memref<!tpu.dma_semaphore, #tpu.memory_space<semaphore_mem>>)
      %dma_wait3A_349 = arith.constant 0 : i32
      %dma_wait3A_350 = arith.constant 0 : i32
      %dma_wait3A_351 = tpu.memref_slice %arg15[%dma_wait3A_349, %dma_wait3A_350] : memref<128x128xf32, #tpu.memory_space<vmem>> -> memref<128x128xf32, #tpu.memory_space<vmem>>
      %dma_wait3A_352 = arith.constant 0 : i32
      %dma_wait3A_353 = tpu.memref_slice %arg12[%run_scoped3A_238, %add3A_237, %dma_wait3A_352] : memref<7x6400x128xf32, #tpu.memory_space<hbm>> -> memref<1x128x128xf32, #tpu.memory_space<hbm>>
      %dma_wait3A_354 = tpu.memref_squeeze %dma_wait3A_353 : memref<1x128x128xf32, #tpu.memory_space<hbm>> -> memref<128x128xf32, #tpu.memory_space<hbm>>
      %dma_wait3A_355 = arith.constant 0 : i32
      %dma_wait3A_356 = tpu.memref_slice %arg12[%run_scoped3A_238, %add3A_237, %dma_wait3A_355] : memref<7x6400x128xf32, #tpu.memory_space<hbm>> -> memref<1x128x128xf32, #tpu.memory_space<hbm>>
      %dma_wait3A_357 = tpu.memref_squeeze %dma_wait3A_356 : memref<1x128x128xf32, #tpu.memory_space<hbm>> -> memref<128x128xf32, #tpu.memory_space<hbm>>
      %dma_wait3A_358 = arith.constant 0 : i32
      %dma_wait3A_359 = arith.constant 0 : i32
      %dma_wait3A_360 = tpu.memref_slice %arg15[%dma_wait3A_358, %dma_wait3A_359] : memref<128x128xf32, #tpu.memory_space<vmem>> -> memref<128x128xf32, #tpu.memory_space<vmem>>
      tpu.wait_dma2 semaphore(%run_scoped3A_336 : memref<!tpu.dma_semaphore, #tpu.memory_space<semaphore_mem>>) src(%dma_wait3A_360 : memref<128x128xf32, #tpu.memory_space<vmem>>) dst(%dma_wait3A_357 : memref<128x128xf32, #tpu.memory_space<hbm>>)
      tpu.yield
    }) : () -> ()
    %dma_wait3A_239 = arith.constant 0 : i32
    %dma_wait3A_240 = arith.constant 0 : i32
    %dma_wait3A_241 = tpu.memref_slice %arg16[%dma_wait3A_239, %dma_wait3A_240] : memref<128x128xf32, #tpu.memory_space<vmem>> -> memref<72x128xf32, #tpu.memory_space<vmem>>
    %dma_wait3A_242 = arith.constant 128 : i32
    %dma_wait3A_243 = tpu.memref_slice %arg17[%dma_wait3A_242] : memref<200xi32, #tpu.memory_space<vmem>> -> memref<72xi32, #tpu.memory_space<vmem>>
    %dma_wait3A_244 = arith.constant 0 : i32
    %dma_wait3A_245 = arith.constant 0 : i32
    %dma_wait3A_246 = tpu.memref_slice %arg2[%dma_wait3A_244, %dma_wait3A_245] : memref<20480x128xf32, #tpu.memory_space<hbm>> -> memref<20480x128xf32, #tpu.memory_space<hbm>>
    tpu.wait_indirect_dma semaphore(%arg23 : memref<!tpu.dma_semaphore, #tpu.memory_space<semaphore_mem>>) src(%dma_wait3A_246 : memref<20480x128xf32, #tpu.memory_space<hbm>>) dst(%dma_wait3A_241 : memref<72x128xf32, #tpu.memory_space<vmem>>)
    %dma_start3A_247 = arith.constant 0 : i32
    %dma_start3A_248 = arith.constant 0 : i32
    %dma_start3A_249 = tpu.memref_slice %arg15[%dma_start3A_247, %dma_start3A_248] : memref<128x128xf32, #tpu.memory_space<vmem>> -> memref<128x128xf32, #tpu.memory_space<vmem>>
    %dma_start3A_250 = arith.constant 0 : i32
    %dma_start3A_251 = tpu.memref_slice %arg17[%dma_start3A_250] : memref<200xi32, #tpu.memory_space<vmem>> -> memref<128xi32, #tpu.memory_space<vmem>>
    %dma_start3A_252 = arith.constant 0 : i32
    %dma_start3A_253 = arith.constant 0 : i32
    %dma_start3A_254 = tpu.memref_slice %arg9[%dma_start3A_252, %dma_start3A_253] : memref<20480x128xf32, #tpu.memory_space<hbm>> -> memref<20480x128xf32, #tpu.memory_space<hbm>>
    tpu.enqueue_indirect_dma source(%dma_start3A_254 : memref<20480x128xf32, #tpu.memory_space<hbm>>) target(%dma_start3A_249 : memref<128x128xf32, #tpu.memory_space<vmem>>) offsets(%dma_start3A_251 : memref<128xi32, #tpu.memory_space<vmem>>) semaphore(%arg22 : memref<!tpu.dma_semaphore, #tpu.memory_space<semaphore_mem>>)
    %mul3A_255 = arith.constant 200 : i32
    %mul3A_256 = arith.muli %add3A, %mul3A_255 : i32
    %add3A_257 = arith.constant 128 : i32
    %add3A_258 = arith.addi %mul3A_256, %add3A_257 : i32
    %run_scoped3A_259 = arith.constant 4 : i32
    "tpu.region"() ({
      %run_scoped3A_336 = tpu.sem_alloc : memref<!tpu.dma_semaphore, #tpu.memory_space<semaphore_mem>>
      %dma_start3A_337 = arith.constant 0 : i32
      %dma_start3A_338 = arith.constant 0 : i32
      %dma_start3A_339 = tpu.memref_slice %arg16[%dma_start3A_337, %dma_start3A_338] : memref<128x128xf32, #tpu.memory_space<vmem>> -> memref<72x128xf32, #tpu.memory_space<vmem>>
      %dma_start3A_340 = arith.constant 0 : i32
      %dma_start3A_341 = tpu.memref_slice %arg12[%run_scoped3A_259, %add3A_258, %dma_start3A_340] : memref<7x6400x128xf32, #tpu.memory_space<hbm>> -> memref<1x72x128xf32, #tpu.memory_space<hbm>>
      %dma_start3A_342 = tpu.memref_squeeze %dma_start3A_341 : memref<1x72x128xf32, #tpu.memory_space<hbm>> -> memref<72x128xf32, #tpu.memory_space<hbm>>
      %dma_start3A_343 = arith.constant 0 : i32
      %dma_start3A_344 = tpu.memref_slice %arg12[%run_scoped3A_259, %add3A_258, %dma_start3A_343] : memref<7x6400x128xf32, #tpu.memory_space<hbm>> -> memref<1x72x128xf32, #tpu.memory_space<hbm>>
      %dma_start3A_345 = tpu.memref_squeeze %dma_start3A_344 : memref<1x72x128xf32, #tpu.memory_space<hbm>> -> memref<72x128xf32, #tpu.memory_space<hbm>>
      %dma_start3A_346 = arith.constant 0 : i32
      %dma_start3A_347 = arith.constant 0 : i32
      %dma_start3A_348 = tpu.memref_slice %arg16[%dma_start3A_346, %dma_start3A_347] : memref<128x128xf32, #tpu.memory_space<vmem>> -> memref<72x128xf32, #tpu.memory_space<vmem>>
      tpu.enqueue_dma source(%dma_start3A_348 : memref<72x128xf32, #tpu.memory_space<vmem>>) target(%dma_start3A_345 : memref<72x128xf32, #tpu.memory_space<hbm>>) target_semaphore(%run_scoped3A_336 : memref<!tpu.dma_semaphore, #tpu.memory_space<semaphore_mem>>)
      %dma_wait3A_349 = arith.constant 0 : i32
      %dma_wait3A_350 = arith.constant 0 : i32
      %dma_wait3A_351 = tpu.memref_slice %arg16[%dma_wait3A_349, %dma_wait3A_350] : memref<128x128xf32, #tpu.memory_space<vmem>> -> memref<72x128xf32, #tpu.memory_space<vmem>>
      %dma_wait3A_352 = arith.constant 0 : i32
      %dma_wait3A_353 = tpu.memref_slice %arg12[%run_scoped3A_259, %add3A_258, %dma_wait3A_352] : memref<7x6400x128xf32, #tpu.memory_space<hbm>> -> memref<1x72x128xf32, #tpu.memory_space<hbm>>
      %dma_wait3A_354 = tpu.memref_squeeze %dma_wait3A_353 : memref<1x72x128xf32, #tpu.memory_space<hbm>> -> memref<72x128xf32, #tpu.memory_space<hbm>>
      %dma_wait3A_355 = arith.constant 0 : i32
      %dma_wait3A_356 = tpu.memref_slice %arg12[%run_scoped3A_259, %add3A_258, %dma_wait3A_355] : memref<7x6400x128xf32, #tpu.memory_space<hbm>> -> memref<1x72x128xf32, #tpu.memory_space<hbm>>
      %dma_wait3A_357 = tpu.memref_squeeze %dma_wait3A_356 : memref<1x72x128xf32, #tpu.memory_space<hbm>> -> memref<72x128xf32, #tpu.memory_space<hbm>>
      %dma_wait3A_358 = arith.constant 0 : i32
      %dma_wait3A_359 = arith.constant 0 : i32
      %dma_wait3A_360 = tpu.memref_slice %arg16[%dma_wait3A_358, %dma_wait3A_359] : memref<128x128xf32, #tpu.memory_space<vmem>> -> memref<72x128xf32, #tpu.memory_space<vmem>>
      tpu.wait_dma2 semaphore(%run_scoped3A_336 : memref<!tpu.dma_semaphore, #tpu.memory_space<semaphore_mem>>) src(%dma_wait3A_360 : memref<72x128xf32, #tpu.memory_space<vmem>>) dst(%dma_wait3A_357 : memref<72x128xf32, #tpu.memory_space<hbm>>)
      tpu.yield
    }) : () -> ()
    %dma_wait3A_260 = arith.constant 0 : i32
    %dma_wait3A_261 = arith.constant 0 : i32
    %dma_wait3A_262 = tpu.memref_slice %arg15[%dma_wait3A_260, %dma_wait3A_261] : memref<128x128xf32, #tpu.memory_space<vmem>> -> memref<128x128xf32, #tpu.memory_space<vmem>>
    %dma_wait3A_263 = arith.constant 0 : i32
    %dma_wait3A_264 = tpu.memref_slice %arg17[%dma_wait3A_263] : memref<200xi32, #tpu.memory_space<vmem>> -> memref<128xi32, #tpu.memory_space<vmem>>
    %dma_wait3A_265 = arith.constant 0 : i32
    %dma_wait3A_266 = arith.constant 0 : i32
    %dma_wait3A_267 = tpu.memref_slice %arg9[%dma_wait3A_265, %dma_wait3A_266] : memref<20480x128xf32, #tpu.memory_space<hbm>> -> memref<20480x128xf32, #tpu.memory_space<hbm>>
    tpu.wait_indirect_dma semaphore(%arg22 : memref<!tpu.dma_semaphore, #tpu.memory_space<semaphore_mem>>) src(%dma_wait3A_267 : memref<20480x128xf32, #tpu.memory_space<hbm>>) dst(%dma_wait3A_262 : memref<128x128xf32, #tpu.memory_space<vmem>>)
    %dma_start3A_268 = arith.constant 0 : i32
    %dma_start3A_269 = arith.constant 0 : i32
    %dma_start3A_270 = tpu.memref_slice %arg16[%dma_start3A_268, %dma_start3A_269] : memref<128x128xf32, #tpu.memory_space<vmem>> -> memref<72x128xf32, #tpu.memory_space<vmem>>
    %dma_start3A_271 = arith.constant 128 : i32
    %dma_start3A_272 = tpu.memref_slice %arg17[%dma_start3A_271] : memref<200xi32, #tpu.memory_space<vmem>> -> memref<72xi32, #tpu.memory_space<vmem>>
    %dma_start3A_273 = arith.constant 0 : i32
    %dma_start3A_274 = arith.constant 0 : i32
    %dma_start3A_275 = tpu.memref_slice %arg9[%dma_start3A_273, %dma_start3A_274] : memref<20480x128xf32, #tpu.memory_space<hbm>> -> memref<20480x128xf32, #tpu.memory_space<hbm>>
    tpu.enqueue_indirect_dma source(%dma_start3A_275 : memref<20480x128xf32, #tpu.memory_space<hbm>>) target(%dma_start3A_270 : memref<72x128xf32, #tpu.memory_space<vmem>>) offsets(%dma_start3A_272 : memref<72xi32, #tpu.memory_space<vmem>>) semaphore(%arg23 : memref<!tpu.dma_semaphore, #tpu.memory_space<semaphore_mem>>)
    %mul3A_276 = arith.constant 200 : i32
    %mul3A_277 = arith.muli %add3A, %mul3A_276 : i32
    %add3A_278 = arith.constant 0 : i32
    %add3A_279 = arith.addi %mul3A_277, %add3A_278 : i32
    %run_scoped3A_280 = arith.constant 5 : i32
    "tpu.region"() ({
      %run_scoped3A_336 = tpu.sem_alloc : memref<!tpu.dma_semaphore, #tpu.memory_space<semaphore_mem>>
      %dma_start3A_337 = arith.constant 0 : i32
      %dma_start3A_338 = arith.constant 0 : i32
      %dma_start3A_339 = tpu.memref_slice %arg15[%dma_start3A_337, %dma_start3A_338] : memref<128x128xf32, #tpu.memory_space<vmem>> -> memref<128x128xf32, #tpu.memory_space<vmem>>
      %dma_start3A_340 = arith.constant 0 : i32
      %dma_start3A_341 = tpu.memref_slice %arg12[%run_scoped3A_280, %add3A_279, %dma_start3A_340] : memref<7x6400x128xf32, #tpu.memory_space<hbm>> -> memref<1x128x128xf32, #tpu.memory_space<hbm>>
      %dma_start3A_342 = tpu.memref_squeeze %dma_start3A_341 : memref<1x128x128xf32, #tpu.memory_space<hbm>> -> memref<128x128xf32, #tpu.memory_space<hbm>>
      %dma_start3A_343 = arith.constant 0 : i32
      %dma_start3A_344 = tpu.memref_slice %arg12[%run_scoped3A_280, %add3A_279, %dma_start3A_343] : memref<7x6400x128xf32, #tpu.memory_space<hbm>> -> memref<1x128x128xf32, #tpu.memory_space<hbm>>
      %dma_start3A_345 = tpu.memref_squeeze %dma_start3A_344 : memref<1x128x128xf32, #tpu.memory_space<hbm>> -> memref<128x128xf32, #tpu.memory_space<hbm>>
      %dma_start3A_346 = arith.constant 0 : i32
      %dma_start3A_347 = arith.constant 0 : i32
      %dma_start3A_348 = tpu.memref_slice %arg15[%dma_start3A_346, %dma_start3A_347] : memref<128x128xf32, #tpu.memory_space<vmem>> -> memref<128x128xf32, #tpu.memory_space<vmem>>
      tpu.enqueue_dma source(%dma_start3A_348 : memref<128x128xf32, #tpu.memory_space<vmem>>) target(%dma_start3A_345 : memref<128x128xf32, #tpu.memory_space<hbm>>) target_semaphore(%run_scoped3A_336 : memref<!tpu.dma_semaphore, #tpu.memory_space<semaphore_mem>>)
      %dma_wait3A_349 = arith.constant 0 : i32
      %dma_wait3A_350 = arith.constant 0 : i32
      %dma_wait3A_351 = tpu.memref_slice %arg15[%dma_wait3A_349, %dma_wait3A_350] : memref<128x128xf32, #tpu.memory_space<vmem>> -> memref<128x128xf32, #tpu.memory_space<vmem>>
      %dma_wait3A_352 = arith.constant 0 : i32
      %dma_wait3A_353 = tpu.memref_slice %arg12[%run_scoped3A_280, %add3A_279, %dma_wait3A_352] : memref<7x6400x128xf32, #tpu.memory_space<hbm>> -> memref<1x128x128xf32, #tpu.memory_space<hbm>>
      %dma_wait3A_354 = tpu.memref_squeeze %dma_wait3A_353 : memref<1x128x128xf32, #tpu.memory_space<hbm>> -> memref<128x128xf32, #tpu.memory_space<hbm>>
      %dma_wait3A_355 = arith.constant 0 : i32
      %dma_wait3A_356 = tpu.memref_slice %arg12[%run_scoped3A_280, %add3A_279, %dma_wait3A_355] : memref<7x6400x128xf32, #tpu.memory_space<hbm>> -> memref<1x128x128xf32, #tpu.memory_space<hbm>>
      %dma_wait3A_357 = tpu.memref_squeeze %dma_wait3A_356 : memref<1x128x128xf32, #tpu.memory_space<hbm>> -> memref<128x128xf32, #tpu.memory_space<hbm>>
      %dma_wait3A_358 = arith.constant 0 : i32
      %dma_wait3A_359 = arith.constant 0 : i32
      %dma_wait3A_360 = tpu.memref_slice %arg15[%dma_wait3A_358, %dma_wait3A_359] : memref<128x128xf32, #tpu.memory_space<vmem>> -> memref<128x128xf32, #tpu.memory_space<vmem>>
      tpu.wait_dma2 semaphore(%run_scoped3A_336 : memref<!tpu.dma_semaphore, #tpu.memory_space<semaphore_mem>>) src(%dma_wait3A_360 : memref<128x128xf32, #tpu.memory_space<vmem>>) dst(%dma_wait3A_357 : memref<128x128xf32, #tpu.memory_space<hbm>>)
      tpu.yield
    }) : () -> ()
    %dma_wait3A_281 = arith.constant 0 : i32
    %dma_wait3A_282 = arith.constant 0 : i32
    %dma_wait3A_283 = tpu.memref_slice %arg16[%dma_wait3A_281, %dma_wait3A_282] : memref<128x128xf32, #tpu.memory_space<vmem>> -> memref<72x128xf32, #tpu.memory_space<vmem>>
    %dma_wait3A_284 = arith.constant 128 : i32
    %dma_wait3A_285 = tpu.memref_slice %arg17[%dma_wait3A_284] : memref<200xi32, #tpu.memory_space<vmem>> -> memref<72xi32, #tpu.memory_space<vmem>>
    %dma_wait3A_286 = arith.constant 0 : i32
    %dma_wait3A_287 = arith.constant 0 : i32
    %dma_wait3A_288 = tpu.memref_slice %arg9[%dma_wait3A_286, %dma_wait3A_287] : memref<20480x128xf32, #tpu.memory_space<hbm>> -> memref<20480x128xf32, #tpu.memory_space<hbm>>
    tpu.wait_indirect_dma semaphore(%arg23 : memref<!tpu.dma_semaphore, #tpu.memory_space<semaphore_mem>>) src(%dma_wait3A_288 : memref<20480x128xf32, #tpu.memory_space<hbm>>) dst(%dma_wait3A_283 : memref<72x128xf32, #tpu.memory_space<vmem>>)
    %dma_start3A_289 = arith.constant 0 : i32
    %dma_start3A_290 = arith.constant 0 : i32
    %dma_start3A_291 = tpu.memref_slice %arg15[%dma_start3A_289, %dma_start3A_290] : memref<128x128xf32, #tpu.memory_space<vmem>> -> memref<128x128xf32, #tpu.memory_space<vmem>>
    %dma_start3A_292 = arith.constant 0 : i32
    %dma_start3A_293 = tpu.memref_slice %arg18[%dma_start3A_292] : memref<200xi32, #tpu.memory_space<vmem>> -> memref<128xi32, #tpu.memory_space<vmem>>
    %dma_start3A_294 = arith.constant 0 : i32
    %dma_start3A_295 = arith.constant 0 : i32
    %dma_start3A_296 = tpu.memref_slice %arg19[%dma_start3A_294, %dma_start3A_295] : memref<10240x128xf32, #tpu.memory_space<vmem_shared>> -> memref<10240x128xf32, #tpu.memory_space<vmem_shared>>
    tpu.enqueue_indirect_dma source(%dma_start3A_296 : memref<10240x128xf32, #tpu.memory_space<vmem_shared>>) target(%dma_start3A_291 : memref<128x128xf32, #tpu.memory_space<vmem>>) offsets(%dma_start3A_293 : memref<128xi32, #tpu.memory_space<vmem>>) semaphore(%arg22 : memref<!tpu.dma_semaphore, #tpu.memory_space<semaphore_mem>>)
    %mul3A_297 = arith.constant 200 : i32
    %mul3A_298 = arith.muli %add3A, %mul3A_297 : i32
    %add3A_299 = arith.constant 128 : i32
    %add3A_300 = arith.addi %mul3A_298, %add3A_299 : i32
    %run_scoped3A_301 = arith.constant 5 : i32
    "tpu.region"() ({
      %run_scoped3A_336 = tpu.sem_alloc : memref<!tpu.dma_semaphore, #tpu.memory_space<semaphore_mem>>
      %dma_start3A_337 = arith.constant 0 : i32
      %dma_start3A_338 = arith.constant 0 : i32
      %dma_start3A_339 = tpu.memref_slice %arg16[%dma_start3A_337, %dma_start3A_338] : memref<128x128xf32, #tpu.memory_space<vmem>> -> memref<72x128xf32, #tpu.memory_space<vmem>>
      %dma_start3A_340 = arith.constant 0 : i32
      %dma_start3A_341 = tpu.memref_slice %arg12[%run_scoped3A_301, %add3A_300, %dma_start3A_340] : memref<7x6400x128xf32, #tpu.memory_space<hbm>> -> memref<1x72x128xf32, #tpu.memory_space<hbm>>
      %dma_start3A_342 = tpu.memref_squeeze %dma_start3A_341 : memref<1x72x128xf32, #tpu.memory_space<hbm>> -> memref<72x128xf32, #tpu.memory_space<hbm>>
      %dma_start3A_343 = arith.constant 0 : i32
      %dma_start3A_344 = tpu.memref_slice %arg12[%run_scoped3A_301, %add3A_300, %dma_start3A_343] : memref<7x6400x128xf32, #tpu.memory_space<hbm>> -> memref<1x72x128xf32, #tpu.memory_space<hbm>>
      %dma_start3A_345 = tpu.memref_squeeze %dma_start3A_344 : memref<1x72x128xf32, #tpu.memory_space<hbm>> -> memref<72x128xf32, #tpu.memory_space<hbm>>
      %dma_start3A_346 = arith.constant 0 : i32
      %dma_start3A_347 = arith.constant 0 : i32
      %dma_start3A_348 = tpu.memref_slice %arg16[%dma_start3A_346, %dma_start3A_347] : memref<128x128xf32, #tpu.memory_space<vmem>> -> memref<72x128xf32, #tpu.memory_space<vmem>>
      tpu.enqueue_dma source(%dma_start3A_348 : memref<72x128xf32, #tpu.memory_space<vmem>>) target(%dma_start3A_345 : memref<72x128xf32, #tpu.memory_space<hbm>>) target_semaphore(%run_scoped3A_336 : memref<!tpu.dma_semaphore, #tpu.memory_space<semaphore_mem>>)
      %dma_wait3A_349 = arith.constant 0 : i32
      %dma_wait3A_350 = arith.constant 0 : i32
      %dma_wait3A_351 = tpu.memref_slice %arg16[%dma_wait3A_349, %dma_wait3A_350] : memref<128x128xf32, #tpu.memory_space<vmem>> -> memref<72x128xf32, #tpu.memory_space<vmem>>
      %dma_wait3A_352 = arith.constant 0 : i32
      %dma_wait3A_353 = tpu.memref_slice %arg12[%run_scoped3A_301, %add3A_300, %dma_wait3A_352] : memref<7x6400x128xf32, #tpu.memory_space<hbm>> -> memref<1x72x128xf32, #tpu.memory_space<hbm>>
      %dma_wait3A_354 = tpu.memref_squeeze %dma_wait3A_353 : memref<1x72x128xf32, #tpu.memory_space<hbm>> -> memref<72x128xf32, #tpu.memory_space<hbm>>
      %dma_wait3A_355 = arith.constant 0 : i32
      %dma_wait3A_356 = tpu.memref_slice %arg12[%run_scoped3A_301, %add3A_300, %dma_wait3A_355] : memref<7x6400x128xf32, #tpu.memory_space<hbm>> -> memref<1x72x128xf32, #tpu.memory_space<hbm>>
      %dma_wait3A_357 = tpu.memref_squeeze %dma_wait3A_356 : memref<1x72x128xf32, #tpu.memory_space<hbm>> -> memref<72x128xf32, #tpu.memory_space<hbm>>
      %dma_wait3A_358 = arith.constant 0 : i32
      %dma_wait3A_359 = arith.constant 0 : i32
      %dma_wait3A_360 = tpu.memref_slice %arg16[%dma_wait3A_358, %dma_wait3A_359] : memref<128x128xf32, #tpu.memory_space<vmem>> -> memref<72x128xf32, #tpu.memory_space<vmem>>
      tpu.wait_dma2 semaphore(%run_scoped3A_336 : memref<!tpu.dma_semaphore, #tpu.memory_space<semaphore_mem>>) src(%dma_wait3A_360 : memref<72x128xf32, #tpu.memory_space<vmem>>) dst(%dma_wait3A_357 : memref<72x128xf32, #tpu.memory_space<hbm>>)
      tpu.yield
    }) : () -> ()
    %dma_wait3A_302 = arith.constant 0 : i32
    %dma_wait3A_303 = arith.constant 0 : i32
    %dma_wait3A_304 = tpu.memref_slice %arg15[%dma_wait3A_302, %dma_wait3A_303] : memref<128x128xf32, #tpu.memory_space<vmem>> -> memref<128x128xf32, #tpu.memory_space<vmem>>
    %dma_wait3A_305 = arith.constant 0 : i32
    %dma_wait3A_306 = tpu.memref_slice %arg18[%dma_wait3A_305] : memref<200xi32, #tpu.memory_space<vmem>> -> memref<128xi32, #tpu.memory_space<vmem>>
    %dma_wait3A_307 = arith.constant 0 : i32
    %dma_wait3A_308 = arith.constant 0 : i32
    %dma_wait3A_309 = tpu.memref_slice %arg19[%dma_wait3A_307, %dma_wait3A_308] : memref<10240x128xf32, #tpu.memory_space<vmem_shared>> -> memref<10240x128xf32, #tpu.memory_space<vmem_shared>>
    tpu.wait_indirect_dma semaphore(%arg22 : memref<!tpu.dma_semaphore, #tpu.memory_space<semaphore_mem>>) src(%dma_wait3A_309 : memref<10240x128xf32, #tpu.memory_space<vmem_shared>>) dst(%dma_wait3A_304 : memref<128x128xf32, #tpu.memory_space<vmem>>)
    %dma_start3A_310 = arith.constant 0 : i32
    %dma_start3A_311 = arith.constant 0 : i32
    %dma_start3A_312 = tpu.memref_slice %arg16[%dma_start3A_310, %dma_start3A_311] : memref<128x128xf32, #tpu.memory_space<vmem>> -> memref<72x128xf32, #tpu.memory_space<vmem>>
    %dma_start3A_313 = arith.constant 128 : i32
    %dma_start3A_314 = tpu.memref_slice %arg18[%dma_start3A_313] : memref<200xi32, #tpu.memory_space<vmem>> -> memref<72xi32, #tpu.memory_space<vmem>>
    %dma_start3A_315 = arith.constant 0 : i32
    %dma_start3A_316 = arith.constant 0 : i32
    %dma_start3A_317 = tpu.memref_slice %arg19[%dma_start3A_315, %dma_start3A_316] : memref<10240x128xf32, #tpu.memory_space<vmem_shared>> -> memref<10240x128xf32, #tpu.memory_space<vmem_shared>>
    tpu.enqueue_indirect_dma source(%dma_start3A_317 : memref<10240x128xf32, #tpu.memory_space<vmem_shared>>) target(%dma_start3A_312 : memref<72x128xf32, #tpu.memory_space<vmem>>) offsets(%dma_start3A_314 : memref<72xi32, #tpu.memory_space<vmem>>) semaphore(%arg23 : memref<!tpu.dma_semaphore, #tpu.memory_space<semaphore_mem>>)
    %mul3A_318 = arith.constant 200 : i32
    %mul3A_319 = arith.muli %add3A, %mul3A_318 : i32
    %add3A_320 = arith.constant 0 : i32
    %add3A_321 = arith.addi %mul3A_319, %add3A_320 : i32
    %run_scoped3A_322 = arith.constant 6 : i32
    "tpu.region"() ({
      %run_scoped3A_336 = tpu.sem_alloc : memref<!tpu.dma_semaphore, #tpu.memory_space<semaphore_mem>>
      %dma_start3A_337 = arith.constant 0 : i32
      %dma_start3A_338 = arith.constant 0 : i32
      %dma_start3A_339 = tpu.memref_slice %arg15[%dma_start3A_337, %dma_start3A_338] : memref<128x128xf32, #tpu.memory_space<vmem>> -> memref<128x128xf32, #tpu.memory_space<vmem>>
      %dma_start3A_340 = arith.constant 0 : i32
      %dma_start3A_341 = tpu.memref_slice %arg12[%run_scoped3A_322, %add3A_321, %dma_start3A_340] : memref<7x6400x128xf32, #tpu.memory_space<hbm>> -> memref<1x128x128xf32, #tpu.memory_space<hbm>>
      %dma_start3A_342 = tpu.memref_squeeze %dma_start3A_341 : memref<1x128x128xf32, #tpu.memory_space<hbm>> -> memref<128x128xf32, #tpu.memory_space<hbm>>
      %dma_start3A_343 = arith.constant 0 : i32
      %dma_start3A_344 = tpu.memref_slice %arg12[%run_scoped3A_322, %add3A_321, %dma_start3A_343] : memref<7x6400x128xf32, #tpu.memory_space<hbm>> -> memref<1x128x128xf32, #tpu.memory_space<hbm>>
      %dma_start3A_345 = tpu.memref_squeeze %dma_start3A_344 : memref<1x128x128xf32, #tpu.memory_space<hbm>> -> memref<128x128xf32, #tpu.memory_space<hbm>>
      %dma_start3A_346 = arith.constant 0 : i32
      %dma_start3A_347 = arith.constant 0 : i32
      %dma_start3A_348 = tpu.memref_slice %arg15[%dma_start3A_346, %dma_start3A_347] : memref<128x128xf32, #tpu.memory_space<vmem>> -> memref<128x128xf32, #tpu.memory_space<vmem>>
      tpu.enqueue_dma source(%dma_start3A_348 : memref<128x128xf32, #tpu.memory_space<vmem>>) target(%dma_start3A_345 : memref<128x128xf32, #tpu.memory_space<hbm>>) target_semaphore(%run_scoped3A_336 : memref<!tpu.dma_semaphore, #tpu.memory_space<semaphore_mem>>)
      %dma_wait3A_349 = arith.constant 0 : i32
      %dma_wait3A_350 = arith.constant 0 : i32
      %dma_wait3A_351 = tpu.memref_slice %arg15[%dma_wait3A_349, %dma_wait3A_350] : memref<128x128xf32, #tpu.memory_space<vmem>> -> memref<128x128xf32, #tpu.memory_space<vmem>>
      %dma_wait3A_352 = arith.constant 0 : i32
      %dma_wait3A_353 = tpu.memref_slice %arg12[%run_scoped3A_322, %add3A_321, %dma_wait3A_352] : memref<7x6400x128xf32, #tpu.memory_space<hbm>> -> memref<1x128x128xf32, #tpu.memory_space<hbm>>
      %dma_wait3A_354 = tpu.memref_squeeze %dma_wait3A_353 : memref<1x128x128xf32, #tpu.memory_space<hbm>> -> memref<128x128xf32, #tpu.memory_space<hbm>>
      %dma_wait3A_355 = arith.constant 0 : i32
      %dma_wait3A_356 = tpu.memref_slice %arg12[%run_scoped3A_322, %add3A_321, %dma_wait3A_355] : memref<7x6400x128xf32, #tpu.memory_space<hbm>> -> memref<1x128x128xf32, #tpu.memory_space<hbm>>
      %dma_wait3A_357 = tpu.memref_squeeze %dma_wait3A_356 : memref<1x128x128xf32, #tpu.memory_space<hbm>> -> memref<128x128xf32, #tpu.memory_space<hbm>>
      %dma_wait3A_358 = arith.constant 0 : i32
      %dma_wait3A_359 = arith.constant 0 : i32
      %dma_wait3A_360 = tpu.memref_slice %arg15[%dma_wait3A_358, %dma_wait3A_359] : memref<128x128xf32, #tpu.memory_space<vmem>> -> memref<128x128xf32, #tpu.memory_space<vmem>>
      tpu.wait_dma2 semaphore(%run_scoped3A_336 : memref<!tpu.dma_semaphore, #tpu.memory_space<semaphore_mem>>) src(%dma_wait3A_360 : memref<128x128xf32, #tpu.memory_space<vmem>>) dst(%dma_wait3A_357 : memref<128x128xf32, #tpu.memory_space<hbm>>)
      tpu.yield
    }) : () -> ()
    %dma_wait3A_323 = arith.constant 0 : i32
    %dma_wait3A_324 = arith.constant 0 : i32
    %dma_wait3A_325 = tpu.memref_slice %arg16[%dma_wait3A_323, %dma_wait3A_324] : memref<128x128xf32, #tpu.memory_space<vmem>> -> memref<72x128xf32, #tpu.memory_space<vmem>>
    %dma_wait3A_326 = arith.constant 128 : i32
    %dma_wait3A_327 = tpu.memref_slice %arg18[%dma_wait3A_326] : memref<200xi32, #tpu.memory_space<vmem>> -> memref<72xi32, #tpu.memory_space<vmem>>
    %dma_wait3A_328 = arith.constant 0 : i32
    %dma_wait3A_329 = arith.constant 0 : i32
    %dma_wait3A_330 = tpu.memref_slice %arg19[%dma_wait3A_328, %dma_wait3A_329] : memref<10240x128xf32, #tpu.memory_space<vmem_shared>> -> memref<10240x128xf32, #tpu.memory_space<vmem_shared>>
    tpu.wait_indirect_dma semaphore(%arg23 : memref<!tpu.dma_semaphore, #tpu.memory_space<semaphore_mem>>) src(%dma_wait3A_330 : memref<10240x128xf32, #tpu.memory_space<vmem_shared>>) dst(%dma_wait3A_325 : memref<72x128xf32, #tpu.memory_space<vmem>>)
    %mul3A_331 = arith.constant 200 : i32
    %mul3A_332 = arith.muli %add3A, %mul3A_331 : i32
    %add3A_333 = arith.constant 128 : i32
    %add3A_334 = arith.addi %mul3A_332, %add3A_333 : i32
    %run_scoped3A_335 = arith.constant 6 : i32
    "tpu.region"() ({
      %run_scoped3A_336 = tpu.sem_alloc : memref<!tpu.dma_semaphore, #tpu.memory_space<semaphore_mem>>
      %dma_start3A_337 = arith.constant 0 : i32
      %dma_start3A_338 = arith.constant 0 : i32
      %dma_start3A_339 = tpu.memref_slice %arg16[%dma_start3A_337, %dma_start3A_338] : memref<128x128xf32, #tpu.memory_space<vmem>> -> memref<72x128xf32, #tpu.memory_space<vmem>>
      %dma_start3A_340 = arith.constant 0 : i32
      %dma_start3A_341 = tpu.memref_slice %arg12[%run_scoped3A_335, %add3A_334, %dma_start3A_340] : memref<7x6400x128xf32, #tpu.memory_space<hbm>> -> memref<1x72x128xf32, #tpu.memory_space<hbm>>
      %dma_start3A_342 = tpu.memref_squeeze %dma_start3A_341 : memref<1x72x128xf32, #tpu.memory_space<hbm>> -> memref<72x128xf32, #tpu.memory_space<hbm>>
      %dma_start3A_343 = arith.constant 0 : i32
      %dma_start3A_344 = tpu.memref_slice %arg12[%run_scoped3A_335, %add3A_334, %dma_start3A_343] : memref<7x6400x128xf32, #tpu.memory_space<hbm>> -> memref<1x72x128xf32, #tpu.memory_space<hbm>>
      %dma_start3A_345 = tpu.memref_squeeze %dma_start3A_344 : memref<1x72x128xf32, #tpu.memory_space<hbm>> -> memref<72x128xf32, #tpu.memory_space<hbm>>
      %dma_start3A_346 = arith.constant 0 : i32
      %dma_start3A_347 = arith.constant 0 : i32
      %dma_start3A_348 = tpu.memref_slice %arg16[%dma_start3A_346, %dma_start3A_347] : memref<128x128xf32, #tpu.memory_space<vmem>> -> memref<72x128xf32, #tpu.memory_space<vmem>>
      tpu.enqueue_dma source(%dma_start3A_348 : memref<72x128xf32, #tpu.memory_space<vmem>>) target(%dma_start3A_345 : memref<72x128xf32, #tpu.memory_space<hbm>>) target_semaphore(%run_scoped3A_336 : memref<!tpu.dma_semaphore, #tpu.memory_space<semaphore_mem>>)
      %dma_wait3A_349 = arith.constant 0 : i32
      %dma_wait3A_350 = arith.constant 0 : i32
      %dma_wait3A_351 = tpu.memref_slice %arg16[%dma_wait3A_349, %dma_wait3A_350] : memref<128x128xf32, #tpu.memory_space<vmem>> -> memref<72x128xf32, #tpu.memory_space<vmem>>
      %dma_wait3A_352 = arith.constant 0 : i32
      %dma_wait3A_353 = tpu.memref_slice %arg12[%run_scoped3A_335, %add3A_334, %dma_wait3A_352] : memref<7x6400x128xf32, #tpu.memory_space<hbm>> -> memref<1x72x128xf32, #tpu.memory_space<hbm>>
      %dma_wait3A_354 = tpu.memref_squeeze %dma_wait3A_353 : memref<1x72x128xf32, #tpu.memory_space<hbm>> -> memref<72x128xf32, #tpu.memory_space<hbm>>
      %dma_wait3A_355 = arith.constant 0 : i32
      %dma_wait3A_356 = tpu.memref_slice %arg12[%run_scoped3A_335, %add3A_334, %dma_wait3A_355] : memref<7x6400x128xf32, #tpu.memory_space<hbm>> -> memref<1x72x128xf32, #tpu.memory_space<hbm>>
      %dma_wait3A_357 = tpu.memref_squeeze %dma_wait3A_356 : memref<1x72x128xf32, #tpu.memory_space<hbm>> -> memref<72x128xf32, #tpu.memory_space<hbm>>
      %dma_wait3A_358 = arith.constant 0 : i32
      %dma_wait3A_359 = arith.constant 0 : i32
      %dma_wait3A_360 = tpu.memref_slice %arg16[%dma_wait3A_358, %dma_wait3A_359] : memref<128x128xf32, #tpu.memory_space<vmem>> -> memref<72x128xf32, #tpu.memory_space<vmem>>
      tpu.wait_dma2 semaphore(%run_scoped3A_336 : memref<!tpu.dma_semaphore, #tpu.memory_space<semaphore_mem>>) src(%dma_wait3A_360 : memref<72x128xf32, #tpu.memory_space<vmem>>) dst(%dma_wait3A_357 : memref<72x128xf32, #tpu.memory_space<hbm>>)
      tpu.yield
    }) : () -> ()
    return
  }
}

module attributes {stable_mosaic.version = 14 : i64} {
  func.func @_mm1_body(%arg0: i32, %arg1: memref<512x128xf32, #tpu.memory_space<vmem>>, %arg2: memref<512x128xf32, #tpu.memory_space<vmem>>, %arg3: memref<128x128xf32, #tpu.memory_space<vmem>>, %arg4: memref<512x128xf32, #tpu.memory_space<vmem>>, %arg5: memref<512x8xf32, #tpu.memory_space<vmem>>) attributes {dimension_semantics = [#tpu.dimension_semantics<arbitrary>], iteration_bounds = array<i64: 40>, scalar_prefetch = 0 : i64, scratch_operands = 0 : i64, tpu.core_type = #tpu.core_type<tc>, window_params = [{transform_indices = @transform_0, window_bounds = array<i64: 512, 128>}, {transform_indices = @transform_1, window_bounds = array<i64: 512, 128>}, {pipeline_mode = #tpu.pipeline_mode<synchronous>, transform_indices = @transform_2, window_bounds = array<i64: 128, 128>}, {transform_indices = @transform_3, window_bounds = array<i64: 512, 128>}, {transform_indices = @transform_4, window_bounds = array<i64: 512, 8>}]} {
    %get3A = arith.constant 0 : index
    %get3A_0 = arith.constant 0 : index
    %get3A_1 = vector.load %arg2[%get3A, %get3A_0] : memref<512x128xf32, #tpu.memory_space<vmem>>, vector<512x1xf32>
    %add3A = arith.constant 1.000000e+00 : f32
    %add3A_2 = vector.broadcast %add3A : f32 to vector<512x1xf32>
    %add3A_3 = arith.addf %get3A_1, %add3A_2 : vector<512x1xf32>
    %rsqrt3A = math.rsqrt %add3A_3 : vector<512x1xf32>
    %get3A_4 = arith.constant 0 : index
    %get3A_5 = arith.constant 0 : index
    %get3A_6 = vector.load %arg1[%get3A_4, %get3A_5] : memref<512x128xf32, #tpu.memory_space<vmem>>, vector<512x128xf32>
    %get3A_7 = arith.constant 0 : index
    %get3A_8 = arith.constant 0 : index
    %get3A_9 = vector.load %arg3[%get3A_7, %get3A_8] : memref<128x128xf32, #tpu.memory_space<vmem>>, vector<128x128xf32>
    %dot_general3A = arith.constant dense<0.000000e+00> : vector<512x128xf32>
    %dot_general3A_10 = tpu.matmul %get3A_6, %get3A_9, %dot_general3A {dimension_numbers = #tpu.dot_dimension_numbers<[1], [0], [0], [1], [0, 0, 1, 1], [], []>, transpose_lhs_hint = false} : vector<512x128xf32>, vector<128x128xf32>, vector<512x128xf32> -> vector<512x128xf32>
    %mul3A = vector.broadcast %rsqrt3A : vector<512x1xf32> to vector<512x128xf32>
    %mul3A_11 = arith.mulf %dot_general3A_10, %mul3A : vector<512x128xf32>
    %swap3A = arith.constant 0 : index
    %swap3A_12 = arith.constant 0 : index
    %swap3A_13 = vector.load %arg4[%swap3A, %swap3A_12] : memref<512x128xf32, #tpu.memory_space<vmem>>, vector<512x128xf32>
    tpu.vector_store %arg4[%swap3A, %swap3A_12], %mul3A_11 {strides = array<i32>} : memref<512x128xf32, #tpu.memory_space<vmem>>, vector<512x128xf32>,
    %broadcast_in_dim3A = vector.shape_cast %rsqrt3A : vector<512x1xf32> to vector<512x1xf32>
    %broadcast_in_dim3A_14 = vector.broadcast %broadcast_in_dim3A : vector<512x1xf32> to vector<512x8xf32>
    %swap3A_15 = arith.constant 0 : index
    %swap3A_16 = arith.constant 0 : index
    %swap3A_17 = vector.load %arg5[%swap3A_15, %swap3A_16] : memref<512x8xf32, #tpu.memory_space<vmem>>, vector<512x8xf32>
    tpu.vector_store %arg5[%swap3A_15, %swap3A_16], %broadcast_in_dim3A_14 {strides = array<i32>} : memref<512x8xf32, #tpu.memory_space<vmem>>, vector<512x8xf32>,
    return
  }
  func.func @transform_0(%arg0: i32) -> (i32, i32) {
    %c0_i32 = arith.constant 0 : i32
    %c0_i32_0 = arith.constant 0 : i32
    return %arg0, %c0_i32 : i32, i32
  }
  func.func @transform_1(%arg0: i32) -> (i32, i32) {
    %c0_i32 = arith.constant 0 : i32
    %c0_i32_0 = arith.constant 0 : i32
    return %arg0, %c0_i32 : i32, i32
  }
  func.func @transform_2(%arg0: i32) -> (i32, i32) {
    %c0_i32 = arith.constant 0 : i32
    %c0_i32_0 = arith.constant 0 : i32
    %c0_i32_1 = arith.constant 0 : i32
    return %c0_i32, %c0_i32_0 : i32, i32
  }
  func.func @transform_3(%arg0: i32) -> (i32, i32) {
    %c0_i32 = arith.constant 0 : i32
    %c0_i32_0 = arith.constant 0 : i32
    return %arg0, %c0_i32 : i32, i32
  }
  func.func @transform_4(%arg0: i32) -> (i32, i32) {
    %c0_i32 = arith.constant 0 : i32
    %c0_i32_0 = arith.constant 0 : i32
    return %arg0, %c0_i32 : i32, i32
  }
}

module attributes {stable_mosaic.version = 14 : i64} {
  func.func @_epi_body(%arg0: i32, %arg1: memref<512x128xf32, #tpu.memory_space<vmem>>, %arg2: memref<512x128xf32, #tpu.memory_space<vmem>>, %arg3: memref<512x8xf32, #tpu.memory_space<vmem>>, %arg4: memref<1x128xf32, #tpu.memory_space<vmem>>, %arg5: memref<128x128xf32, #tpu.memory_space<vmem>>, %arg6: memref<512x128xf32, #tpu.memory_space<vmem>>) attributes {dimension_semantics = [#tpu.dimension_semantics<arbitrary>], iteration_bounds = array<i64: 40>, scalar_prefetch = 0 : i64, scratch_operands = 0 : i64, tpu.core_type = #tpu.core_type<tc>, window_params = [{transform_indices = @transform_0, window_bounds = array<i64: 512, 128>}, {transform_indices = @transform_1, window_bounds = array<i64: 512, 128>}, {transform_indices = @transform_2, window_bounds = array<i64: 512, 8>}, {pipeline_mode = #tpu.pipeline_mode<synchronous>, transform_indices = @transform_3, window_bounds = array<i64: 1, 128>}, {pipeline_mode = #tpu.pipeline_mode<synchronous>, transform_indices = @transform_4, window_bounds = array<i64: 128, 128>}, {transform_indices = @transform_5, window_bounds = array<i64: 512, 128>}]} {
    %get3A = arith.constant 0 : index
    %get3A_0 = arith.constant 0 : index
    %get3A_1 = vector.load %arg3[%get3A, %get3A_0] : memref<512x8xf32, #tpu.memory_space<vmem>>, vector<512x1xf32>
    %get3A_2 = arith.constant 0 : index
    %get3A_3 = arith.constant 0 : index
    %get3A_4 = vector.load %arg1[%get3A_2, %get3A_3] : memref<512x128xf32, #tpu.memory_space<vmem>>, vector<512x128xf32>
    %get3A_5 = arith.constant 0 : index
    %get3A_6 = arith.constant 0 : index
    %get3A_7 = vector.load %arg2[%get3A_5, %get3A_6] : memref<512x128xf32, #tpu.memory_space<vmem>>, vector<512x128xf32>
    %add3A = arith.addf %get3A_4, %get3A_7 : vector<512x128xf32>
    %mul3A = vector.broadcast %get3A_1 : vector<512x1xf32> to vector<512x128xf32>
    %mul3A_8 = arith.mulf %mul3A, %add3A : vector<512x128xf32>
    %get3A_9 = arith.constant 0 : index
    %get3A_10 = arith.constant 0 : index
    %get3A_11 = vector.load %arg4[%get3A_9, %get3A_10] : memref<1x128xf32, #tpu.memory_space<vmem>>, vector<1x128xf32>
    %add3A_12 = vector.broadcast %get3A_11 : vector<1x128xf32> to vector<512x128xf32>
    %add3A_13 = arith.addf %mul3A_8, %add3A_12 : vector<512x128xf32>
    %max3A = arith.constant 0.000000e+00 : f32
    %max3A_14 = vector.broadcast %max3A : f32 to vector<512x128xf32>
    %max3A_15 = arith.maximumf %add3A_13, %max3A_14 : vector<512x128xf32>
    %get3A_16 = arith.constant 0 : index
    %get3A_17 = arith.constant 0 : index
    %get3A_18 = vector.load %arg5[%get3A_16, %get3A_17] : memref<128x128xf32, #tpu.memory_space<vmem>>, vector<128x128xf32>
    %dot_general3A = arith.constant dense<0.000000e+00> : vector<512x128xf32>
    %dot_general3A_19 = tpu.matmul %max3A_15, %get3A_18, %dot_general3A {dimension_numbers = #tpu.dot_dimension_numbers<[1], [0], [0], [1], [0, 0, 1, 1], [], []>, transpose_lhs_hint = false} : vector<512x128xf32>, vector<128x128xf32>, vector<512x128xf32> -> vector<512x128xf32>
    %mul3A_20 = vector.broadcast %get3A_1 : vector<512x1xf32> to vector<512x128xf32>
    %mul3A_21 = arith.mulf %dot_general3A_19, %mul3A_20 : vector<512x128xf32>
    %swap3A = arith.constant 0 : index
    %swap3A_22 = arith.constant 0 : index
    %swap3A_23 = vector.load %arg6[%swap3A, %swap3A_22] : memref<512x128xf32, #tpu.memory_space<vmem>>, vector<512x128xf32>
    tpu.vector_store %arg6[%swap3A, %swap3A_22], %mul3A_21 {strides = array<i32>} : memref<512x128xf32, #tpu.memory_space<vmem>>, vector<512x128xf32>,
    return
  }
  func.func @transform_0(%arg0: i32) -> (i32, i32) {
    %c0_i32 = arith.constant 0 : i32
    %c0_i32_0 = arith.constant 0 : i32
    return %arg0, %c0_i32 : i32, i32
  }
  func.func @transform_1(%arg0: i32) -> (i32, i32) {
    %c0_i32 = arith.constant 0 : i32
    %c0_i32_0 = arith.constant 0 : i32
    return %arg0, %c0_i32 : i32, i32
  }
  func.func @transform_2(%arg0: i32) -> (i32, i32) {
    %c0_i32 = arith.constant 0 : i32
    %c0_i32_0 = arith.constant 0 : i32
    return %arg0, %c0_i32 : i32, i32
  }
  func.func @transform_3(%arg0: i32) -> (i32, i32) {
    %c0_i32 = arith.constant 0 : i32
    %c0_i32_0 = arith.constant 0 : i32
    %c0_i32_1 = arith.constant 0 : i32
    return %c0_i32, %c0_i32_0 : i32, i32
  }
  func.func @transform_4(%arg0: i32) -> (i32, i32) {
    %c0_i32 = arith.constant 0 : i32
    %c0_i32_0 = arith.constant 0 : i32
    %c0_i32_1 = arith.constant 0 : i32
    return %c0_i32, %c0_i32_0 : i32, i32
  }
  func.func @transform_5(%arg0: i32) -> (i32, i32) {
    %c0_i32 = arith.constant 0 : i32
    %c0_i32_0 = arith.constant 0 : i32
    return %arg0, %c0_i32 : i32, i32
  }
}

module attributes {stable_mosaic.version = 14 : i64} {
  func.func @_rowepi3_body(%arg0: i32, %arg1: memref<7x256x128xf32, #tpu.memory_space<vmem>>, %arg2: memref<3x1x128xf32, #tpu.memory_space<vmem>>, %arg3: memref<3x256x128xf32, #tpu.memory_space<vmem>>) attributes {dimension_semantics = [#tpu.dimension_semantics<arbitrary>], iteration_bounds = array<i64: 25>, scalar_prefetch = 0 : i64, scratch_operands = 0 : i64, tpu.core_type = #tpu.core_type<tc>, window_params = [{transform_indices = @transform_0, window_bounds = array<i64: 7, 256, 128>}, {pipeline_mode = #tpu.pipeline_mode<synchronous>, transform_indices = @transform_1, window_bounds = array<i64: 3, 1, 128>}, {transform_indices = @transform_2, window_bounds = array<i64: 3, 256, 128>}]} {
    %get3A = arith.constant 5 : index
    %get3A_0 = arith.constant 0 : index
    %get3A_1 = arith.constant 0 : index
    %get3A_2 = vector.load %arg1[%get3A, %get3A_0, %get3A_1] : memref<7x256x128xf32, #tpu.memory_space<vmem>>, vector<1x256x128xf32>
    %get3A_3 = vector.shape_cast %get3A_2 : vector<1x256x128xf32> to vector<256x128xf32>
    %slice3A = vector.extract_strided_slice %get3A_3 {offsets = [0, 0], sizes = [256, 1], strides = [1, 1]} : vector<256x128xf32> to vector<256x1xf32>
    %add3A = arith.constant 1.000000e+00 : f32
    %add3A_4 = vector.broadcast %add3A : f32 to vector<256x1xf32>
    %add3A_5 = arith.addf %slice3A, %add3A_4 : vector<256x1xf32>
    %rsqrt3A = math.rsqrt %add3A_5 : vector<256x1xf32>
    %get3A_6 = arith.constant 0 : index
    %get3A_7 = arith.constant 0 : index
    %get3A_8 = arith.constant 0 : index
    %get3A_9 = vector.load %arg1[%get3A_6, %get3A_7, %get3A_8] : memref<7x256x128xf32, #tpu.memory_space<vmem>>, vector<1x256x128xf32>
    %get3A_10 = vector.shape_cast %get3A_9 : vector<1x256x128xf32> to vector<256x128xf32>
    %get3A_11 = arith.constant 1 : index
    %get3A_12 = arith.constant 0 : index
    %get3A_13 = arith.constant 0 : index
    %get3A_14 = vector.load %arg1[%get3A_11, %get3A_12, %get3A_13] : memref<7x256x128xf32, #tpu.memory_space<vmem>>, vector<1x256x128xf32>
    %get3A_15 = vector.shape_cast %get3A_14 : vector<1x256x128xf32> to vector<256x128xf32>
    %add3A_16 = arith.addf %get3A_10, %get3A_15 : vector<256x128xf32>
    %mul3A = vector.broadcast %rsqrt3A : vector<256x1xf32> to vector<256x128xf32>
    %mul3A_17 = arith.mulf %mul3A, %add3A_16 : vector<256x128xf32>
    %get3A_18 = arith.constant 0 : index
    %get3A_19 = arith.constant 0 : index
    %get3A_20 = arith.constant 0 : index
    %get3A_21 = vector.load %arg2[%get3A_18, %get3A_19, %get3A_20] : memref<3x1x128xf32, #tpu.memory_space<vmem>>, vector<1x1x128xf32>
    %get3A_22 = vector.shape_cast %get3A_21 : vector<1x1x128xf32> to vector<1x128xf32>
    %add3A_23 = vector.broadcast %get3A_22 : vector<1x128xf32> to vector<256x128xf32>
    %add3A_24 = arith.addf %mul3A_17, %add3A_23 : vector<256x128xf32>
    %max3A = arith.constant 0.000000e+00 : f32
    %max3A_25 = vector.broadcast %max3A : f32 to vector<256x128xf32>
    %max3A_26 = arith.maximumf %add3A_24, %max3A_25 : vector<256x128xf32>
    %swap3A = arith.constant 0 : index
    %swap3A_27 = arith.constant 0 : index
    %swap3A_28 = arith.constant 0 : index
    %swap3A_29 = vector.load %arg3[%swap3A, %swap3A_27, %swap3A_28] : memref<3x256x128xf32, #tpu.memory_space<vmem>>, vector<1x256x128xf32>
    %swap3A_30 = vector.shape_cast %swap3A_29 : vector<1x256x128xf32> to vector<256x128xf32>
    %swap3A_31 = vector.shape_cast %max3A_26 : vector<256x128xf32> to vector<1x256x128xf32>
    tpu.vector_store %arg3[%swap3A, %swap3A_27, %swap3A_28], %swap3A_31 {strides = array<i32>} : memref<3x256x128xf32, #tpu.memory_space<vmem>>, vector<1x256x128xf32>,
    %get3A_32 = arith.constant 2 : index
    %get3A_33 = arith.constant 0 : index
    %get3A_34 = arith.constant 0 : index
    %get3A_35 = vector.load %arg1[%get3A_32, %get3A_33, %get3A_34] : memref<7x256x128xf32, #tpu.memory_space<vmem>>, vector<1x256x128xf32>
    %get3A_36 = vector.shape_cast %get3A_35 : vector<1x256x128xf32> to vector<256x128xf32>
    %get3A_37 = arith.constant 3 : index
    %get3A_38 = arith.constant 0 : index
    %get3A_39 = arith.constant 0 : index
    %get3A_40 = vector.load %arg1[%get3A_37, %get3A_38, %get3A_39] : memref<7x256x128xf32, #tpu.memory_space<vmem>>, vector<1x256x128xf32>
    %get3A_41 = vector.shape_cast %get3A_40 : vector<1x256x128xf32> to vector<256x128xf32>
    %add3A_42 = arith.addf %get3A_36, %get3A_41 : vector<256x128xf32>
    %mul3A_43 = vector.broadcast %rsqrt3A : vector<256x1xf32> to vector<256x128xf32>
    %mul3A_44 = arith.mulf %mul3A_43, %add3A_42 : vector<256x128xf32>
    %get3A_45 = arith.constant 1 : index
    %get3A_46 = arith.constant 0 : index
    %get3A_47 = arith.constant 0 : index
    %get3A_48 = vector.load %arg2[%get3A_45, %get3A_46, %get3A_47] : memref<3x1x128xf32, #tpu.memory_space<vmem>>, vector<1x1x128xf32>
    %get3A_49 = vector.shape_cast %get3A_48 : vector<1x1x128xf32> to vector<1x128xf32>
    %add3A_50 = vector.broadcast %get3A_49 : vector<1x128xf32> to vector<256x128xf32>
    %add3A_51 = arith.addf %mul3A_44, %add3A_50 : vector<256x128xf32>
    %max3A_52 = arith.constant 0.000000e+00 : f32
    %max3A_53 = vector.broadcast %max3A_52 : f32 to vector<256x128xf32>
    %max3A_54 = arith.maximumf %add3A_51, %max3A_53 : vector<256x128xf32>
    %swap3A_55 = arith.constant 1 : index
    %swap3A_56 = arith.constant 0 : index
    %swap3A_57 = arith.constant 0 : index
    %swap3A_58 = vector.load %arg3[%swap3A_55, %swap3A_56, %swap3A_57] : memref<3x256x128xf32, #tpu.memory_space<vmem>>, vector<1x256x128xf32>
    %swap3A_59 = vector.shape_cast %swap3A_58 : vector<1x256x128xf32> to vector<256x128xf32>
    %swap3A_60 = vector.shape_cast %max3A_54 : vector<256x128xf32> to vector<1x256x128xf32>
    tpu.vector_store %arg3[%swap3A_55, %swap3A_56, %swap3A_57], %swap3A_60 {strides = array<i32>} : memref<3x256x128xf32, #tpu.memory_space<vmem>>, vector<1x256x128xf32>,
    %get3A_61 = arith.constant 6 : index
    %get3A_62 = arith.constant 0 : index
    %get3A_63 = arith.constant 0 : index
    %get3A_64 = vector.load %arg1[%get3A_61, %get3A_62, %get3A_63] : memref<7x256x128xf32, #tpu.memory_space<vmem>>, vector<1x256x128xf32>
    %get3A_65 = vector.shape_cast %get3A_64 : vector<1x256x128xf32> to vector<256x128xf32>
    %get3A_66 = arith.constant 4 : index
    %get3A_67 = arith.constant 0 : index
    %get3A_68 = arith.constant 0 : index
    %get3A_69 = vector.load %arg1[%get3A_66, %get3A_67, %get3A_68] : memref<7x256x128xf32, #tpu.memory_space<vmem>>, vector<1x256x128xf32>
    %get3A_70 = vector.shape_cast %get3A_69 : vector<1x256x128xf32> to vector<256x128xf32>
    %add3A_71 = arith.addf %get3A_65, %get3A_70 : vector<256x128xf32>
    %mul3A_72 = vector.broadcast %rsqrt3A : vector<256x1xf32> to vector<256x128xf32>
    %mul3A_73 = arith.mulf %mul3A_72, %add3A_71 : vector<256x128xf32>
    %get3A_74 = arith.constant 2 : index
    %get3A_75 = arith.constant 0 : index
    %get3A_76 = arith.constant 0 : index
    %get3A_77 = vector.load %arg2[%get3A_74, %get3A_75, %get3A_76] : memref<3x1x128xf32, #tpu.memory_space<vmem>>, vector<1x1x128xf32>
    %get3A_78 = vector.shape_cast %get3A_77 : vector<1x1x128xf32> to vector<1x128xf32>
    %add3A_79 = vector.broadcast %get3A_78 : vector<1x128xf32> to vector<256x128xf32>
    %add3A_80 = arith.addf %mul3A_73, %add3A_79 : vector<256x128xf32>
    %max3A_81 = arith.constant 0.000000e+00 : f32
    %max3A_82 = vector.broadcast %max3A_81 : f32 to vector<256x128xf32>
    %max3A_83 = arith.maximumf %add3A_80, %max3A_82 : vector<256x128xf32>
    %swap3A_84 = arith.constant 2 : index
    %swap3A_85 = arith.constant 0 : index
    %swap3A_86 = arith.constant 0 : index
    %swap3A_87 = vector.load %arg3[%swap3A_84, %swap3A_85, %swap3A_86] : memref<3x256x128xf32, #tpu.memory_space<vmem>>, vector<1x256x128xf32>
    %swap3A_88 = vector.shape_cast %swap3A_87 : vector<1x256x128xf32> to vector<256x128xf32>
    %swap3A_89 = vector.shape_cast %max3A_83 : vector<256x128xf32> to vector<1x256x128xf32>
    tpu.vector_store %arg3[%swap3A_84, %swap3A_85, %swap3A_86], %swap3A_89 {strides = array<i32>} : memref<3x256x128xf32, #tpu.memory_space<vmem>>, vector<1x256x128xf32>,
    return
  }
  func.func @transform_0(%arg0: i32) -> (i32, i32, i32) {
    %c0_i32 = arith.constant 0 : i32
    %c0_i32_0 = arith.constant 0 : i32
    %c0_i32_1 = arith.constant 0 : i32
    return %c0_i32, %arg0, %c0_i32_0 : i32, i32, i32
  }
  func.func @transform_1(%arg0: i32) -> (i32, i32, i32) {
    %c0_i32 = arith.constant 0 : i32
    %c0_i32_0 = arith.constant 0 : i32
    %c0_i32_1 = arith.constant 0 : i32
    %c0_i32_2 = arith.constant 0 : i32
    return %c0_i32, %c0_i32_0, %c0_i32_1 : i32, i32, i32
  }
  func.func @transform_2(%arg0: i32) -> (i32, i32, i32) {
    %c0_i32 = arith.constant 0 : i32
    %c0_i32_0 = arith.constant 0 : i32
    %c0_i32_1 = arith.constant 0 : i32
    return %c0_i32, %arg0, %c0_i32_0 : i32, i32, i32
  }
}

module attributes {stable_mosaic.version = 14 : i64} {
  func.func @_bmm_body(%arg0: i32, %arg1: memref<3x32x128xf32, #tpu.memory_space<vmem>>, %arg2: memref<3x32x128xf32, #tpu.memory_space<vmem>>, %arg3: memref<3x32x128xf32, #tpu.memory_space<vmem>>, %arg4: memref<3x32x128xf32, #tpu.memory_space<vmem>>, %arg5: memref<1x32x8xf32, #tpu.memory_space<vmem>>, %arg6: memref<1x32x8xf32, #tpu.memory_space<vmem>>, %arg7: memref<1x32x8xf32, #tpu.memory_space<vmem>>, %arg8: memref<1x32x8xf32, #tpu.memory_space<vmem>>, %arg9: memref<1x3x32x32xf32, #tpu.memory_space<vmem>>) attributes {dimension_semantics = [#tpu.dimension_semantics<arbitrary>], iteration_bounds = array<i64: 50>, scalar_prefetch = 0 : i64, scratch_operands = 0 : i64, tpu.core_type = #tpu.core_type<tc>, window_params = [{transform_indices = @transform_0, window_bounds = array<i64: 3, 32, 128>}, {transform_indices = @transform_1, window_bounds = array<i64: 3, 32, 128>}, {transform_indices = @transform_2, window_bounds = array<i64: 3, 32, 128>}, {transform_indices = @transform_3, window_bounds = array<i64: 3, 32, 128>}, {transform_indices = @transform_4, window_bounds = array<i64: 1, 32, 8>}, {transform_indices = @transform_5, window_bounds = array<i64: 1, 32, 8>}, {transform_indices = @transform_6, window_bounds = array<i64: 1, 32, 8>}, {transform_indices = @transform_7, window_bounds = array<i64: 1, 32, 8>}, {transform_indices = @transform_8, window_bounds = array<i64: 1, 3, 32, 32>}]} {
    %get3A = arith.constant 0 : index
    %get3A_0 = arith.constant 0 : index
    %get3A_1 = arith.constant 0 : index
    %get3A_2 = vector.load %arg5[%get3A, %get3A_0, %get3A_1] : memref<1x32x8xf32, #tpu.memory_space<vmem>>, vector<1x32x8xf32>
    %get3A_3 = vector.shape_cast %get3A_2 : vector<1x32x8xf32> to vector<32x8xf32>
    %slice3A = vector.extract_strided_slice %get3A_3 {offsets = [0, 0], sizes = [32, 1], strides = [1, 1]} : vector<32x8xf32> to vector<32x1xf32>
    %get3A_4 = arith.constant 0 : index
    %get3A_5 = arith.constant 0 : index
    %get3A_6 = arith.constant 0 : index
    %get3A_7 = vector.load %arg1[%get3A_4, %get3A_5, %get3A_6] : memref<3x32x128xf32, #tpu.memory_space<vmem>>, vector<1x32x128xf32>
    %get3A_8 = vector.shape_cast %get3A_7 : vector<1x32x128xf32> to vector<32x128xf32>
    %mul3A = vector.broadcast %slice3A : vector<32x1xf32> to vector<32x128xf32>
    %mul3A_9 = arith.mulf %mul3A, %get3A_8 : vector<32x128xf32>
    %get3A_10 = arith.constant 0 : index
    %get3A_11 = arith.constant 0 : index
    %get3A_12 = arith.constant 0 : index
    %get3A_13 = vector.load %arg6[%get3A_10, %get3A_11, %get3A_12] : memref<1x32x8xf32, #tpu.memory_space<vmem>>, vector<1x32x8xf32>
    %get3A_14 = vector.shape_cast %get3A_13 : vector<1x32x8xf32> to vector<32x8xf32>
    %slice3A_15 = vector.extract_strided_slice %get3A_14 {offsets = [0, 0], sizes = [32, 1], strides = [1, 1]} : vector<32x8xf32> to vector<32x1xf32>
    %get3A_16 = arith.constant 0 : index
    %get3A_17 = arith.constant 0 : index
    %get3A_18 = arith.constant 0 : index
    %get3A_19 = vector.load %arg2[%get3A_16, %get3A_17, %get3A_18] : memref<3x32x128xf32, #tpu.memory_space<vmem>>, vector<1x32x128xf32>
    %get3A_20 = vector.shape_cast %get3A_19 : vector<1x32x128xf32> to vector<32x128xf32>
    %mul3A_21 = vector.broadcast %slice3A_15 : vector<32x1xf32> to vector<32x128xf32>
    %mul3A_22 = arith.mulf %mul3A_21, %get3A_20 : vector<32x128xf32>
    %add3A = arith.addf %mul3A_9, %mul3A_22 : vector<32x128xf32>
    %get3A_23 = arith.constant 0 : index
    %get3A_24 = arith.constant 0 : index
    %get3A_25 = arith.constant 0 : index
    %get3A_26 = vector.load %arg7[%get3A_23, %get3A_24, %get3A_25] : memref<1x32x8xf32, #tpu.memory_space<vmem>>, vector<1x32x8xf32>
    %get3A_27 = vector.shape_cast %get3A_26 : vector<1x32x8xf32> to vector<32x8xf32>
    %slice3A_28 = vector.extract_strided_slice %get3A_27 {offsets = [0, 0], sizes = [32, 1], strides = [1, 1]} : vector<32x8xf32> to vector<32x1xf32>
    %get3A_29 = arith.constant 0 : index
    %get3A_30 = arith.constant 0 : index
    %get3A_31 = arith.constant 0 : index
    %get3A_32 = vector.load %arg3[%get3A_29, %get3A_30, %get3A_31] : memref<3x32x128xf32, #tpu.memory_space<vmem>>, vector<1x32x128xf32>
    %get3A_33 = vector.shape_cast %get3A_32 : vector<1x32x128xf32> to vector<32x128xf32>
    %mul3A_34 = vector.broadcast %slice3A_28 : vector<32x1xf32> to vector<32x128xf32>
    %mul3A_35 = arith.mulf %mul3A_34, %get3A_33 : vector<32x128xf32>
    %get3A_36 = arith.constant 0 : index
    %get3A_37 = arith.constant 0 : index
    %get3A_38 = arith.constant 0 : index
    %get3A_39 = vector.load %arg8[%get3A_36, %get3A_37, %get3A_38] : memref<1x32x8xf32, #tpu.memory_space<vmem>>, vector<1x32x8xf32>
    %get3A_40 = vector.shape_cast %get3A_39 : vector<1x32x8xf32> to vector<32x8xf32>
    %slice3A_41 = vector.extract_strided_slice %get3A_40 {offsets = [0, 0], sizes = [32, 1], strides = [1, 1]} : vector<32x8xf32> to vector<32x1xf32>
    %get3A_42 = arith.constant 0 : index
    %get3A_43 = arith.constant 0 : index
    %get3A_44 = arith.constant 0 : index
    %get3A_45 = vector.load %arg4[%get3A_42, %get3A_43, %get3A_44] : memref<3x32x128xf32, #tpu.memory_space<vmem>>, vector<1x32x128xf32>
    %get3A_46 = vector.shape_cast %get3A_45 : vector<1x32x128xf32> to vector<32x128xf32>
    %mul3A_47 = vector.broadcast %slice3A_41 : vector<32x1xf32> to vector<32x128xf32>
    %mul3A_48 = arith.mulf %mul3A_47, %get3A_46 : vector<32x128xf32>
    %add3A_49 = arith.addf %mul3A_35, %mul3A_48 : vector<32x128xf32>
    %dot_general3A = arith.constant dense<0.000000e+00> : vector<32x32xf32>
    %dot_general3A_50 = tpu.matmul %add3A, %add3A_49, %dot_general3A {dimension_numbers = #tpu.dot_dimension_numbers<[1], [1], [0], [0], [0, 0, 1, 0], [], []>, transpose_lhs_hint = false} : vector<32x128xf32>, vector<32x128xf32>, vector<32x32xf32> -> vector<32x32xf32>
    %swap3A = arith.constant 0 : index
    %swap3A_51 = arith.constant 0 : index
    %swap3A_52 = arith.constant 0 : index
    %swap3A_53 = arith.constant 0 : index
    %swap3A_54 = vector.load %arg9[%swap3A, %swap3A_51, %swap3A_52, %swap3A_53] : memref<1x3x32x32xf32, #tpu.memory_space<vmem>>, vector<1x1x32x32xf32>
    %swap3A_55 = vector.shape_cast %swap3A_54 : vector<1x1x32x32xf32> to vector<32x32xf32>
    %swap3A_56 = vector.shape_cast %dot_general3A_50 : vector<32x32xf32> to vector<1x1x32x32xf32>
    tpu.vector_store %arg9[%swap3A, %swap3A_51, %swap3A_52, %swap3A_53], %swap3A_56 {strides = array<i32>} : memref<1x3x32x32xf32, #tpu.memory_space<vmem>>, vector<1x1x32x32xf32>,
    %get3A_57 = arith.constant 0 : index
    %get3A_58 = arith.constant 0 : index
    %get3A_59 = arith.constant 0 : index
    %get3A_60 = vector.load %arg5[%get3A_57, %get3A_58, %get3A_59] : memref<1x32x8xf32, #tpu.memory_space<vmem>>, vector<1x32x8xf32>
    %get3A_61 = vector.shape_cast %get3A_60 : vector<1x32x8xf32> to vector<32x8xf32>
    %slice3A_62 = vector.extract_strided_slice %get3A_61 {offsets = [0, 0], sizes = [32, 1], strides = [1, 1]} : vector<32x8xf32> to vector<32x1xf32>
    %get3A_63 = arith.constant 1 : index
    %get3A_64 = arith.constant 0 : index
    %get3A_65 = arith.constant 0 : index
    %get3A_66 = vector.load %arg1[%get3A_63, %get3A_64, %get3A_65] : memref<3x32x128xf32, #tpu.memory_space<vmem>>, vector<1x32x128xf32>
    %get3A_67 = vector.shape_cast %get3A_66 : vector<1x32x128xf32> to vector<32x128xf32>
    %mul3A_68 = vector.broadcast %slice3A_62 : vector<32x1xf32> to vector<32x128xf32>
    %mul3A_69 = arith.mulf %mul3A_68, %get3A_67 : vector<32x128xf32>
    %get3A_70 = arith.constant 0 : index
    %get3A_71 = arith.constant 0 : index
    %get3A_72 = arith.constant 0 : index
    %get3A_73 = vector.load %arg6[%get3A_70, %get3A_71, %get3A_72] : memref<1x32x8xf32, #tpu.memory_space<vmem>>, vector<1x32x8xf32>
    %get3A_74 = vector.shape_cast %get3A_73 : vector<1x32x8xf32> to vector<32x8xf32>
    %slice3A_75 = vector.extract_strided_slice %get3A_74 {offsets = [0, 0], sizes = [32, 1], strides = [1, 1]} : vector<32x8xf32> to vector<32x1xf32>
    %get3A_76 = arith.constant 1 : index
    %get3A_77 = arith.constant 0 : index
    %get3A_78 = arith.constant 0 : index
    %get3A_79 = vector.load %arg2[%get3A_76, %get3A_77, %get3A_78] : memref<3x32x128xf32, #tpu.memory_space<vmem>>, vector<1x32x128xf32>
    %get3A_80 = vector.shape_cast %get3A_79 : vector<1x32x128xf32> to vector<32x128xf32>
    %mul3A_81 = vector.broadcast %slice3A_75 : vector<32x1xf32> to vector<32x128xf32>
    %mul3A_82 = arith.mulf %mul3A_81, %get3A_80 : vector<32x128xf32>
    %add3A_83 = arith.addf %mul3A_69, %mul3A_82 : vector<32x128xf32>
    %get3A_84 = arith.constant 0 : index
    %get3A_85 = arith.constant 0 : index
    %get3A_86 = arith.constant 0 : index
    %get3A_87 = vector.load %arg7[%get3A_84, %get3A_85, %get3A_86] : memref<1x32x8xf32, #tpu.memory_space<vmem>>, vector<1x32x8xf32>
    %get3A_88 = vector.shape_cast %get3A_87 : vector<1x32x8xf32> to vector<32x8xf32>
    %slice3A_89 = vector.extract_strided_slice %get3A_88 {offsets = [0, 0], sizes = [32, 1], strides = [1, 1]} : vector<32x8xf32> to vector<32x1xf32>
    %get3A_90 = arith.constant 1 : index
    %get3A_91 = arith.constant 0 : index
    %get3A_92 = arith.constant 0 : index
    %get3A_93 = vector.load %arg3[%get3A_90, %get3A_91, %get3A_92] : memref<3x32x128xf32, #tpu.memory_space<vmem>>, vector<1x32x128xf32>
    %get3A_94 = vector.shape_cast %get3A_93 : vector<1x32x128xf32> to vector<32x128xf32>
    %mul3A_95 = vector.broadcast %slice3A_89 : vector<32x1xf32> to vector<32x128xf32>
    %mul3A_96 = arith.mulf %mul3A_95, %get3A_94 : vector<32x128xf32>
    %get3A_97 = arith.constant 0 : index
    %get3A_98 = arith.constant 0 : index
    %get3A_99 = arith.constant 0 : index
    %get3A_100 = vector.load %arg8[%get3A_97, %get3A_98, %get3A_99] : memref<1x32x8xf32, #tpu.memory_space<vmem>>, vector<1x32x8xf32>
    %get3A_101 = vector.shape_cast %get3A_100 : vector<1x32x8xf32> to vector<32x8xf32>
    %slice3A_102 = vector.extract_strided_slice %get3A_101 {offsets = [0, 0], sizes = [32, 1], strides = [1, 1]} : vector<32x8xf32> to vector<32x1xf32>
    %get3A_103 = arith.constant 1 : index
    %get3A_104 = arith.constant 0 : index
    %get3A_105 = arith.constant 0 : index
    %get3A_106 = vector.load %arg4[%get3A_103, %get3A_104, %get3A_105] : memref<3x32x128xf32, #tpu.memory_space<vmem>>, vector<1x32x128xf32>
    %get3A_107 = vector.shape_cast %get3A_106 : vector<1x32x128xf32> to vector<32x128xf32>
    %mul3A_108 = vector.broadcast %slice3A_102 : vector<32x1xf32> to vector<32x128xf32>
    %mul3A_109 = arith.mulf %mul3A_108, %get3A_107 : vector<32x128xf32>
    %add3A_110 = arith.addf %mul3A_96, %mul3A_109 : vector<32x128xf32>
    %dot_general3A_111 = arith.constant dense<0.000000e+00> : vector<32x32xf32>
    %dot_general3A_112 = tpu.matmul %add3A_83, %add3A_110, %dot_general3A_111 {dimension_numbers = #tpu.dot_dimension_numbers<[1], [1], [0], [0], [0, 0, 1, 0], [], []>, transpose_lhs_hint = false} : vector<32x128xf32>, vector<32x128xf32>, vector<32x32xf32> -> vector<32x32xf32>
    %swap3A_113 = arith.constant 0 : index
    %swap3A_114 = arith.constant 1 : index
    %swap3A_115 = arith.constant 0 : index
    %swap3A_116 = arith.constant 0 : index
    %swap3A_117 = vector.load %arg9[%swap3A_113, %swap3A_114, %swap3A_115, %swap3A_116] : memref<1x3x32x32xf32, #tpu.memory_space<vmem>>, vector<1x1x32x32xf32>
    %swap3A_118 = vector.shape_cast %swap3A_117 : vector<1x1x32x32xf32> to vector<32x32xf32>
    %swap3A_119 = vector.shape_cast %dot_general3A_112 : vector<32x32xf32> to vector<1x1x32x32xf32>
    tpu.vector_store %arg9[%swap3A_113, %swap3A_114, %swap3A_115, %swap3A_116], %swap3A_119 {strides = array<i32>} : memref<1x3x32x32xf32, #tpu.memory_space<vmem>>, vector<1x1x32x32xf32>,
    %get3A_120 = arith.constant 0 : index
    %get3A_121 = arith.constant 0 : index
    %get3A_122 = arith.constant 0 : index
    %get3A_123 = vector.load %arg5[%get3A_120, %get3A_121, %get3A_122] : memref<1x32x8xf32, #tpu.memory_space<vmem>>, vector<1x32x8xf32>
    %get3A_124 = vector.shape_cast %get3A_123 : vector<1x32x8xf32> to vector<32x8xf32>
    %slice3A_125 = vector.extract_strided_slice %get3A_124 {offsets = [0, 0], sizes = [32, 1], strides = [1, 1]} : vector<32x8xf32> to vector<32x1xf32>
    %get3A_126 = arith.constant 2 : index
    %get3A_127 = arith.constant 0 : index
    %get3A_128 = arith.constant 0 : index
    %get3A_129 = vector.load %arg1[%get3A_126, %get3A_127, %get3A_128] : memref<3x32x128xf32, #tpu.memory_space<vmem>>, vector<1x32x128xf32>
    %get3A_130 = vector.shape_cast %get3A_129 : vector<1x32x128xf32> to vector<32x128xf32>
    %mul3A_131 = vector.broadcast %slice3A_125 : vector<32x1xf32> to vector<32x128xf32>
    %mul3A_132 = arith.mulf %mul3A_131, %get3A_130 : vector<32x128xf32>
    %get3A_133 = arith.constant 0 : index
    %get3A_134 = arith.constant 0 : index
    %get3A_135 = arith.constant 0 : index
    %get3A_136 = vector.load %arg6[%get3A_133, %get3A_134, %get3A_135] : memref<1x32x8xf32, #tpu.memory_space<vmem>>, vector<1x32x8xf32>
    %get3A_137 = vector.shape_cast %get3A_136 : vector<1x32x8xf32> to vector<32x8xf32>
    %slice3A_138 = vector.extract_strided_slice %get3A_137 {offsets = [0, 0], sizes = [32, 1], strides = [1, 1]} : vector<32x8xf32> to vector<32x1xf32>
    %get3A_139 = arith.constant 2 : index
    %get3A_140 = arith.constant 0 : index
    %get3A_141 = arith.constant 0 : index
    %get3A_142 = vector.load %arg2[%get3A_139, %get3A_140, %get3A_141] : memref<3x32x128xf32, #tpu.memory_space<vmem>>, vector<1x32x128xf32>
    %get3A_143 = vector.shape_cast %get3A_142 : vector<1x32x128xf32> to vector<32x128xf32>
    %mul3A_144 = vector.broadcast %slice3A_138 : vector<32x1xf32> to vector<32x128xf32>
    %mul3A_145 = arith.mulf %mul3A_144, %get3A_143 : vector<32x128xf32>
    %add3A_146 = arith.addf %mul3A_132, %mul3A_145 : vector<32x128xf32>
    %get3A_147 = arith.constant 0 : index
    %get3A_148 = arith.constant 0 : index
    %get3A_149 = arith.constant 0 : index
    %get3A_150 = vector.load %arg7[%get3A_147, %get3A_148, %get3A_149] : memref<1x32x8xf32, #tpu.memory_space<vmem>>, vector<1x32x8xf32>
    %get3A_151 = vector.shape_cast %get3A_150 : vector<1x32x8xf32> to vector<32x8xf32>
    %slice3A_152 = vector.extract_strided_slice %get3A_151 {offsets = [0, 0], sizes = [32, 1], strides = [1, 1]} : vector<32x8xf32> to vector<32x1xf32>
    %get3A_153 = arith.constant 2 : index
    %get3A_154 = arith.constant 0 : index
    %get3A_155 = arith.constant 0 : index
    %get3A_156 = vector.load %arg3[%get3A_153, %get3A_154, %get3A_155] : memref<3x32x128xf32, #tpu.memory_space<vmem>>, vector<1x32x128xf32>
    %get3A_157 = vector.shape_cast %get3A_156 : vector<1x32x128xf32> to vector<32x128xf32>
    %mul3A_158 = vector.broadcast %slice3A_152 : vector<32x1xf32> to vector<32x128xf32>
    %mul3A_159 = arith.mulf %mul3A_158, %get3A_157 : vector<32x128xf32>
    %get3A_160 = arith.constant 0 : index
    %get3A_161 = arith.constant 0 : index
    %get3A_162 = arith.constant 0 : index
    %get3A_163 = vector.load %arg8[%get3A_160, %get3A_161, %get3A_162] : memref<1x32x8xf32, #tpu.memory_space<vmem>>, vector<1x32x8xf32>
    %get3A_164 = vector.shape_cast %get3A_163 : vector<1x32x8xf32> to vector<32x8xf32>
    %slice3A_165 = vector.extract_strided_slice %get3A_164 {offsets = [0, 0], sizes = [32, 1], strides = [1, 1]} : vector<32x8xf32> to vector<32x1xf32>
    %get3A_166 = arith.constant 2 : index
    %get3A_167 = arith.constant 0 : index
    %get3A_168 = arith.constant 0 : index
    %get3A_169 = vector.load %arg4[%get3A_166, %get3A_167, %get3A_168] : memref<3x32x128xf32, #tpu.memory_space<vmem>>, vector<1x32x128xf32>
    %get3A_170 = vector.shape_cast %get3A_169 : vector<1x32x128xf32> to vector<32x128xf32>
    %mul3A_171 = vector.broadcast %slice3A_165 : vector<32x1xf32> to vector<32x128xf32>
    %mul3A_172 = arith.mulf %mul3A_171, %get3A_170 : vector<32x128xf32>
    %add3A_173 = arith.addf %mul3A_159, %mul3A_172 : vector<32x128xf32>
    %dot_general3A_174 = arith.constant dense<0.000000e+00> : vector<32x32xf32>
    %dot_general3A_175 = tpu.matmul %add3A_146, %add3A_173, %dot_general3A_174 {dimension_numbers = #tpu.dot_dimension_numbers<[1], [1], [0], [0], [0, 0, 1, 0], [], []>, transpose_lhs_hint = false} : vector<32x128xf32>, vector<32x128xf32>, vector<32x32xf32> -> vector<32x32xf32>
    %swap3A_176 = arith.constant 0 : index
    %swap3A_177 = arith.constant 2 : index
    %swap3A_178 = arith.constant 0 : index
    %swap3A_179 = arith.constant 0 : index
    %swap3A_180 = vector.load %arg9[%swap3A_176, %swap3A_177, %swap3A_178, %swap3A_179] : memref<1x3x32x32xf32, #tpu.memory_space<vmem>>, vector<1x1x32x32xf32>
    %swap3A_181 = vector.shape_cast %swap3A_180 : vector<1x1x32x32xf32> to vector<32x32xf32>
    %swap3A_182 = vector.shape_cast %dot_general3A_175 : vector<32x32xf32> to vector<1x1x32x32xf32>
    tpu.vector_store %arg9[%swap3A_176, %swap3A_177, %swap3A_178, %swap3A_179], %swap3A_182 {strides = array<i32>} : memref<1x3x32x32xf32, #tpu.memory_space<vmem>>, vector<1x1x32x32xf32>,
    return
  }
  func.func @transform_0(%arg0: i32) -> (i32, i32, i32) {
    %add3A = arith.constant 0 : i32
    %add3A_0 = arith.addi %arg0, %add3A : i32
    %c0_i32 = arith.constant 0 : i32
    %c0_i32_1 = arith.constant 0 : i32
    %c0_i32_2 = arith.constant 0 : i32
    return %c0_i32, %add3A_0, %c0_i32_1 : i32, i32, i32
  }
  func.func @transform_1(%arg0: i32) -> (i32, i32, i32) {
    %add3A = arith.constant 50 : i32
    %add3A_0 = arith.addi %arg0, %add3A : i32
    %c0_i32 = arith.constant 0 : i32
    %c0_i32_1 = arith.constant 0 : i32
    %c0_i32_2 = arith.constant 0 : i32
    return %c0_i32, %add3A_0, %c0_i32_1 : i32, i32, i32
  }
  func.func @transform_2(%arg0: i32) -> (i32, i32, i32) {
    %add3A = arith.constant 100 : i32
    %add3A_0 = arith.addi %arg0, %add3A : i32
    %c0_i32 = arith.constant 0 : i32
    %c0_i32_1 = arith.constant 0 : i32
    %c0_i32_2 = arith.constant 0 : i32
    return %c0_i32, %add3A_0, %c0_i32_1 : i32, i32, i32
  }
  func.func @transform_3(%arg0: i32) -> (i32, i32, i32) {
    %add3A = arith.constant 150 : i32
    %add3A_0 = arith.addi %arg0, %add3A : i32
    %c0_i32 = arith.constant 0 : i32
    %c0_i32_1 = arith.constant 0 : i32
    %c0_i32_2 = arith.constant 0 : i32
    return %c0_i32, %add3A_0, %c0_i32_1 : i32, i32, i32
  }
  func.func @transform_4(%arg0: i32) -> (i32, i32, i32) {
    %c0_i32 = arith.constant 0 : i32
    %c0_i32_0 = arith.constant 0 : i32
    %c0_i32_1 = arith.constant 0 : i32
    return %arg0, %c0_i32, %c0_i32_0 : i32, i32, i32
  }
  func.func @transform_5(%arg0: i32) -> (i32, i32, i32) {
    %c0_i32 = arith.constant 0 : i32
    %c0_i32_0 = arith.constant 0 : i32
    %c0_i32_1 = arith.constant 0 : i32
    return %arg0, %c0_i32, %c0_i32_0 : i32, i32, i32
  }
  func.func @transform_6(%arg0: i32) -> (i32, i32, i32) {
    %c0_i32 = arith.constant 0 : i32
    %c0_i32_0 = arith.constant 0 : i32
    %c0_i32_1 = arith.constant 0 : i32
    return %arg0, %c0_i32, %c0_i32_0 : i32, i32, i32
  }
  func.func @transform_7(%arg0: i32) -> (i32, i32, i32) {
    %c0_i32 = arith.constant 0 : i32
    %c0_i32_0 = arith.constant 0 : i32
    %c0_i32_1 = arith.constant 0 : i32
    return %arg0, %c0_i32, %c0_i32_0 : i32, i32, i32
  }
  func.func @transform_8(%arg0: i32) -> (i32, i32, i32, i32) {
    %c0_i32 = arith.constant 0 : i32
    %c0_i32_0 = arith.constant 0 : i32
    %c0_i32_1 = arith.constant 0 : i32
    %c0_i32_2 = arith.constant 0 : i32
    return %arg0, %c0_i32, %c0_i32_0, %c0_i32_1 : i32, i32, i32, i32
  }
}

</mosaic_0001>

<sc_bundles>
// kernel: kernel.11.cloned.1.call-start
scs
__scs_entry_jumppad:
0x0: {  	(pc) =	sbr.rel $0x88, $3  }
0x1: {  	(tag) =	ssettag $0x0;
	lr =	simm.s32 $0x1  }
0x2: {  	[smem:$0x3F94] =	sst lr;
	_ =	strace $0xD0000000  }
0x3: {  	_ = 	snop  }
0x4: {  	_ = 	snop  }
0x5: {  	_ = 	snop  }
0x6: {  	_ = 	snop  }
0x7: {  	_ = 	snop  }
__scs_overlays_trampoline_lowered:
0x8: {  	[smem:$0x3FA3] =	sst s0  }
0x9: {  	[smem:$0x3FA4] =	sst s1  }
0xa: {  	[smem:$0x3FA5] =	sst s2  }
0xb: {  	[smem:$0x3FA6] =	sst s3  }
0xc: {  	[smem:$0x3FA7] =	sst s4  }
0xd: {  	[smem:$0x3FA8] =	sst s5  }
0xe: {  	[smem:$0x3FA9] =	sst s6  }
0xf: {  	[smem:$0x3FAA] =	sst s7  }
0x10: {  	[smem:$0x3FAB] =	sst s8  }
0x11: {  	[smem:$0x3FAC] =	sst s9;
	s0 =	simm.s32 @!p0 $0x0  }
0x12: {  	s1 =	sld [smem:$0x3F92];
	s0 =	simm.s32 @p0 $0x1  }
0x13: {  	[smem:$0x3FAD] =	sst s0;
	s0 =	simm.s32 @!p1 $0x0  }
0x14: {  	s2 =	sld [smem:$0x3F91];
	s0 =	simm.s32 @p1 $0x1  }
0x15: {  	[smem:$0x3FAE] =	sst s0;
	s0 =	simm.s32 @!p2 $0x0  }
0x16: {  	s3 =	sld [smem:$0x3FDB];
	s0 =	simm.s32 @p2 $0x1  }
0x17: {  	s4 =	simm.s32 $0x1BF5;
	[smem:$0x3FB0] =	sst s0  }
0x18: {  	s0 =	sld [smem:$0x3F93];
	_ =	swait.ge [sflag:s4], $0x0  }
0x19: {  	s7 =	sld [smem:$0x3F94]  }
0x1a: {  	s8 =	sadd.s32 $0xFFFFE003, lr  }
0x1b: {  	s9 =	sadd.s32 $0xFFFFFEF7, lr;
	s5 =	simm.s32 $0xFFFFFFFF;
	p2 =	slt.u32 s8, $0xFFFFF086  }
0x1c: {  	p1 =	slt.u32 s9, $0xF7A;
	s5 =	simm.s32 @!p2 $0x0  }
0x1d: {  	s5 =	simm.s32 @p1 $0x1;
	p0 =	seq.s32 s7, s2  }
0x1e: {  	s7 =	smul.u32 @!p0 $0xF7A, s2;
	p2 =	seq.s32 @!p0 s5, $0x0  }
0x1f: {  	s9 =	smul.u32 $0xF7A, s1;
	s8 =	simm.s32 @!p0 $0x1BF5;
	p2 =	por !p2, p0  }
0x20: {  	[sflag:s8] =	ssyncset.s32 @!p0 $0xFFFFF086;
	s6 =	sadd.s32 @!p0 s3, s7;
	s7 =	simm.s32 @!p0 $0x108  }
0x21: {  	s3 =	sadd.s32 s3, s9;
	s6 =	sadd.s32 @!p0 $0x88, s6;
	s7 =	simm.s32 @p2 $0x1082  }
0x22: {  	[simem:s7], [sflag:s8] =	dma.local @!p0 [hbm:s6], $0xF7A  }
0x23: {  	s9 =	sor.u32 $0xD0000000, s2;
	s6 =	simm.s32 $0x108;
	_ =	swait.ge @!p0 [sflag:s8], $0x0  }
0x24: {  	s3 =	sadd.s32 $0x88, s3;
	s6 =	simm.s32 @!p1 $0x1082;
	[sflag:s4] =	ssyncset.s32 $0xFFFFF086  }
0x25: {  	[simem:s6], [sflag:s4] =	dma.local [hbm:s3], $0xF7A  }
0x26: {  	[smem:$0x3F94] =	sst s1;
	(tag) =	ssettag s2;
	_ =	strace s9  }
0x27: {  	s1 =	sld [smem:$0x3FA4]  }
0x28: {  	s2 =	sld [smem:$0x3FA5]  }
0x29: {  	s4 =	sld [smem:$0x3FA7]  }
0x2a: {  	p0 =	seq.s32 s5, $0x0;
	s5 =	sld [smem:$0x3FA8]  }
0x2b: {  	s6 =	sld [smem:$0x3FA9]  }
0x2c: {  	s7 =	sld [smem:$0x3FAA]  }
0x2d: {  	s3 =	simm.s32 $0x108;
	s8 =	sld [smem:$0x3FAB]  }
0x2e: {  	s3 =	simm.s32 @!p0 $0x1082;
	s9 =	sld [smem:$0x3FAC]  }
0x2f: {  	lr =	sadd.s32 s0, s3;
	s0 =	sld [smem:$0x3FA3]  }
0x30: {  	s3 =	sld [smem:$0x3FA6]  }
0x31: {  	[smem:$0x3FAF] =	sst s10  }
0x32: {  	s10 =	sld [smem:$0x3FAD];
	_ =	sdelay $0x3  }
0x33: {  	p0 =	seq.s32 s10, $0x1;
	s10 =	sld [smem:$0x3FAF];
	_ =	sdelay $0x3  }
0x34: {  	[smem:$0x3FAF] =	sst s10  }
0x35: {  	s10 =	sld [smem:$0x3FAE];
	_ =	sdelay $0x3  }
0x36: {  	p1 =	seq.s32 s10, $0x1;
	s10 =	sld [smem:$0x3FAF];
	_ =	sdelay $0x3  }
0x37: {  	[smem:$0x3FAF] =	sst s10  }
0x38: {  	s10 =	sld [smem:$0x3FB0]  }
0x39: {  	_ = 	snop;
	(pc) =	sbr.ind lr, $3  }
0x3a: {  	_ = 	snop  }
0x3b: {  	_ = 	snop  }
0x3c: {  	p2 =	seq.s32 s10, $0x1;
	s10 =	sld [smem:$0x3FAF]  }
0x3d: {  	_ =	shalt  }
0x3e: {  	_ =	shalt  }
0x3f: {  	_ =	shalt  }
0x40: {  	_ =	shalt  }
0x41: {  	_ =	shalt  }
0x42: {  	_ =	shalt  }
0x43: {  	_ =	shalt  }
0x44: {  	_ =	shalt  }
0x45: {  	_ =	shalt  }
0x46: {  	_ =	shalt  }
0x47: {  	_ =	shalt  }
0x48: {  	_ =	shalt  }
0x49: {  	_ =	shalt  }
0x4a: {  	_ =	shalt  }
0x4b: {  	_ =	shalt  }
0x4c: {  	_ =	shalt  }
0x4d: {  	_ =	shalt  }
0x4e: {  	_ =	shalt  }
0x4f: {  	_ =	shalt  }
0x50: {  	_ =	shalt  }
0x51: {  	_ =	shalt  }
0x52: {  	_ =	shalt  }
0x53: {  	_ =	shalt  }
0x54: {  	_ =	shalt  }
0x55: {  	_ =	shalt  }
0x56: {  	_ =	shalt  }
0x57: {  	_ =	shalt  }
0x58: {  	_ =	shalt  }
0x59: {  	_ =	shalt  }
0x5a: {  	_ =	shalt  }
0x5b: {  	_ =	shalt  }
0x5c: {  	_ =	shalt  }
0x5d: {  	_ =	shalt  }
0x5e: {  	_ =	shalt  }
0x5f: {  	_ =	shalt  }
0x60: {  	_ =	shalt  }
0x61: {  	_ =	shalt  }
0x62: {  	_ =	shalt  }
0x63: {  	_ =	shalt  }
0x64: {  	_ =	shalt  }
0x65: {  	_ =	shalt  }
0x66: {  	_ =	shalt  }
0x67: {  	_ =	shalt  }
0x68: {  	_ =	shalt  }
0x69: {  	_ =	shalt  }
0x6a: {  	_ =	shalt  }
0x6b: {  	_ =	shalt  }
0x6c: {  	_ =	shalt  }
0x6d: {  	_ =	shalt  }
0x6e: {  	_ =	shalt  }
0x6f: {  	_ =	shalt  }
0x70: {  	_ =	shalt  }
0x71: {  	_ =	shalt  }
0x72: {  	_ =	shalt  }
0x73: {  	_ =	shalt  }
0x74: {  	_ =	shalt  }
0x75: {  	_ =	shalt  }
0x76: {  	_ =	shalt  }
0x77: {  	_ =	shalt  }
0x78: {  	_ =	shalt  }
0x79: {  	_ =	shalt  }
0x7a: {  	_ =	shalt  }
0x7b: {  	_ =	shalt  }
0x7c: {  	_ =	shalt  }
0x7d: {  	_ =	shalt  }
0x7e: {  	_ =	shalt  }
0x7f: {  	_ =	shalt  }
0x80: {  	_ =	shalt  }
0x81: {  	_ =	shalt  }
0x82: {  	_ =	shalt  }
0x83: {  	_ =	shalt  }
0x84: {  	_ =	shalt  }
0x85: {  	_ =	shalt  }
0x86: {  	_ =	shalt  }
0x87: {  	_ =	shalt  }
.Lfunc_end0:
.L_simem_size_0:
called_computation_lowered:
.L_overlay_start_0:
0x88: {  	s2 =	sld [smem:$0x3FD9]  }
0x89: {  	s3 =	sld [smem:$0x3FFE];
	_ =	sdelay $0x1  }
0x8a: {  	s1 =	srdreg.scid  }
0x8b: {  	s0 =	sand.u32 $0x1, s1  }
0x8c: {  	s17 =	sshll.u32 s0, $0xA;
	s2 =	sadd.s32 s3, s2  }
0x8d: {  	s2 =	sadd.s32 s2, s17  }
0x8e: {  	[smem:$0x3FBB] =	sst s2  }
0x8f: {  	_ = 	snop  }
0x90: {  	s2 =	sld [smem:$0x3FD0];
	(tm) =	ssettm $0x1  }
0x91: {  	s18 =	sld [smem:$0x3FFB];
	_ =	sdelay $0x3  }
0x92: {  	_ =	strace s18  }
0x93: {  	s3 =	sld [smem:$0x3FFC];
	_ =	sdelay $0x3  }
0x94: {  	_ =	strace s3  }
0x95: {  	s3 =	sld [smem:$0x3FFD];
	_ =	sdelay $0x3  }
0x96: {  	_ =	strace s3  }
0x97: {  	_ =	strace $0x8FFFFFFF  }
0x98: {  	s19 =	sld [smem:$0x3FDB];
	_ =	sdelay $0x1  }
0x99: {  	s4 =	simm.s32 $_scs_section_size  }
0x9a: {  	s5 =	simm.s32 $_size__tile_overlayer_lowered;
	s6 =	simm.s32 $_tile_overlayer_lowered  }
0x9b: {  	s22 =	simm.s32 $0x1BFF;
	s21 =	sshll.u32 s6, $0x1;
	s3 =	sadd.s32 s4, s19  }
0x9c: {  	s7 =	simm.s32 $0x0;
	s20 =	sshll.u32 s5, $0x1;
	s5 =	sadd.s32 s21, s3  }
0x9d: {  	[timem:s7], [sflag:s22] =	dma.local [hbm:s5], s20  }
0x9e: {  	_ =	swait.ge [sflag:s22], s20  }
0x9f: {  	s4 =	ssub.s32 $0x0, s20;
	[sflag:s22] =	ssyncset.done $0x0  }
0xa0: {  	[sflag:s22] =	ssyncadd.s32 s4;
	_ =	sdelay $0x1  }
0xa1: {  	s23 =	simm.s32 $0x1B8B  }
0xa2: {  	_ =	swait.ge [sflag:s23], $0x1  }
0xa3: {  	[sflag:s23] =	ssyncset.done $0x0  }
0xa4: {  	s25 =	simm.s32 $0x1B8E;
	s24 =	sld [smem:$0x3FFE];
	[sflag:s23] =	ssyncadd.s32 $0xFFFFFFFF  }
0xa5: {  	s26 =	simm.s32 $execute0_lowered;
	[smem:$0x3FD2] =	sst s25  }
0xa6: {  	s5 =	sshll.u32 s26, $0x1;
	_ =	strace $0x80000046;
	[dreg:$0x1] =	wrdreg $0xFFFFFFFF  }
0xa7: {  	s28 =	simm.s32 $_size_execute0_lowered;
	s3 =	sadd.s32 s3, s5;
	[dreg:$0x0] =	wrdreg $0x0  }
0xa8: {  	s5 =	sshll.u32 s28, $0x1;
	[dreg:$0x2] =	wrdreg s3  }
0xa9: {  	[dreg:$0x3] =	wrdreg s5  }
0xaa: {  	[dreg:$0x4] =	wrdreg $0xC0  }
0xab: {  	_ =	task [dreg:s7], $0x5FFFF  }
0xac: {  	[dreg:$0x1] =	wrdreg $0xFFFFFFFF  }
0xad: {  	[dreg:$0x0] =	wrdreg $0x60  }
0xae: {  	[dreg:$0x2] =	wrdreg s24  }
0xaf: {  	[dreg:$0x3] =	wrdreg s2  }
0xb0: {  	[dreg:$0x4] =	wrdreg $0x90000  }
0xb1: {  	[dreg:$0x5] =	wrdreg $0x9  }
0xb2: {  	_ =	task.clear_ibuf [dreg:s7], $0x6FFFF;
	_ =	strace $0x90000046  }
0xb3: {  	s29 =	simm.s32 $0x9;
	_ =	strace $0x80000048  }
0xb4: {  	_ =	swait.ge [sflag:s29], $0x1  }
0xb5: {  	[sflag:s29] =	ssyncadd.s32 $0xFFFFFFFF  }
0xb6: {  	_ =	strace $0x90000048  }
0xb7: {  	_ =	sfence  }
0xb8: {  	s30 =	sld [smem:$0x0];
	_ =	sdelay $0x2  }
0xb9: {  	s31 =	sshll.u32 s1, $0xD;
	s1 =	sshrl.u32 s1, $0x2  }
0xba: {  	s3 =	sand.u32 $0x4000, s31;
	s1 =	sadd.s32 s1, s30  }
0xbb: {  	s0 =	sor.u32 s3, s0;
	s1 =	sshll.u32 s1, $0x11  }
0xbc: {  	s0 =	sor.u32 s1, s0  }
0xbd: {  	s0 =	sadd.s32 $0x8F2B, s0  }
0xbe: {  	[sflag:s0] =	ssyncadd.remote.s32 $0x1  }
0xbf: {  	_ =	sfence.sel $0xFFFF  }
0xc0: {  	[dreg:$0x0] =	wrdreg $0xFFFFFFFF;
	(pc) =	sbr.abs _section_cstart, $3  }
0xc1: {  	[dreg:$0x1] =	wrdreg $0xFFFFFFFF  }
0xc2: {  	_ =	task.clear_ibuf [dreg:s7], $0x2FFFF;
	_ =	strace $0x9FFFFFFF  }
0xc3: {  	(tm) =	ssettm $0x7FFFFFFF  }
tec
execute0_lowered:
.L_overlay_start_1:
0x0: {  	(tag) =	ssettag $0x1  }
0x1: {  	s5 =	rddreg [dreg:$0x0]  }
0x2: {  	s0 =	srdreg.scid;
	s2 =	rddreg [dreg:$0x1]  }
0x3: {  	s3 =	rddreg [dreg:$0x2];
	s6 =	sand.u32 $0x1, s0  }
0x4: {  	s0 =	stileid.u32;
	s7 =	smul.u32 $0x50000, s6  }
0x5: {  	s1 =	rddreg [dreg:$0x3];
	s8 =	smul.u32 $0x5000, s0  }
0x6: {  	s4 =	simm.s32 $0x0;
	s13 =	simm.s32 $0x80;
	s28 =	smul.u32 $0x14000, s0  }
0x7: {  	s14 =	simm.s32 $0x0;
	[smem:$0x7FF] =	sst s4;
	s9 =	smul.u32 $0x140000, s6  }
0x8: {  	_ =	strace $0x80000047;
	s6 =	ssub.s32 $0x2, s6;
	s29 =	smul.u32 $0x50000, s0  }
0x9: {  	s31 =	sshll.u32 s0, $0x6;
	s11 =	sshrl.u32 s6, $0x1;
	s7 =	sadd.s32 s8, s7  }
0xa: {  	s10 =	sshrl.u32 s28, $0x3;
	s8 =	sadd.s32 s28, s9;
	s11 =	ssub.s32 s6, s11  }
0xb: {  	s30 =	sshrl.u32 s29, $0x2;
	s9 =	simm.s32 $0x1;
	s7 =	sshrl.u32 s7, $0x3  }
0xc: {  	s10 =	sadd.s32 s10, s5;
	s8 =	sshrl.u32 s8, $0x3;
	s12 =	sadd.s32 s30, s3  }
0xd: {  	s7 =	sadd.s32 s7, s5;
	s8 =	sadd.s32 s8, s5;
	s6 =	sadd.s32 $0x18800, s10  }
0xe: {  	s10 =	sor.u32 $0x1C01, s31;
	s5 =	sadd.s32 $0x4800, s7;
	s7 =	sadd.s32 $0x40800, s8  }
0xf: {  	s8 =	smax.u32 s11, $0x1;
	s11 =	sshrl.u32 s12, $0x3;
	s12 =	simm.s32 $0x5000  }
.LBB2_1:
0x10: {  	[tilespmem:s4], [sflag:$0x1] =	stream.linear.gather [hbm4b:s5+s4], $0x4F00, $0x38;
	[tilespmem:$0x1D000] =	vst v63  }
0x11: {  	_ =	swait.ge [sflag:s9], $0x4F00  }
0x12: {  	[sflag:s9] =	ssyncset.done $0x0  }
0x13: {  	[sflag:s9] =	ssyncadd.s32 $0xFFFFB100  }
0x14: {  	[spmem:s11], [sflag:s10] =	dma.local [hbm:s6], $0x2800  }
0x15: {  	_ =	swait.ge [sflag:s9], $0x2800  }
0x16: {  	[sflag:s9] =	ssyncset.done $0x0  }
0x17: {  	[sflag:s9] =	ssyncadd.s32 $0xFFFFD800  }
0x18: {  	[tilespmem:s12], [sflag:$0x1] =	stream.linear.gather [hbm4b:s2+s4], $0x4000, $0x38;
	[tilespmem:$0x1D000] =	vst v63  }
0x19: {  	_ =	swait.ge [sflag:s9], $0x4000  }
0x1a: {  	[sflag:s9] =	ssyncset.done $0x0  }
0x1b: {  	[sflag:s9] =	ssyncadd.s32 $0xFFFFC000  }
0x1c: {  	s15 =	simm.s32 $0x0;
	[bflag:$0x0] =	sbarrier.arrive $0xFFFF  }
0x1d: {  	[spmem:s3] =	stream.indirect.scatter.add.f32 [tilespmem:s12], [sflag:$0x1], $0x80, s15, s13, $0xb8;
	[tilespmem:$0x1D000] =	vst v63  }
0x1e: {  	_ =	swait.ge [sflag:s9], $0x4000  }
0x1f: {  	s15 =	simm.s32 $0x200;
	[sflag:s9] =	ssyncset.done $0x0  }
.LBB2_2:
0x20: {  	s16 =	sshra.s32 s15, $0x2;
	[sflag:s9] =	ssyncadd.s32 $0xFFFFC000;
	p0 =	sne.s32 s15, $0x13A00  }
0x21: {  	[spmem:s3] =	stream.indirect.scatter.add.f32 [tilespmem:s12], [sflag:$0x1], $0x80, s16, s13, $0xb8;
	[tilespmem:$0x1D000] =	vst v63  }
.Ltmp0:
0x22: {  	_ = 	snop;
	(pc) =	sbr.rel @p0 .LBB2_2-.Ltmp0, $4  }
0x23: {  	_ = 	snop  }
0x24: {  	s15 =	sadd.s32 $0x200, s15  }
0x25: {  	_ =	swait.ge [sflag:s9], $0x4000  }
0x26: {  	[sflag:s9] =	ssyncset.done $0x0  }
0x27: {  	s14 =	sadd.s32 $0x1, s14  }
0x28: {  	[sflag:s9] =	ssyncadd.s32 $0xFFFFC000;
	p0 =	sne.s32 s14, s8  }
.Ltmp1:
0x29: {  	[bflag:$0x0] =	sbarrier.arrive $0xFFFF;
	(pc) =	sbr.rel @p0 .LBB2_1-.Ltmp1, $4  }
0x2a: {  	[hbm:s7], [sflag:s10] =	dma.local [spmem:s11], $0x2800  }
0x2b: {  	_ =	swait.ge [sflag:s9], $0x2800  }
0x2c: {  	[sflag:s9] =	ssyncset.done $0x0  }
0x2d: {  	[sflag:s9] =	ssyncadd.s32 $0xFFFFD800  }
0x2e: {  	_ =	sfence.sel $0x180000  }
0x2f: {  	[bflag:$0x0] =	sbarrier.arrive $0xFFFF  }
0x30: {  	p0 =	sne.s32 s0, $0x0;
	_ =	strace $0x90000047  }
0x31: {  	s0 =	sadd.s32 @!p0 $0x100000, s1;
	[bflag:$0x2] =	sbarrier.arrive $0xFFFF  }
0x32: {  	[sflag:s0] =	ssyncadd.tile.s32 @!p0 $0x1;
	_ =	shalt  }
.Lfunc_end2:
_tile_overlayer_lowered:
.L_overlay_start_2:
0x33: {  	(tag) =	ssettag $0x2  }
0x34: {  	s0 =	rddreg [dreg:$0x0];
	s2 =	stileid.u32  }
0x35: {  	s1 =	rddreg [dreg:$0x1];
	p0 =	sne.s32 s2, $0x0  }
0x36: {  	s3 =	rddreg [dreg:$0x2];
	[bflag:$0x3] =	sbarrier.arrive $0xFFFF;
	s2 =	simm.s32 @!p0 $0x1C01  }
0x37: {  	[timem:s3], [sflag:s2] =	dma.local @!p0 [hbm:s0], s1  }
0x38: {  	s0 =	simm.s32 @!p0 $0x1  }
0x39: {  	_ =	swait.ge @!p0 [sflag:s0], s1  }
0x3a: {  	s1 =	ssub.s32 @!p0 $0x0, s1;
	[sflag:s0] =	ssyncset.done @!p0 $0x0  }
0x3b: {  	[sflag:s0] =	ssyncadd.s32 @!p0 s1  }
0x3c: {  	[bflag:$0x3] =	sbarrier.arrive $0xFFFF  }
0x3d: {  	_ =	shalt  }

// kernel: kernel.14.cloned.1.call-start
scs
__scs_entry_jumppad:
0x0: {  	(pc) =	sbr.rel $0x88, $3  }
0x1: {  	(tag) =	ssettag $0x0;
	lr =	simm.s32 $0x1  }
0x2: {  	[smem:$0x3F94] =	sst lr;
	_ =	strace $0xD0000000  }
0x3: {  	_ = 	snop  }
0x4: {  	_ = 	snop  }
0x5: {  	_ = 	snop  }
0x6: {  	_ = 	snop  }
0x7: {  	_ = 	snop  }
__scs_overlays_trampoline_lowered:
0x8: {  	[smem:$0x3FA3] =	sst s0  }
0x9: {  	[smem:$0x3FA4] =	sst s1  }
0xa: {  	[smem:$0x3FA5] =	sst s2  }
0xb: {  	[smem:$0x3FA6] =	sst s3  }
0xc: {  	[smem:$0x3FA7] =	sst s4  }
0xd: {  	[smem:$0x3FA8] =	sst s5  }
0xe: {  	[smem:$0x3FA9] =	sst s6  }
0xf: {  	[smem:$0x3FAA] =	sst s7  }
0x10: {  	[smem:$0x3FAB] =	sst s8  }
0x11: {  	[smem:$0x3FAC] =	sst s9;
	s0 =	simm.s32 @!p0 $0x0  }
0x12: {  	s1 =	sld [smem:$0x3F92];
	s0 =	simm.s32 @p0 $0x1  }
0x13: {  	[smem:$0x3FAD] =	sst s0;
	s0 =	simm.s32 @!p1 $0x0  }
0x14: {  	s2 =	sld [smem:$0x3F91];
	s0 =	simm.s32 @p1 $0x1  }
0x15: {  	[smem:$0x3FAE] =	sst s0;
	s0 =	simm.s32 @!p2 $0x0  }
0x16: {  	s3 =	sld [smem:$0x3FDB];
	s0 =	simm.s32 @p2 $0x1  }
0x17: {  	s4 =	simm.s32 $0x1BF5;
	[smem:$0x3FB0] =	sst s0  }
0x18: {  	s0 =	sld [smem:$0x3F93];
	_ =	swait.ge [sflag:s4], $0x0  }
0x19: {  	s7 =	sld [smem:$0x3F94]  }
0x1a: {  	s8 =	sadd.s32 $0xFFFFE003, lr  }
0x1b: {  	s9 =	sadd.s32 $0xFFFFFEF7, lr;
	s5 =	simm.s32 $0xFFFFFFFF;
	p2 =	slt.u32 s8, $0xFFFFF086  }
0x1c: {  	p1 =	slt.u32 s9, $0xF7A;
	s5 =	simm.s32 @!p2 $0x0  }
0x1d: {  	s5 =	simm.s32 @p1 $0x1;
	p0 =	seq.s32 s7, s2  }
0x1e: {  	s7 =	smul.u32 @!p0 $0xF7A, s2;
	p2 =	seq.s32 @!p0 s5, $0x0  }
0x1f: {  	s9 =	smul.u32 $0xF7A, s1;
	s8 =	simm.s32 @!p0 $0x1BF5;
	p2 =	por !p2, p0  }
0x20: {  	[sflag:s8] =	ssyncset.s32 @!p0 $0xFFFFF086;
	s6 =	sadd.s32 @!p0 s3, s7;
	s7 =	simm.s32 @!p0 $0x108  }
0x21: {  	s3 =	sadd.s32 s3, s9;
	s6 =	sadd.s32 @!p0 $0x88, s6;
	s7 =	simm.s32 @p2 $0x1082  }
0x22: {  	[simem:s7], [sflag:s8] =	dma.local @!p0 [hbm:s6], $0xF7A  }
0x23: {  	s9 =	sor.u32 $0xD0000000, s2;
	s6 =	simm.s32 $0x108;
	_ =	swait.ge @!p0 [sflag:s8], $0x0  }
0x24: {  	s3 =	sadd.s32 $0x88, s3;
	s6 =	simm.s32 @!p1 $0x1082;
	[sflag:s4] =	ssyncset.s32 $0xFFFFF086  }
0x25: {  	[simem:s6], [sflag:s4] =	dma.local [hbm:s3], $0xF7A  }
0x26: {  	[smem:$0x3F94] =	sst s1;
	(tag) =	ssettag s2;
	_ =	strace s9  }
0x27: {  	s1 =	sld [smem:$0x3FA4]  }
0x28: {  	s2 =	sld [smem:$0x3FA5]  }
0x29: {  	s4 =	sld [smem:$0x3FA7]  }
0x2a: {  	p0 =	seq.s32 s5, $0x0;
	s5 =	sld [smem:$0x3FA8]  }
0x2b: {  	s6 =	sld [smem:$0x3FA9]  }
0x2c: {  	s7 =	sld [smem:$0x3FAA]  }
0x2d: {  	s3 =	simm.s32 $0x108;
	s8 =	sld [smem:$0x3FAB]  }
0x2e: {  	s3 =	simm.s32 @!p0 $0x1082;
	s9 =	sld [smem:$0x3FAC]  }
0x2f: {  	lr =	sadd.s32 s0, s3;
	s0 =	sld [smem:$0x3FA3]  }
0x30: {  	s3 =	sld [smem:$0x3FA6]  }
0x31: {  	[smem:$0x3FAF] =	sst s10  }
0x32: {  	s10 =	sld [smem:$0x3FAD];
	_ =	sdelay $0x3  }
0x33: {  	p0 =	seq.s32 s10, $0x1;
	s10 =	sld [smem:$0x3FAF];
	_ =	sdelay $0x3  }
0x34: {  	[smem:$0x3FAF] =	sst s10  }
0x35: {  	s10 =	sld [smem:$0x3FAE];
	_ =	sdelay $0x3  }
0x36: {  	p1 =	seq.s32 s10, $0x1;
	s10 =	sld [smem:$0x3FAF];
	_ =	sdelay $0x3  }
0x37: {  	[smem:$0x3FAF] =	sst s10  }
0x38: {  	s10 =	sld [smem:$0x3FB0]  }
0x39: {  	_ = 	snop;
	(pc) =	sbr.ind lr, $3  }
0x3a: {  	_ = 	snop  }
0x3b: {  	_ = 	snop  }
0x3c: {  	p2 =	seq.s32 s10, $0x1;
	s10 =	sld [smem:$0x3FAF]  }
0x3d: {  	_ =	shalt  }
0x3e: {  	_ =	shalt  }
0x3f: {  	_ =	shalt  }
0x40: {  	_ =	shalt  }
0x41: {  	_ =	shalt  }
0x42: {  	_ =	shalt  }
0x43: {  	_ =	shalt  }
0x44: {  	_ =	shalt  }
0x45: {  	_ =	shalt  }
0x46: {  	_ =	shalt  }
0x47: {  	_ =	shalt  }
0x48: {  	_ =	shalt  }
0x49: {  	_ =	shalt  }
0x4a: {  	_ =	shalt  }
0x4b: {  	_ =	shalt  }
0x4c: {  	_ =	shalt  }
0x4d: {  	_ =	shalt  }
0x4e: {  	_ =	shalt  }
0x4f: {  	_ =	shalt  }
0x50: {  	_ =	shalt  }
0x51: {  	_ =	shalt  }
0x52: {  	_ =	shalt  }
0x53: {  	_ =	shalt  }
0x54: {  	_ =	shalt  }
0x55: {  	_ =	shalt  }
0x56: {  	_ =	shalt  }
0x57: {  	_ =	shalt  }
0x58: {  	_ =	shalt  }
0x59: {  	_ =	shalt  }
0x5a: {  	_ =	shalt  }
0x5b: {  	_ =	shalt  }
0x5c: {  	_ =	shalt  }
0x5d: {  	_ =	shalt  }
0x5e: {  	_ =	shalt  }
0x5f: {  	_ =	shalt  }
0x60: {  	_ =	shalt  }
0x61: {  	_ =	shalt  }
0x62: {  	_ =	shalt  }
0x63: {  	_ =	shalt  }
0x64: {  	_ =	shalt  }
0x65: {  	_ =	shalt  }
0x66: {  	_ =	shalt  }
0x67: {  	_ =	shalt  }
0x68: {  	_ =	shalt  }
0x69: {  	_ =	shalt  }
0x6a: {  	_ =	shalt  }
0x6b: {  	_ =	shalt  }
0x6c: {  	_ =	shalt  }
0x6d: {  	_ =	shalt  }
0x6e: {  	_ =	shalt  }
0x6f: {  	_ =	shalt  }
0x70: {  	_ =	shalt  }
0x71: {  	_ =	shalt  }
0x72: {  	_ =	shalt  }
0x73: {  	_ =	shalt  }
0x74: {  	_ =	shalt  }
0x75: {  	_ =	shalt  }
0x76: {  	_ =	shalt  }
0x77: {  	_ =	shalt  }
0x78: {  	_ =	shalt  }
0x79: {  	_ =	shalt  }
0x7a: {  	_ =	shalt  }
0x7b: {  	_ =	shalt  }
0x7c: {  	_ =	shalt  }
0x7d: {  	_ =	shalt  }
0x7e: {  	_ =	shalt  }
0x7f: {  	_ =	shalt  }
0x80: {  	_ =	shalt  }
0x81: {  	_ =	shalt  }
0x82: {  	_ =	shalt  }
0x83: {  	_ =	shalt  }
0x84: {  	_ =	shalt  }
0x85: {  	_ =	shalt  }
0x86: {  	_ =	shalt  }
0x87: {  	_ =	shalt  }
.Lfunc_end0:
.L_simem_size_0:
called_computation.1_lowered:
.L_overlay_start_0:
0x88: {  	s2 =	sld [smem:$0x3FD9]  }
0x89: {  	s3 =	sld [smem:$0x3FFE];
	_ =	sdelay $0x1  }
0x8a: {  	s1 =	srdreg.scid  }
0x8b: {  	s0 =	sand.u32 $0x1, s1  }
0x8c: {  	s16 =	sshll.u32 s0, $0xA;
	s2 =	sadd.s32 s3, s2  }
0x8d: {  	s2 =	sadd.s32 s2, s16  }
0x8e: {  	[smem:$0x3FBB] =	sst s2  }
0x8f: {  	_ = 	snop  }
0x90: {  	(tm) =	ssettm $0x1  }
0x91: {  	s17 =	sld [smem:$0x3FFB];
	_ =	sdelay $0x3  }
0x92: {  	_ =	strace s17  }
0x93: {  	s2 =	sld [smem:$0x3FFC];
	_ =	sdelay $0x3  }
0x94: {  	_ =	strace s2  }
0x95: {  	s2 =	sld [smem:$0x3FFD];
	_ =	sdelay $0x3  }
0x96: {  	_ =	strace s2  }
0x97: {  	_ =	strace $0x8FFFFFFF  }
0x98: {  	s18 =	sld [smem:$0x3FDB];
	_ =	sdelay $0x1  }
0x99: {  	s19 =	simm.s32 $_scs_section_size  }
0x9a: {  	s4 =	simm.s32 $_size__tile_overlayer_lowered;
	s5 =	simm.s32 $_tile_overlayer_lowered  }
0x9b: {  	s22 =	simm.s32 $0x1BFF;
	s21 =	sshll.u32 s5, $0x1;
	s2 =	sadd.s32 s19, s18  }
0x9c: {  	s6 =	simm.s32 $0x0;
	s20 =	sshll.u32 s4, $0x1;
	s4 =	sadd.s32 s21, s2  }
0x9d: {  	[timem:s6], [sflag:s22] =	dma.local [hbm:s4], s20  }
0x9e: {  	_ =	swait.ge [sflag:s22], s20  }
0x9f: {  	s3 =	ssub.s32 $0x0, s20;
	[sflag:s22] =	ssyncset.done $0x0  }
0xa0: {  	[sflag:s22] =	ssyncadd.s32 s3;
	_ =	sdelay $0x1  }
0xa1: {  	s23 =	simm.s32 $0x1B8B  }
0xa2: {  	_ =	swait.ge [sflag:s23], $0x1  }
0xa3: {  	[sflag:s23] =	ssyncset.done $0x0  }
0xa4: {  	s25 =	simm.s32 $0x1B8E;
	s24 =	sld [smem:$0x3FFE];
	[sflag:s23] =	ssyncadd.s32 $0xFFFFFFFF  }
0xa5: {  	s26 =	simm.s32 $execute0_lowered;
	[smem:$0x3FD2] =	sst s25  }
0xa6: {  	s4 =	sshll.u32 s26, $0x1;
	_ =	strace $0x80000049;
	[dreg:$0x1] =	wrdreg $0xFFFFFFFF  }
0xa7: {  	s28 =	simm.s32 $_size_execute0_lowered;
	s2 =	sadd.s32 s2, s4;
	[dreg:$0x0] =	wrdreg $0x0  }
0xa8: {  	s4 =	sshll.u32 s28, $0x1;
	[dreg:$0x2] =	wrdreg s2  }
0xa9: {  	[dreg:$0x3] =	wrdreg s4  }
0xaa: {  	[dreg:$0x4] =	wrdreg $0xC0  }
0xab: {  	_ =	task [dreg:s6], $0x5FFFF  }
0xac: {  	[dreg:$0x1] =	wrdreg $0xFFFFFFFF  }
0xad: {  	[dreg:$0x0] =	wrdreg $0x60  }
0xae: {  	[dreg:$0x2] =	wrdreg s24  }
0xaf: {  	[dreg:$0x3] =	wrdreg $0x82000  }
0xb0: {  	[dreg:$0x4] =	wrdreg $0x9  }
0xb1: {  	_ =	task.clear_ibuf [dreg:s6], $0x5FFFF;
	_ =	strace $0x90000049  }
0xb2: {  	s29 =	simm.s32 $0x9;
	_ =	strace $0x8000004B  }
0xb3: {  	_ =	swait.ge [sflag:s29], $0x1  }
0xb4: {  	[sflag:s29] =	ssyncadd.s32 $0xFFFFFFFF  }
0xb5: {  	_ =	strace $0x9000004B  }
0xb6: {  	_ =	sfence  }
0xb7: {  	s30 =	sld [smem:$0x0];
	_ =	sdelay $0x2  }
0xb8: {  	s31 =	sshll.u32 s1, $0xD;
	s1 =	sshrl.u32 s1, $0x2  }
0xb9: {  	s3 =	sand.u32 $0x4000, s31;
	s1 =	sadd.s32 s1, s30  }
0xba: {  	s0 =	sor.u32 s3, s0;
	s1 =	sshll.u32 s1, $0x11  }
0xbb: {  	s0 =	sor.u32 s1, s0  }
0xbc: {  	s0 =	sadd.s32 $0x8F2B, s0  }
0xbd: {  	[sflag:s0] =	ssyncadd.remote.s32 $0x1  }
0xbe: {  	_ =	sfence.sel $0xFFFF  }
0xbf: {  	[dreg:$0x0] =	wrdreg $0xFFFFFFFF;
	(pc) =	sbr.abs _section_cstart, $3  }
0xc0: {  	[dreg:$0x1] =	wrdreg $0xFFFFFFFF  }
0xc1: {  	_ =	task.clear_ibuf [dreg:s6], $0x2FFFF;
	_ =	strace $0x9FFFFFFF  }
0xc2: {  	(tm) =	ssettm $0x7FFFFFFF  }
0xc3: {  	_ =	shalt  }
tec
execute0_lowered:
.L_overlay_start_1:
0x0: {  	(tag) =	ssettag $0x1  }
0x1: {  	s6 =	rddreg [dreg:$0x0]  }
0x2: {  	s2 =	rddreg [dreg:$0x1]  }
0x3: {  	s0 =	rddreg [dreg:$0x2]  }
0x4: {  	s1 =	stileid.u32;
	s4 =	srdreg.scid;
	s3 =	simm.s32 $0x0  }
0x5: {  	s16 =	simm.s32 $0x5;
	s17 =	simm.s32 $0x1;
	s18 =	simm.s32 $0x80  }
0x6: {  	s19 =	simm.s32 $0x200;
	s20 =	simm.s32 $0x3;
	s21 =	simm.s32 $0x2  }
0x7: {  	s22 =	simm.s32 $0x4200;
	s23 =	simm.s32 $0x4;
	s7 =	smul.u32 $0x14000, s1  }
0x8: {  	s8 =	sand.u32 $0x1, s4;
	[smem:$0x7FF] =	sst s3;
	s12 =	smul.u32 $0x9E00, s1  }
0x9: {  	s4 =	sadd.s32 $0xB8000, s6;
	s5 =	sadd.s32 $0x90800, s6;
	s24 =	smul.u32 $0x50000, s1  }
0xa: {  	s30 =	sshll.u32 s1, $0x6;
	s9 =	smul.u32 $0x140000, s8;
	_ =	strace $0x8000004A  }
0xb: {  	s10 =	smul.u32 $0x9E000, s8;
	s26 =	ssub.s32 $0x2, s8;
	s11 =	sshrl.u32 s7, $0x3  }
0xc: {  	s8 =	sshrl.u32 s26, $0x1;
	s11 =	sadd.s32 s11, s6;
	s7 =	sadd.s32 s7, s9  }
0xd: {  	s13 =	sadd.s32 s12, s10;
	s9 =	sshrl.u32 s24, $0x2;
	s29 =	ssub.s32 s26, s8  }
0xe: {  	s24 =	simm.s32 $0x180;
	s7 =	sshrl.u32 s7, $0x3;
	s28 =	sshrl.u32 s13, $0x3  }
0xf: {  	s15 =	sadd.s32 s9, s2;
	s8 =	sadd.s32 $0x18800, s11;
	s31 =	sadd.s32 $0x300, s13  }
0x10: {  	s9 =	sor.u32 $0x1C05, s30;
	s11 =	smax.u32 s29, $0x1;
	s13 =	sadd.s32 $0x200, s13  }
0x11: {  	s25 =	sadd.s32 s7, s6;
	s6 =	sadd.s32 s5, s28;
	s14 =	sshrl.u32 s31, $0x3  }
0x12: {  	s15 =	sshrl.u32 s15, $0x3;
	s7 =	sadd.s32 $0x20, s6;
	s10 =	sadd.s32 $0x158000, s25  }
0x13: {  	s12 =	sadd.s32 s14, s5;
	s14 =	simm.s32 $0x100;
	s25 =	simm.s32 $0x0  }
.LBB2_1:
0x14: {  	[tilespmem:s3], [sflag:$0x1] =	stream.linear.gather [hbm4b:s6+s3], $0x100, $0x38;
	[tilespmem:$0x1C200] =	vst v63  }
0x15: {  	_ = 	snop  }
0x16: {  	[tilespmem:s14], [sflag:$0x2] =	stream.linear.gather [hbm4b:s7+s3], $0x100, $0x38;
	[tilespmem:$0x1C200] =	vst v63  }
0x17: {  	[spmem:s15], [sflag:s9] =	dma.local [hbm:s8], $0x2800  }
0x18: {  	_ =	swait.ge [sflag:s16], $0x2800  }
0x19: {  	[sflag:s16] =	ssyncset.done $0x0  }
0x1a: {  	[sflag:s16] =	ssyncadd.s32 $0xFFFFD800  }
0x1b: {  	[bflag:$0x0] =	sbarrier.arrive $0xFFFF  }
0x1c: {  	_ =	swait.ge [sflag:s17], $0x100  }
0x1d: {  	[sflag:s17] =	ssyncset.done $0x0  }
0x1e: {  	[sflag:s17] =	ssyncadd.s32 $0xFFFFFF00  }
0x1f: {  	[tilespmem:s19], [sflag:$0x3] =	stream.indirect.gather [hbm4b:s4+s18], $0x80, s3, s18, $0xb8;
	[tilespmem:$0x1C200] =	vst v63  }
0x20: {  	_ =	swait.ge [sflag:s20], $0x4000  }
0x21: {  	[sflag:s20] =	ssyncset.done $0x0  }
0x22: {  	[sflag:s20] =	ssyncadd.s32 $0xFFFFC000  }
0x23: {  	_ =	swait.ge [sflag:s21], $0x100  }
0x24: {  	[sflag:s21] =	ssyncset.done $0x0  }
0x25: {  	[sflag:s21] =	ssyncadd.s32 $0xFFFFFF00  }
0x26: {  	[tilespmem:s22], [sflag:$0x4] =	stream.indirect.gather [hbm4b:s4+s18], $0x80, s14, s18, $0xb8;
	[tilespmem:$0x1C200] =	vst v63  }
0x27: {  	_ = 	snop  }
0x28: {  	[spmem:s2] =	stream.indirect.scatter.add.f32 [tilespmem:s19], [sflag:$0x5], $0x80, s18, s18, $0xb8;
	[tilespmem:$0x1C200] =	vst v63  }
0x29: {  	_ =	swait.ge [sflag:s16], $0x4000  }
0x2a: {  	s26 =	sshrl.u32 s13, $0x3;
	[sflag:s16] =	ssyncset.done $0x0  }
0x2b: {  	s26 =	sadd.s32 s5, s26;
	[sflag:s16] =	ssyncadd.s32 $0xFFFFC000  }
0x2c: {  	[tilespmem:s3], [sflag:$0x1] =	stream.linear.gather [hbm4b:s26+s3], $0x100, $0x38;
	[tilespmem:$0x1C200] =	vst v63  }
0x2d: {  	_ =	swait.ge [sflag:s23], $0x4000  }
0x2e: {  	[sflag:s23] =	ssyncset.done $0x0  }
0x2f: {  	[sflag:s23] =	ssyncadd.s32 $0xFFFFC000  }
0x30: {  	_ =	swait.ge [sflag:s17], $0x100  }
0x31: {  	[sflag:s17] =	ssyncset.done $0x0  }
0x32: {  	[sflag:s17] =	ssyncadd.s32 $0xFFFFFF00  }
0x33: {  	[tilespmem:s19], [sflag:$0x3] =	stream.indirect.gather [hbm4b:s4+s18], $0x80, s3, s18, $0xb8;
	[tilespmem:$0x1C200] =	vst v63  }
0x34: {  	_ = 	snop  }
0x35: {  	[spmem:s2] =	stream.indirect.scatter.add.f32 [tilespmem:s22], [sflag:$0x5], $0x80, s24, s18, $0xb8;
	[tilespmem:$0x1C200] =	vst v63  }
0x36: {  	_ =	swait.ge [sflag:s16], $0x4000  }
0x37: {  	s29 =	sadd.s32 $0x0, s12;
	[sflag:s16] =	ssyncset.done $0x0  }
0x38: {  	s28 =	sadd.s32 $0x200, s13;
	s26 =	simm.s32 $0x40;
	[sflag:s16] =	ssyncadd.s32 $0xFFFFC000  }
.LBB2_2:
0x39: {  	[tilespmem:s14], [sflag:$0x2] =	stream.linear.gather [hbm4b:s29+s3], $0x100, $0x38;
	[tilespmem:$0x1C200] =	vst v63  }
0x3a: {  	s29 =	smov.u32 s26  }
0x3b: {  	p0 =	sne.s32 s26, $0x1340;
	s26 =	sadd.s32 $0x40, s26;
	_ =	swait.ge [sflag:s20], $0x4000  }
0x3c: {  	[sflag:s20] =	ssyncset.done $0x0  }
0x3d: {  	[sflag:s20] =	ssyncadd.s32 $0xFFFFC000  }
0x3e: {  	_ =	swait.ge [sflag:s21], $0x100  }
0x3f: {  	[sflag:s21] =	ssyncset.done $0x0  }
0x40: {  	[sflag:s21] =	ssyncadd.s32 $0xFFFFFF00  }
0x41: {  	[tilespmem:s22], [sflag:$0x4] =	stream.indirect.gather [hbm4b:s4+s18], $0x80, s14, s18, $0xb8;
	[tilespmem:$0x1C200] =	vst v63  }
0x42: {  	_ = 	snop  }
0x43: {  	[spmem:s2] =	stream.indirect.scatter.add.f32 [tilespmem:s19], [sflag:$0x5], $0x80, s18, s18, $0xb8;
	[tilespmem:$0x1C200] =	vst v63  }
0x44: {  	_ =	swait.ge [sflag:s16], $0x4000  }
0x45: {  	s30 =	sshrl.u32 s28, $0x3;
	[sflag:s16] =	ssyncset.done $0x0  }
0x46: {  	s30 =	sadd.s32 s5, s30;
	[sflag:s16] =	ssyncadd.s32 $0xFFFFC000  }
0x47: {  	[tilespmem:s3], [sflag:$0x1] =	stream.linear.gather [hbm4b:s30+s3], $0x100, $0x38;
	[tilespmem:$0x1C200] =	vst v63  }
0x48: {  	_ =	swait.ge [sflag:s23], $0x4000  }
0x49: {  	[sflag:s23] =	ssyncset.done $0x0  }
0x4a: {  	[sflag:s23] =	ssyncadd.s32 $0xFFFFC000  }
0x4b: {  	_ =	swait.ge [sflag:s17], $0x100  }
0x4c: {  	[sflag:s17] =	ssyncset.done $0x0  }
0x4d: {  	[sflag:s17] =	ssyncadd.s32 $0xFFFFFF00  }
0x4e: {  	[tilespmem:s19], [sflag:$0x3] =	stream.indirect.gather [hbm4b:s4+s18], $0x80, s3, s18, $0xb8;
	[tilespmem:$0x1C200] =	vst v63  }
.Ltmp0:
0x4f: {  	(pc) =	sbr.rel @p0 .LBB2_2-.Ltmp0, $4  }
0x50: {  	[spmem:s2] =	stream.indirect.scatter.add.f32 [tilespmem:s22], [sflag:$0x5], $0x80, s24, s18, $0xb8;
	[tilespmem:$0x1C200] =	vst v63  }
0x51: {  	_ =	swait.ge [sflag:s16], $0x4000  }
0x52: {  	[sflag:s16] =	ssyncset.done $0x0  }
0x53: {  	s28 =	sadd.s32 $0x200, s28;
	s29 =	sadd.s32 s29, s12;
	[sflag:s16] =	ssyncadd.s32 $0xFFFFC000  }
0x54: {  	[tilespmem:s14], [sflag:$0x2] =	stream.linear.gather [hbm4b:s29+s3], $0x100, $0x38;
	[tilespmem:$0x1C200] =	vst v63  }
0x55: {  	_ =	swait.ge [sflag:s20], $0x4000  }
0x56: {  	[sflag:s20] =	ssyncset.done $0x0  }
0x57: {  	[sflag:s20] =	ssyncadd.s32 $0xFFFFC000  }
0x58: {  	_ =	swait.ge [sflag:s21], $0x100  }
0x59: {  	[sflag:s21] =	ssyncset.done $0x0  }
0x5a: {  	[sflag:s21] =	ssyncadd.s32 $0xFFFFFF00  }
0x5b: {  	[tilespmem:s22], [sflag:$0x4] =	stream.indirect.gather [hbm4b:s4+s18], $0x80, s14, s18, $0xb8;
	[tilespmem:$0x1C200] =	vst v63  }
0x5c: {  	_ = 	snop  }
0x5d: {  	[spmem:s2] =	stream.indirect.scatter.add.f32 [tilespmem:s19], [sflag:$0x5], $0x80, s18, s18, $0xb8;
	[tilespmem:$0x1C200] =	vst v63  }
0x5e: {  	_ =	swait.ge [sflag:s16], $0x4000  }
0x5f: {  	[sflag:s16] =	ssyncset.done $0x0  }
0x60: {  	[sflag:s16] =	ssyncadd.s32 $0xFFFFC000  }
0x61: {  	_ =	swait.ge [sflag:s23], $0x4000  }
0x62: {  	[sflag:s23] =	ssyncset.done $0x0  }
0x63: {  	[sflag:s23] =	ssyncadd.s32 $0xFFFFC000  }
0x64: {  	[spmem:s2] =	stream.indirect.scatter.add.f32 [tilespmem:s22], [sflag:$0x5], $0x80, s24, s18, $0xb8;
	[tilespmem:$0x1C200] =	vst v63  }
0x65: {  	_ =	swait.ge [sflag:s16], $0x4000  }
0x66: {  	s25 =	sadd.s32 $0x1, s25;
	[sflag:s16] =	ssyncset.done $0x0  }
0x67: {  	p0 =	sne.s32 s25, s11;
	[sflag:s16] =	ssyncadd.s32 $0xFFFFC000  }
.Ltmp1:
0x68: {  	[bflag:$0x0] =	sbarrier.arrive $0xFFFF;
	(pc) =	sbr.rel @p0 .LBB2_1-.Ltmp1, $4  }
0x69: {  	[hbm:s10], [sflag:s9] =	dma.local [spmem:s15], $0x2800  }
0x6a: {  	_ =	swait.ge [sflag:s16], $0x2800  }
0x6b: {  	[sflag:s16] =	ssyncset.done $0x0  }
0x6c: {  	[sflag:s16] =	ssyncadd.s32 $0xFFFFD800  }
0x6d: {  	_ =	sfence.sel $0x180000  }
0x6e: {  	[bflag:$0x0] =	sbarrier.arrive $0xFFFF  }
0x6f: {  	p0 =	sne.s32 s1, $0x0;
	_ =	strace $0x9000004A  }
0x70: {  	s0 =	sadd.s32 @!p0 $0x100000, s0;
	[bflag:$0x2] =	sbarrier.arrive $0xFFFF  }
0x71: {  	[sflag:s0] =	ssyncadd.tile.s32 @!p0 $0x1;
	_ =	shalt  }
.Lfunc_end2:
_tile_overlayer_lowered:
.L_overlay_start_2:
0x72: {  	(tag) =	ssettag $0x2  }
0x73: {  	s0 =	rddreg [dreg:$0x0];
	s2 =	stileid.u32  }
0x74: {  	s1 =	rddreg [dreg:$0x1];
	p0 =	sne.s32 s2, $0x0  }
0x75: {  	s3 =	rddreg [dreg:$0x2];
	[bflag:$0x3] =	sbarrier.arrive $0xFFFF;
	s2 =	simm.s32 @!p0 $0x1C05  }
0x76: {  	[timem:s3], [sflag:s2] =	dma.local @!p0 [hbm:s0], s1  }
0x77: {  	s0 =	simm.s32 @!p0 $0x5  }
0x78: {  	_ =	swait.ge @!p0 [sflag:s0], s1  }
0x79: {  	s1 =	ssub.s32 @!p0 $0x0, s1;
	[sflag:s0] =	ssyncset.done @!p0 $0x0  }
0x7a: {  	[sflag:s0] =	ssyncadd.s32 @!p0 s1  }
0x7b: {  	[bflag:$0x3] =	sbarrier.arrive $0xFFFF  }
0x7c: {  	_ =	shalt  }

// kernel: kernel.17.cloned.1.call-start
scs
__scs_entry_jumppad:
0x0: {  	(pc) =	sbr.rel $0x88, $3  }
0x1: {  	(tag) =	ssettag $0x0;
	lr =	simm.s32 $0x1  }
0x2: {  	[smem:$0x3F94] =	sst lr;
	_ =	strace $0xD0000000  }
0x3: {  	_ = 	snop  }
0x4: {  	_ = 	snop  }
0x5: {  	_ = 	snop  }
0x6: {  	_ = 	snop  }
0x7: {  	_ = 	snop  }
__scs_overlays_trampoline_lowered:
0x8: {  	[smem:$0x3FA3] =	sst s0  }
0x9: {  	[smem:$0x3FA4] =	sst s1  }
0xa: {  	[smem:$0x3FA5] =	sst s2  }
0xb: {  	[smem:$0x3FA6] =	sst s3  }
0xc: {  	[smem:$0x3FA7] =	sst s4  }
0xd: {  	[smem:$0x3FA8] =	sst s5  }
0xe: {  	[smem:$0x3FA9] =	sst s6  }
0xf: {  	[smem:$0x3FAA] =	sst s7  }
0x10: {  	[smem:$0x3FAB] =	sst s8  }
0x11: {  	[smem:$0x3FAC] =	sst s9;
	s0 =	simm.s32 @!p0 $0x0  }
0x12: {  	s1 =	sld [smem:$0x3F92];
	s0 =	simm.s32 @p0 $0x1  }
0x13: {  	[smem:$0x3FAD] =	sst s0;
	s0 =	simm.s32 @!p1 $0x0  }
0x14: {  	s2 =	sld [smem:$0x3F91];
	s0 =	simm.s32 @p1 $0x1  }
0x15: {  	[smem:$0x3FAE] =	sst s0;
	s0 =	simm.s32 @!p2 $0x0  }
0x16: {  	s3 =	sld [smem:$0x3FDB];
	s0 =	simm.s32 @p2 $0x1  }
0x17: {  	s4 =	simm.s32 $0x1BF5;
	[smem:$0x3FB0] =	sst s0  }
0x18: {  	s0 =	sld [smem:$0x3F93];
	_ =	swait.ge [sflag:s4], $0x0  }
0x19: {  	s7 =	sld [smem:$0x3F94]  }
0x1a: {  	s8 =	sadd.s32 $0xFFFFE003, lr  }
0x1b: {  	s9 =	sadd.s32 $0xFFFFFEF7, lr;
	s5 =	simm.s32 $0xFFFFFFFF;
	p2 =	slt.u32 s8, $0xFFFFF086  }
0x1c: {  	p1 =	slt.u32 s9, $0xF7A;
	s5 =	simm.s32 @!p2 $0x0  }
0x1d: {  	s5 =	simm.s32 @p1 $0x1;
	p0 =	seq.s32 s7, s2  }
0x1e: {  	s7 =	smul.u32 @!p0 $0xF7A, s2;
	p2 =	seq.s32 @!p0 s5, $0x0  }
0x1f: {  	s9 =	smul.u32 $0xF7A, s1;
	s8 =	simm.s32 @!p0 $0x1BF5;
	p2 =	por !p2, p0  }
0x20: {  	[sflag:s8] =	ssyncset.s32 @!p0 $0xFFFFF086;
	s6 =	sadd.s32 @!p0 s3, s7;
	s7 =	simm.s32 @!p0 $0x108  }
0x21: {  	s3 =	sadd.s32 s3, s9;
	s6 =	sadd.s32 @!p0 $0x88, s6;
	s7 =	simm.s32 @p2 $0x1082  }
0x22: {  	[simem:s7], [sflag:s8] =	dma.local @!p0 [hbm:s6], $0xF7A  }
0x23: {  	s9 =	sor.u32 $0xD0000000, s2;
	s6 =	simm.s32 $0x108;
	_ =	swait.ge @!p0 [sflag:s8], $0x0  }
0x24: {  	s3 =	sadd.s32 $0x88, s3;
	s6 =	simm.s32 @!p1 $0x1082;
	[sflag:s4] =	ssyncset.s32 $0xFFFFF086  }
0x25: {  	[simem:s6], [sflag:s4] =	dma.local [hbm:s3], $0xF7A  }
0x26: {  	[smem:$0x3F94] =	sst s1;
	(tag) =	ssettag s2;
	_ =	strace s9  }
0x27: {  	s1 =	sld [smem:$0x3FA4]  }
0x28: {  	s2 =	sld [smem:$0x3FA5]  }
0x29: {  	s4 =	sld [smem:$0x3FA7]  }
0x2a: {  	p0 =	seq.s32 s5, $0x0;
	s5 =	sld [smem:$0x3FA8]  }
0x2b: {  	s6 =	sld [smem:$0x3FA9]  }
0x2c: {  	s7 =	sld [smem:$0x3FAA]  }
0x2d: {  	s3 =	simm.s32 $0x108;
	s8 =	sld [smem:$0x3FAB]  }
0x2e: {  	s3 =	simm.s32 @!p0 $0x1082;
	s9 =	sld [smem:$0x3FAC]  }
0x2f: {  	lr =	sadd.s32 s0, s3;
	s0 =	sld [smem:$0x3FA3]  }
0x30: {  	s3 =	sld [smem:$0x3FA6]  }
0x31: {  	[smem:$0x3FAF] =	sst s10  }
0x32: {  	s10 =	sld [smem:$0x3FAD];
	_ =	sdelay $0x3  }
0x33: {  	p0 =	seq.s32 s10, $0x1;
	s10 =	sld [smem:$0x3FAF];
	_ =	sdelay $0x3  }
0x34: {  	[smem:$0x3FAF] =	sst s10  }
0x35: {  	s10 =	sld [smem:$0x3FAE];
	_ =	sdelay $0x3  }
0x36: {  	p1 =	seq.s32 s10, $0x1;
	s10 =	sld [smem:$0x3FAF];
	_ =	sdelay $0x3  }
0x37: {  	[smem:$0x3FAF] =	sst s10  }
0x38: {  	s10 =	sld [smem:$0x3FB0]  }
0x39: {  	_ = 	snop;
	(pc) =	sbr.ind lr, $3  }
0x3a: {  	_ = 	snop  }
0x3b: {  	_ = 	snop  }
0x3c: {  	p2 =	seq.s32 s10, $0x1;
	s10 =	sld [smem:$0x3FAF]  }
0x3d: {  	_ =	shalt  }
0x3e: {  	_ =	shalt  }
0x3f: {  	_ =	shalt  }
0x40: {  	_ =	shalt  }
0x41: {  	_ =	shalt  }
0x42: {  	_ =	shalt  }
0x43: {  	_ =	shalt  }
0x44: {  	_ =	shalt  }
0x45: {  	_ =	shalt  }
0x46: {  	_ =	shalt  }
0x47: {  	_ =	shalt  }
0x48: {  	_ =	shalt  }
0x49: {  	_ =	shalt  }
0x4a: {  	_ =	shalt  }
0x4b: {  	_ =	shalt  }
0x4c: {  	_ =	shalt  }
0x4d: {  	_ =	shalt  }
0x4e: {  	_ =	shalt  }
0x4f: {  	_ =	shalt  }
0x50: {  	_ =	shalt  }
0x51: {  	_ =	shalt  }
0x52: {  	_ =	shalt  }
0x53: {  	_ =	shalt  }
0x54: {  	_ =	shalt  }
0x55: {  	_ =	shalt  }
0x56: {  	_ =	shalt  }
0x57: {  	_ =	shalt  }
0x58: {  	_ =	shalt  }
0x59: {  	_ =	shalt  }
0x5a: {  	_ =	shalt  }
0x5b: {  	_ =	shalt  }
0x5c: {  	_ =	shalt  }
0x5d: {  	_ =	shalt  }
0x5e: {  	_ =	shalt  }
0x5f: {  	_ =	shalt  }
0x60: {  	_ =	shalt  }
0x61: {  	_ =	shalt  }
0x62: {  	_ =	shalt  }
0x63: {  	_ =	shalt  }
0x64: {  	_ =	shalt  }
0x65: {  	_ =	shalt  }
0x66: {  	_ =	shalt  }
0x67: {  	_ =	shalt  }
0x68: {  	_ =	shalt  }
0x69: {  	_ =	shalt  }
0x6a: {  	_ =	shalt  }
0x6b: {  	_ =	shalt  }
0x6c: {  	_ =	shalt  }
0x6d: {  	_ =	shalt  }
0x6e: {  	_ =	shalt  }
0x6f: {  	_ =	shalt  }
0x70: {  	_ =	shalt  }
0x71: {  	_ =	shalt  }
0x72: {  	_ =	shalt  }
0x73: {  	_ =	shalt  }
0x74: {  	_ =	shalt  }
0x75: {  	_ =	shalt  }
0x76: {  	_ =	shalt  }
0x77: {  	_ =	shalt  }
0x78: {  	_ =	shalt  }
0x79: {  	_ =	shalt  }
0x7a: {  	_ =	shalt  }
0x7b: {  	_ =	shalt  }
0x7c: {  	_ =	shalt  }
0x7d: {  	_ =	shalt  }
0x7e: {  	_ =	shalt  }
0x7f: {  	_ =	shalt  }
0x80: {  	_ =	shalt  }
0x81: {  	_ =	shalt  }
0x82: {  	_ =	shalt  }
0x83: {  	_ =	shalt  }
0x84: {  	_ =	shalt  }
0x85: {  	_ =	shalt  }
0x86: {  	_ =	shalt  }
0x87: {  	_ =	shalt  }
.Lfunc_end0:
.L_simem_size_0:
called_computation.2_lowered:
.L_overlay_start_0:
0x88: {  	s2 =	sld [smem:$0x3FD9]  }
0x89: {  	s3 =	sld [smem:$0x3FFE];
	_ =	sdelay $0x1  }
0x8a: {  	s1 =	srdreg.scid  }
0x8b: {  	s0 =	sand.u32 $0x1, s1  }
0x8c: {  	s16 =	sshll.u32 s0, $0xA;
	s2 =	sadd.s32 s3, s2  }
0x8d: {  	s2 =	sadd.s32 s2, s16  }
0x8e: {  	[smem:$0x3FBB] =	sst s2  }
0x8f: {  	_ = 	snop  }
0x90: {  	(tm) =	ssettm $0x1  }
0x91: {  	s17 =	sld [smem:$0x3FFB];
	_ =	sdelay $0x3  }
0x92: {  	_ =	strace s17  }
0x93: {  	s2 =	sld [smem:$0x3FFC];
	_ =	sdelay $0x3  }
0x94: {  	_ =	strace s2  }
0x95: {  	s2 =	sld [smem:$0x3FFD];
	_ =	sdelay $0x3  }
0x96: {  	_ =	strace s2  }
0x97: {  	_ =	strace $0x8FFFFFFF  }
0x98: {  	s18 =	sld [smem:$0x3FDB];
	_ =	sdelay $0x1  }
0x99: {  	s19 =	simm.s32 $_scs_section_size  }
0x9a: {  	s4 =	simm.s32 $_size__tile_overlayer_lowered;
	s5 =	simm.s32 $_tile_overlayer_lowered  }
0x9b: {  	s22 =	simm.s32 $0x1BFF;
	s21 =	sshll.u32 s5, $0x1;
	s2 =	sadd.s32 s19, s18  }
0x9c: {  	s6 =	simm.s32 $0x0;
	s20 =	sshll.u32 s4, $0x1;
	s4 =	sadd.s32 s21, s2  }
0x9d: {  	[timem:s6], [sflag:s22] =	dma.local [hbm:s4], s20  }
0x9e: {  	_ =	swait.ge [sflag:s22], s20  }
0x9f: {  	s3 =	ssub.s32 $0x0, s20;
	[sflag:s22] =	ssyncset.done $0x0  }
0xa0: {  	[sflag:s22] =	ssyncadd.s32 s3;
	_ =	sdelay $0x1  }
0xa1: {  	s23 =	simm.s32 $0x1B8B  }
0xa2: {  	_ =	swait.ge [sflag:s23], $0x1  }
0xa3: {  	[sflag:s23] =	ssyncset.done $0x0  }
0xa4: {  	s25 =	simm.s32 $0x1B8E;
	s24 =	sld [smem:$0x3FFE];
	[sflag:s23] =	ssyncadd.s32 $0xFFFFFFFF  }
0xa5: {  	s26 =	simm.s32 $execute0_lowered;
	[smem:$0x3FD2] =	sst s25  }
0xa6: {  	s4 =	sshll.u32 s26, $0x1;
	_ =	strace $0x8000004C;
	[dreg:$0x1] =	wrdreg $0xFFFFFFFF  }
0xa7: {  	s28 =	simm.s32 $_size_execute0_lowered;
	s2 =	sadd.s32 s2, s4;
	[dreg:$0x0] =	wrdreg $0x0  }
0xa8: {  	s4 =	sshll.u32 s28, $0x1;
	[dreg:$0x2] =	wrdreg s2  }
0xa9: {  	[dreg:$0x3] =	wrdreg s4  }
0xaa: {  	[dreg:$0x4] =	wrdreg $0xC0  }
0xab: {  	_ =	task [dreg:s6], $0x5FFFF  }
0xac: {  	[dreg:$0x1] =	wrdreg $0xFFFFFFFF  }
0xad: {  	[dreg:$0x0] =	wrdreg $0x60  }
0xae: {  	[dreg:$0x2] =	wrdreg s24  }
0xaf: {  	[dreg:$0x3] =	wrdreg $0x82000  }
0xb0: {  	[dreg:$0x4] =	wrdreg $0x9  }
0xb1: {  	_ =	task.clear_ibuf [dreg:s6], $0x5FFFF;
	_ =	strace $0x9000004C  }
0xb2: {  	s29 =	simm.s32 $0x9;
	_ =	strace $0x8000004E  }
0xb3: {  	_ =	swait.ge [sflag:s29], $0x1  }
0xb4: {  	[sflag:s29] =	ssyncadd.s32 $0xFFFFFFFF  }
0xb5: {  	_ =	strace $0x9000004E  }
0xb6: {  	_ =	sfence  }
0xb7: {  	s30 =	sld [smem:$0x0];
	_ =	sdelay $0x2  }
0xb8: {  	s31 =	sshll.u32 s1, $0xD;
	s1 =	sshrl.u32 s1, $0x2  }
0xb9: {  	s3 =	sand.u32 $0x4000, s31;
	s1 =	sadd.s32 s1, s30  }
0xba: {  	s0 =	sor.u32 s3, s0;
	s1 =	sshll.u32 s1, $0x11  }
0xbb: {  	s0 =	sor.u32 s1, s0  }
0xbc: {  	s0 =	sadd.s32 $0x8F2B, s0  }
0xbd: {  	[sflag:s0] =	ssyncadd.remote.s32 $0x1  }
0xbe: {  	_ =	sfence.sel $0xFFFF  }
0xbf: {  	[dreg:$0x0] =	wrdreg $0xFFFFFFFF;
	(pc) =	sbr.abs _section_cstart, $3  }
0xc0: {  	[dreg:$0x1] =	wrdreg $0xFFFFFFFF  }
0xc1: {  	_ =	task.clear_ibuf [dreg:s6], $0x2FFFF;
	_ =	strace $0x9FFFFFFF  }
0xc2: {  	(tm) =	ssettm $0x7FFFFFFF  }
0xc3: {  	_ =	shalt  }
tec
execute0_lowered:
.L_overlay_start_1:
0x0: {  	(tag) =	ssettag $0x1  }
0x1: {  	s6 =	rddreg [dreg:$0x0]  }
0x2: {  	s2 =	rddreg [dreg:$0x1]  }
0x3: {  	s0 =	rddreg [dreg:$0x2]  }
0x4: {  	s1 =	stileid.u32;
	s4 =	srdreg.scid;
	s3 =	simm.s32 $0x0  }
0x5: {  	s16 =	simm.s32 $0x5;
	s17 =	simm.s32 $0x1;
	s18 =	simm.s32 $0x80  }
0x6: {  	s19 =	simm.s32 $0x200;
	s20 =	simm.s32 $0x3;
	s21 =	simm.s32 $0x2  }
0x7: {  	s22 =	simm.s32 $0x4200;
	s23 =	simm.s32 $0x4;
	s7 =	smul.u32 $0x14000, s1  }
0x8: {  	s8 =	sand.u32 $0x1, s4;
	[smem:$0x7FF] =	sst s3;
	s12 =	smul.u32 $0x9E00, s1  }
0x9: {  	s4 =	sadd.s32 $0x1A8000, s6;
	s5 =	sadd.s32 $0x90800, s6;
	s24 =	smul.u32 $0x50000, s1  }
0xa: {  	s30 =	sshll.u32 s1, $0x6;
	s9 =	smul.u32 $0x140000, s8;
	_ =	strace $0x8000004D  }
0xb: {  	s10 =	smul.u32 $0x9E000, s8;
	s26 =	ssub.s32 $0x2, s8;
	s11 =	sshrl.u32 s7, $0x3  }
0xc: {  	s8 =	sshrl.u32 s26, $0x1;
	s11 =	sadd.s32 s11, s6;
	s7 =	sadd.s32 s7, s9  }
0xd: {  	s13 =	sadd.s32 s12, s10;
	s9 =	sshrl.u32 s24, $0x2;
	s29 =	ssub.s32 s26, s8  }
0xe: {  	s24 =	simm.s32 $0x180;
	s7 =	sshrl.u32 s7, $0x3;
	s28 =	sshrl.u32 s13, $0x3  }
0xf: {  	s15 =	sadd.s32 s9, s2;
	s8 =	sadd.s32 $0x18800, s11;
	s31 =	sadd.s32 $0x300, s13  }
0x10: {  	s9 =	sor.u32 $0x1C05, s30;
	s11 =	smax.u32 s29, $0x1;
	s13 =	sadd.s32 $0x200, s13  }
0x11: {  	s25 =	sadd.s32 s7, s6;
	s6 =	sadd.s32 s5, s28;
	s14 =	sshrl.u32 s31, $0x3  }
0x12: {  	s15 =	sshrl.u32 s15, $0x3;
	s7 =	sadd.s32 $0x20, s6;
	s10 =	sadd.s32 $0x1F8000, s25  }
0x13: {  	s12 =	sadd.s32 s14, s5;
	s14 =	simm.s32 $0x100;
	s25 =	simm.s32 $0x0  }
.LBB2_1:
0x14: {  	[tilespmem:s3], [sflag:$0x1] =	stream.linear.gather [hbm4b:s6+s3], $0x100, $0x38;
	[tilespmem:$0x1C200] =	vst v63  }
0x15: {  	_ = 	snop  }
0x16: {  	[tilespmem:s14], [sflag:$0x2] =	stream.linear.gather [hbm4b:s7+s3], $0x100, $0x38;
	[tilespmem:$0x1C200] =	vst v63  }
0x17: {  	[spmem:s15], [sflag:s9] =	dma.local [hbm:s8], $0x2800  }
0x18: {  	_ =	swait.ge [sflag:s16], $0x2800  }
0x19: {  	[sflag:s16] =	ssyncset.done $0x0  }
0x1a: {  	[sflag:s16] =	ssyncadd.s32 $0xFFFFD800  }
0x1b: {  	[bflag:$0x0] =	sbarrier.arrive $0xFFFF  }
0x1c: {  	_ =	swait.ge [sflag:s17], $0x100  }
0x1d: {  	[sflag:s17] =	ssyncset.done $0x0  }
0x1e: {  	[sflag:s17] =	ssyncadd.s32 $0xFFFFFF00  }
0x1f: {  	[tilespmem:s19], [sflag:$0x3] =	stream.indirect.gather [hbm4b:s4+s18], $0x80, s3, s18, $0xb8;
	[tilespmem:$0x1C200] =	vst v63  }
0x20: {  	_ =	swait.ge [sflag:s20], $0x4000  }
0x21: {  	[sflag:s20] =	ssyncset.done $0x0  }
0x22: {  	[sflag:s20] =	ssyncadd.s32 $0xFFFFC000  }
0x23: {  	_ =	swait.ge [sflag:s21], $0x100  }
0x24: {  	[sflag:s21] =	ssyncset.done $0x0  }
0x25: {  	[sflag:s21] =	ssyncadd.s32 $0xFFFFFF00  }
0x26: {  	[tilespmem:s22], [sflag:$0x4] =	stream.indirect.gather [hbm4b:s4+s18], $0x80, s14, s18, $0xb8;
	[tilespmem:$0x1C200] =	vst v63  }
0x27: {  	_ = 	snop  }
0x28: {  	[spmem:s2] =	stream.indirect.scatter.add.f32 [tilespmem:s19], [sflag:$0x5], $0x80, s18, s18, $0xb8;
	[tilespmem:$0x1C200] =	vst v63  }
0x29: {  	_ =	swait.ge [sflag:s16], $0x4000  }
0x2a: {  	s26 =	sshrl.u32 s13, $0x3;
	[sflag:s16] =	ssyncset.done $0x0  }
0x2b: {  	s26 =	sadd.s32 s5, s26;
	[sflag:s16] =	ssyncadd.s32 $0xFFFFC000  }
0x2c: {  	[tilespmem:s3], [sflag:$0x1] =	stream.linear.gather [hbm4b:s26+s3], $0x100, $0x38;
	[tilespmem:$0x1C200] =	vst v63  }
0x2d: {  	_ =	swait.ge [sflag:s23], $0x4000  }
0x2e: {  	[sflag:s23] =	ssyncset.done $0x0  }
0x2f: {  	[sflag:s23] =	ssyncadd.s32 $0xFFFFC000  }
0x30: {  	_ =	swait.ge [sflag:s17], $0x100  }
0x31: {  	[sflag:s17] =	ssyncset.done $0x0  }
0x32: {  	[sflag:s17] =	ssyncadd.s32 $0xFFFFFF00  }
0x33: {  	[tilespmem:s19], [sflag:$0x3] =	stream.indirect.gather [hbm4b:s4+s18], $0x80, s3, s18, $0xb8;
	[tilespmem:$0x1C200] =	vst v63  }
0x34: {  	_ = 	snop  }
0x35: {  	[spmem:s2] =	stream.indirect.scatter.add.f32 [tilespmem:s22], [sflag:$0x5], $0x80, s24, s18, $0xb8;
	[tilespmem:$0x1C200] =	vst v63  }
0x36: {  	_ =	swait.ge [sflag:s16], $0x4000  }
0x37: {  	s29 =	sadd.s32 $0x0, s12;
	[sflag:s16] =	ssyncset.done $0x0  }
0x38: {  	s28 =	sadd.s32 $0x200, s13;
	s26 =	simm.s32 $0x40;
	[sflag:s16] =	ssyncadd.s32 $0xFFFFC000  }
.LBB2_2:
0x39: {  	[tilespmem:s14], [sflag:$0x2] =	stream.linear.gather [hbm4b:s29+s3], $0x100, $0x38;
	[tilespmem:$0x1C200] =	vst v63  }
0x3a: {  	s29 =	smov.u32 s26  }
0x3b: {  	p0 =	sne.s32 s26, $0x1340;
	s26 =	sadd.s32 $0x40, s26;
	_ =	swait.ge [sflag:s20], $0x4000  }
0x3c: {  	[sflag:s20] =	ssyncset.done $0x0  }
0x3d: {  	[sflag:s20] =	ssyncadd.s32 $0xFFFFC000  }
0x3e: {  	_ =	swait.ge [sflag:s21], $0x100  }
0x3f: {  	[sflag:s21] =	ssyncset.done $0x0  }
0x40: {  	[sflag:s21] =	ssyncadd.s32 $0xFFFFFF00  }
0x41: {  	[tilespmem:s22], [sflag:$0x4] =	stream.indirect.gather [hbm4b:s4+s18], $0x80, s14, s18, $0xb8;
	[tilespmem:$0x1C200] =	vst v63  }
0x42: {  	_ = 	snop  }
0x43: {  	[spmem:s2] =	stream.indirect.scatter.add.f32 [tilespmem:s19], [sflag:$0x5], $0x80, s18, s18, $0xb8;
	[tilespmem:$0x1C200] =	vst v63  }
0x44: {  	_ =	swait.ge [sflag:s16], $0x4000  }
0x45: {  	s30 =	sshrl.u32 s28, $0x3;
	[sflag:s16] =	ssyncset.done $0x0  }
0x46: {  	s30 =	sadd.s32 s5, s30;
	[sflag:s16] =	ssyncadd.s32 $0xFFFFC000  }
0x47: {  	[tilespmem:s3], [sflag:$0x1] =	stream.linear.gather [hbm4b:s30+s3], $0x100, $0x38;
	[tilespmem:$0x1C200] =	vst v63  }
0x48: {  	_ =	swait.ge [sflag:s23], $0x4000  }
0x49: {  	[sflag:s23] =	ssyncset.done $0x0  }
0x4a: {  	[sflag:s23] =	ssyncadd.s32 $0xFFFFC000  }
0x4b: {  	_ =	swait.ge [sflag:s17], $0x100  }
0x4c: {  	[sflag:s17] =	ssyncset.done $0x0  }
0x4d: {  	[sflag:s17] =	ssyncadd.s32 $0xFFFFFF00  }
0x4e: {  	[tilespmem:s19], [sflag:$0x3] =	stream.indirect.gather [hbm4b:s4+s18], $0x80, s3, s18, $0xb8;
	[tilespmem:$0x1C200] =	vst v63  }
.Ltmp0:
0x4f: {  	(pc) =	sbr.rel @p0 .LBB2_2-.Ltmp0, $4  }
0x50: {  	[spmem:s2] =	stream.indirect.scatter.add.f32 [tilespmem:s22], [sflag:$0x5], $0x80, s24, s18, $0xb8;
	[tilespmem:$0x1C200] =	vst v63  }
0x51: {  	_ =	swait.ge [sflag:s16], $0x4000  }
0x52: {  	[sflag:s16] =	ssyncset.done $0x0  }
0x53: {  	s28 =	sadd.s32 $0x200, s28;
	s29 =	sadd.s32 s29, s12;
	[sflag:s16] =	ssyncadd.s32 $0xFFFFC000  }
0x54: {  	[tilespmem:s14], [sflag:$0x2] =	stream.linear.gather [hbm4b:s29+s3], $0x100, $0x38;
	[tilespmem:$0x1C200] =	vst v63  }
0x55: {  	_ =	swait.ge [sflag:s20], $0x4000  }
0x56: {  	[sflag:s20] =	ssyncset.done $0x0  }
0x57: {  	[sflag:s20] =	ssyncadd.s32 $0xFFFFC000  }
0x58: {  	_ =	swait.ge [sflag:s21], $0x100  }
0x59: {  	[sflag:s21] =	ssyncset.done $0x0  }
0x5a: {  	[sflag:s21] =	ssyncadd.s32 $0xFFFFFF00  }
0x5b: {  	[tilespmem:s22], [sflag:$0x4] =	stream.indirect.gather [hbm4b:s4+s18], $0x80, s14, s18, $0xb8;
	[tilespmem:$0x1C200] =	vst v63  }
0x5c: {  	_ = 	snop  }
0x5d: {  	[spmem:s2] =	stream.indirect.scatter.add.f32 [tilespmem:s19], [sflag:$0x5], $0x80, s18, s18, $0xb8;
	[tilespmem:$0x1C200] =	vst v63  }
0x5e: {  	_ =	swait.ge [sflag:s16], $0x4000  }
0x5f: {  	[sflag:s16] =	ssyncset.done $0x0  }
0x60: {  	[sflag:s16] =	ssyncadd.s32 $0xFFFFC000  }
0x61: {  	_ =	swait.ge [sflag:s23], $0x4000  }
0x62: {  	[sflag:s23] =	ssyncset.done $0x0  }
0x63: {  	[sflag:s23] =	ssyncadd.s32 $0xFFFFC000  }
0x64: {  	[spmem:s2] =	stream.indirect.scatter.add.f32 [tilespmem:s22], [sflag:$0x5], $0x80, s24, s18, $0xb8;
	[tilespmem:$0x1C200] =	vst v63  }
0x65: {  	_ =	swait.ge [sflag:s16], $0x4000  }
0x66: {  	s25 =	sadd.s32 $0x1, s25;
	[sflag:s16] =	ssyncset.done $0x0  }
0x67: {  	p0 =	sne.s32 s25, s11;
	[sflag:s16] =	ssyncadd.s32 $0xFFFFC000  }
.Ltmp1:
0x68: {  	[bflag:$0x0] =	sbarrier.arrive $0xFFFF;
	(pc) =	sbr.rel @p0 .LBB2_1-.Ltmp1, $4  }
0x69: {  	[hbm:s10], [sflag:s9] =	dma.local [spmem:s15], $0x2800  }
0x6a: {  	_ =	swait.ge [sflag:s16], $0x2800  }
0x6b: {  	[sflag:s16] =	ssyncset.done $0x0  }
0x6c: {  	[sflag:s16] =	ssyncadd.s32 $0xFFFFD800  }
0x6d: {  	_ =	sfence.sel $0x180000  }
0x6e: {  	[bflag:$0x0] =	sbarrier.arrive $0xFFFF  }
0x6f: {  	p0 =	sne.s32 s1, $0x0;
	_ =	strace $0x9000004D  }
0x70: {  	s0 =	sadd.s32 @!p0 $0x100000, s0;
	[bflag:$0x2] =	sbarrier.arrive $0xFFFF  }
0x71: {  	[sflag:s0] =	ssyncadd.tile.s32 @!p0 $0x1;
	_ =	shalt  }
.Lfunc_end2:
_tile_overlayer_lowered:
.L_overlay_start_2:
0x72: {  	(tag) =	ssettag $0x2  }
0x73: {  	s0 =	rddreg [dreg:$0x0];
	s2 =	stileid.u32  }
0x74: {  	s1 =	rddreg [dreg:$0x1];
	p0 =	sne.s32 s2, $0x0  }
0x75: {  	s3 =	rddreg [dreg:$0x2];
	[bflag:$0x3] =	sbarrier.arrive $0xFFFF;
	s2 =	simm.s32 @!p0 $0x1C05  }
0x76: {  	[timem:s3], [sflag:s2] =	dma.local @!p0 [hbm:s0], s1  }
0x77: {  	s0 =	simm.s32 @!p0 $0x5  }
0x78: {  	_ =	swait.ge @!p0 [sflag:s0], s1  }
0x79: {  	s1 =	ssub.s32 @!p0 $0x0, s1;
	[sflag:s0] =	ssyncset.done @!p0 $0x0  }
0x7a: {  	[sflag:s0] =	ssyncadd.s32 @!p0 s1  }
0x7b: {  	[bflag:$0x3] =	sbarrier.arrive $0xFFFF  }
0x7c: {  	_ =	shalt  }

// kernel: kernel.20.cloned.1.call-start
scs
__scs_entry_jumppad:
0x0: {  	(pc) =	sbr.rel $0x88, $3  }
0x1: {  	(tag) =	ssettag $0x0;
	lr =	simm.s32 $0x1  }
0x2: {  	[smem:$0x3F94] =	sst lr;
	_ =	strace $0xD0000000  }
0x3: {  	_ = 	snop  }
0x4: {  	_ = 	snop  }
0x5: {  	_ = 	snop  }
0x6: {  	_ = 	snop  }
0x7: {  	_ = 	snop  }
__scs_overlays_trampoline_lowered:
0x8: {  	[smem:$0x3FA3] =	sst s0  }
0x9: {  	[smem:$0x3FA4] =	sst s1  }
0xa: {  	[smem:$0x3FA5] =	sst s2  }
0xb: {  	[smem:$0x3FA6] =	sst s3  }
0xc: {  	[smem:$0x3FA7] =	sst s4  }
0xd: {  	[smem:$0x3FA8] =	sst s5  }
0xe: {  	[smem:$0x3FA9] =	sst s6  }
0xf: {  	[smem:$0x3FAA] =	sst s7  }
0x10: {  	[smem:$0x3FAB] =	sst s8  }
0x11: {  	[smem:$0x3FAC] =	sst s9;
	s0 =	simm.s32 @!p0 $0x0  }
0x12: {  	s1 =	sld [smem:$0x3F92];
	s0 =	simm.s32 @p0 $0x1  }
0x13: {  	[smem:$0x3FAD] =	sst s0;
	s0 =	simm.s32 @!p1 $0x0  }
0x14: {  	s2 =	sld [smem:$0x3F91];
	s0 =	simm.s32 @p1 $0x1  }
0x15: {  	[smem:$0x3FAE] =	sst s0;
	s0 =	simm.s32 @!p2 $0x0  }
0x16: {  	s3 =	sld [smem:$0x3FDB];
	s0 =	simm.s32 @p2 $0x1  }
0x17: {  	s4 =	simm.s32 $0x1BF5;
	[smem:$0x3FB0] =	sst s0  }
0x18: {  	s0 =	sld [smem:$0x3F93];
	_ =	swait.ge [sflag:s4], $0x0  }
0x19: {  	s7 =	sld [smem:$0x3F94]  }
0x1a: {  	s8 =	sadd.s32 $0xFFFFE003, lr  }
0x1b: {  	s9 =	sadd.s32 $0xFFFFFEF7, lr;
	s5 =	simm.s32 $0xFFFFFFFF;
	p2 =	slt.u32 s8, $0xFFFFF086  }
0x1c: {  	p1 =	slt.u32 s9, $0xF7A;
	s5 =	simm.s32 @!p2 $0x0  }
0x1d: {  	s5 =	simm.s32 @p1 $0x1;
	p0 =	seq.s32 s7, s2  }
0x1e: {  	s7 =	smul.u32 @!p0 $0xF7A, s2;
	p2 =	seq.s32 @!p0 s5, $0x0  }
0x1f: {  	s9 =	smul.u32 $0xF7A, s1;
	s8 =	simm.s32 @!p0 $0x1BF5;
	p2 =	por !p2, p0  }
0x20: {  	[sflag:s8] =	ssyncset.s32 @!p0 $0xFFFFF086;
	s6 =	sadd.s32 @!p0 s3, s7;
	s7 =	simm.s32 @!p0 $0x108  }
0x21: {  	s3 =	sadd.s32 s3, s9;
	s6 =	sadd.s32 @!p0 $0x88, s6;
	s7 =	simm.s32 @p2 $0x1082  }
0x22: {  	[simem:s7], [sflag:s8] =	dma.local @!p0 [hbm:s6], $0xF7A  }
0x23: {  	s9 =	sor.u32 $0xD0000000, s2;
	s6 =	simm.s32 $0x108;
	_ =	swait.ge @!p0 [sflag:s8], $0x0  }
0x24: {  	s3 =	sadd.s32 $0x88, s3;
	s6 =	simm.s32 @!p1 $0x1082;
	[sflag:s4] =	ssyncset.s32 $0xFFFFF086  }
0x25: {  	[simem:s6], [sflag:s4] =	dma.local [hbm:s3], $0xF7A  }
0x26: {  	[smem:$0x3F94] =	sst s1;
	(tag) =	ssettag s2;
	_ =	strace s9  }
0x27: {  	s1 =	sld [smem:$0x3FA4]  }
0x28: {  	s2 =	sld [smem:$0x3FA5]  }
0x29: {  	s4 =	sld [smem:$0x3FA7]  }
0x2a: {  	p0 =	seq.s32 s5, $0x0;
	s5 =	sld [smem:$0x3FA8]  }
0x2b: {  	s6 =	sld [smem:$0x3FA9]  }
0x2c: {  	s7 =	sld [smem:$0x3FAA]  }
0x2d: {  	s3 =	simm.s32 $0x108;
	s8 =	sld [smem:$0x3FAB]  }
0x2e: {  	s3 =	simm.s32 @!p0 $0x1082;
	s9 =	sld [smem:$0x3FAC]  }
0x2f: {  	lr =	sadd.s32 s0, s3;
	s0 =	sld [smem:$0x3FA3]  }
0x30: {  	s3 =	sld [smem:$0x3FA6]  }
0x31: {  	[smem:$0x3FAF] =	sst s10  }
0x32: {  	s10 =	sld [smem:$0x3FAD];
	_ =	sdelay $0x3  }
0x33: {  	p0 =	seq.s32 s10, $0x1;
	s10 =	sld [smem:$0x3FAF];
	_ =	sdelay $0x3  }
0x34: {  	[smem:$0x3FAF] =	sst s10  }
0x35: {  	s10 =	sld [smem:$0x3FAE];
	_ =	sdelay $0x3  }
0x36: {  	p1 =	seq.s32 s10, $0x1;
	s10 =	sld [smem:$0x3FAF];
	_ =	sdelay $0x3  }
0x37: {  	[smem:$0x3FAF] =	sst s10  }
0x38: {  	s10 =	sld [smem:$0x3FB0]  }
0x39: {  	_ = 	snop;
	(pc) =	sbr.ind lr, $3  }
0x3a: {  	_ = 	snop  }
0x3b: {  	_ = 	snop  }
0x3c: {  	p2 =	seq.s32 s10, $0x1;
	s10 =	sld [smem:$0x3FAF]  }
0x3d: {  	_ =	shalt  }
0x3e: {  	_ =	shalt  }
0x3f: {  	_ =	shalt  }
0x40: {  	_ =	shalt  }
0x41: {  	_ =	shalt  }
0x42: {  	_ =	shalt  }
0x43: {  	_ =	shalt  }
0x44: {  	_ =	shalt  }
0x45: {  	_ =	shalt  }
0x46: {  	_ =	shalt  }
0x47: {  	_ =	shalt  }
0x48: {  	_ =	shalt  }
0x49: {  	_ =	shalt  }
0x4a: {  	_ =	shalt  }
0x4b: {  	_ =	shalt  }
0x4c: {  	_ =	shalt  }
0x4d: {  	_ =	shalt  }
0x4e: {  	_ =	shalt  }
0x4f: {  	_ =	shalt  }
0x50: {  	_ =	shalt  }
0x51: {  	_ =	shalt  }
0x52: {  	_ =	shalt  }
0x53: {  	_ =	shalt  }
0x54: {  	_ =	shalt  }
0x55: {  	_ =	shalt  }
0x56: {  	_ =	shalt  }
0x57: {  	_ =	shalt  }
0x58: {  	_ =	shalt  }
0x59: {  	_ =	shalt  }
0x5a: {  	_ =	shalt  }
0x5b: {  	_ =	shalt  }
0x5c: {  	_ =	shalt  }
0x5d: {  	_ =	shalt  }
0x5e: {  	_ =	shalt  }
0x5f: {  	_ =	shalt  }
0x60: {  	_ =	shalt  }
0x61: {  	_ =	shalt  }
0x62: {  	_ =	shalt  }
0x63: {  	_ =	shalt  }
0x64: {  	_ =	shalt  }
0x65: {  	_ =	shalt  }
0x66: {  	_ =	shalt  }
0x67: {  	_ =	shalt  }
0x68: {  	_ =	shalt  }
0x69: {  	_ =	shalt  }
0x6a: {  	_ =	shalt  }
0x6b: {  	_ =	shalt  }
0x6c: {  	_ =	shalt  }
0x6d: {  	_ =	shalt  }
0x6e: {  	_ =	shalt  }
0x6f: {  	_ =	shalt  }
0x70: {  	_ =	shalt  }
0x71: {  	_ =	shalt  }
0x72: {  	_ =	shalt  }
0x73: {  	_ =	shalt  }
0x74: {  	_ =	shalt  }
0x75: {  	_ =	shalt  }
0x76: {  	_ =	shalt  }
0x77: {  	_ =	shalt  }
0x78: {  	_ =	shalt  }
0x79: {  	_ =	shalt  }
0x7a: {  	_ =	shalt  }
0x7b: {  	_ =	shalt  }
0x7c: {  	_ =	shalt  }
0x7d: {  	_ =	shalt  }
0x7e: {  	_ =	shalt  }
0x7f: {  	_ =	shalt  }
0x80: {  	_ =	shalt  }
0x81: {  	_ =	shalt  }
0x82: {  	_ =	shalt  }
0x83: {  	_ =	shalt  }
0x84: {  	_ =	shalt  }
0x85: {  	_ =	shalt  }
0x86: {  	_ =	shalt  }
0x87: {  	_ =	shalt  }
.Lfunc_end0:
.L_simem_size_0:
called_computation.3_lowered:
.L_overlay_start_0:
0x88: {  	s2 =	sld [smem:$0x3FD9]  }
0x89: {  	s3 =	sld [smem:$0x3FFE];
	_ =	sdelay $0x1  }
0x8a: {  	s1 =	srdreg.scid  }
0x8b: {  	s0 =	sand.u32 $0x1, s1  }
0x8c: {  	s17 =	sshll.u32 s0, $0xA;
	s2 =	sadd.s32 s3, s2  }
0x8d: {  	s2 =	sadd.s32 s2, s17  }
0x8e: {  	[smem:$0x3FBB] =	sst s2  }
0x8f: {  	_ = 	snop  }
0x90: {  	s2 =	sld [smem:$0x3FD0];
	(tm) =	ssettm $0x1  }
0x91: {  	s18 =	sld [smem:$0x3FFB];
	_ =	sdelay $0x3  }
0x92: {  	_ =	strace s18  }
0x93: {  	s3 =	sld [smem:$0x3FFC];
	_ =	sdelay $0x3  }
0x94: {  	_ =	strace s3  }
0x95: {  	s3 =	sld [smem:$0x3FFD];
	_ =	sdelay $0x3  }
0x96: {  	_ =	strace s3  }
0x97: {  	_ =	strace $0x8FFFFFFF  }
0x98: {  	s19 =	sld [smem:$0x3FDB];
	_ =	sdelay $0x1  }
0x99: {  	s4 =	simm.s32 $_scs_section_size  }
0x9a: {  	s5 =	simm.s32 $_size__tile_overlayer_lowered;
	s6 =	simm.s32 $_tile_overlayer_lowered  }
0x9b: {  	s22 =	simm.s32 $0x1BFF;
	s21 =	sshll.u32 s6, $0x1;
	s3 =	sadd.s32 s4, s19  }
0x9c: {  	s7 =	simm.s32 $0x0;
	s20 =	sshll.u32 s5, $0x1;
	s5 =	sadd.s32 s21, s3  }
0x9d: {  	[timem:s7], [sflag:s22] =	dma.local [hbm:s5], s20  }
0x9e: {  	_ =	swait.ge [sflag:s22], s20  }
0x9f: {  	s4 =	ssub.s32 $0x0, s20;
	[sflag:s22] =	ssyncset.done $0x0  }
0xa0: {  	[sflag:s22] =	ssyncadd.s32 s4;
	_ =	sdelay $0x1  }
0xa1: {  	s23 =	simm.s32 $0x1B8B  }
0xa2: {  	_ =	swait.ge [sflag:s23], $0x1  }
0xa3: {  	[sflag:s23] =	ssyncset.done $0x0  }
0xa4: {  	s25 =	simm.s32 $0x1B8E;
	s24 =	sld [smem:$0x3FFE];
	[sflag:s23] =	ssyncadd.s32 $0xFFFFFFFF  }
0xa5: {  	s26 =	simm.s32 $execute0_lowered;
	[smem:$0x3FD2] =	sst s25  }
0xa6: {  	s5 =	sshll.u32 s26, $0x1;
	_ =	strace $0x8000004F;
	[dreg:$0x1] =	wrdreg $0xFFFFFFFF  }
0xa7: {  	s28 =	simm.s32 $_size_execute0_lowered;
	s3 =	sadd.s32 s3, s5;
	[dreg:$0x0] =	wrdreg $0x0  }
0xa8: {  	s5 =	sshll.u32 s28, $0x1;
	[dreg:$0x2] =	wrdreg s3  }
0xa9: {  	[dreg:$0x3] =	wrdreg s5  }
0xaa: {  	[dreg:$0x4] =	wrdreg $0xC0  }
0xab: {  	_ =	task [dreg:s7], $0x5FFFF  }
0xac: {  	[dreg:$0x1] =	wrdreg $0xFFFFFFFF  }
0xad: {  	[dreg:$0x0] =	wrdreg $0x60  }
0xae: {  	[dreg:$0x2] =	wrdreg s24  }
0xaf: {  	[dreg:$0x3] =	wrdreg s2  }
0xb0: {  	[dreg:$0x4] =	wrdreg $0x84000  }
0xb1: {  	[dreg:$0x5] =	wrdreg $0x9  }
0xb2: {  	_ =	task.clear_ibuf [dreg:s7], $0x6FFFF;
	_ =	strace $0x9000004F  }
0xb3: {  	s29 =	simm.s32 $0x9;
	_ =	strace $0x80000051  }
0xb4: {  	_ =	swait.ge [sflag:s29], $0x1  }
0xb5: {  	[sflag:s29] =	ssyncadd.s32 $0xFFFFFFFF  }
0xb6: {  	_ =	strace $0x90000051  }
0xb7: {  	_ =	sfence  }
0xb8: {  	s30 =	sld [smem:$0x0];
	_ =	sdelay $0x2  }
0xb9: {  	s31 =	sshll.u32 s1, $0xD;
	s1 =	sshrl.u32 s1, $0x2  }
0xba: {  	s3 =	sand.u32 $0x4000, s31;
	s1 =	sadd.s32 s1, s30  }
0xbb: {  	s0 =	sor.u32 s3, s0;
	s1 =	sshll.u32 s1, $0x11  }
0xbc: {  	s0 =	sor.u32 s1, s0  }
0xbd: {  	s0 =	sadd.s32 $0x8F2B, s0  }
0xbe: {  	[sflag:s0] =	ssyncadd.remote.s32 $0x1  }
0xbf: {  	_ =	sfence.sel $0xFFFF  }
0xc0: {  	[dreg:$0x0] =	wrdreg $0xFFFFFFFF;
	(pc) =	sbr.abs _section_cstart, $3  }
0xc1: {  	[dreg:$0x1] =	wrdreg $0xFFFFFFFF  }
0xc2: {  	_ =	task.clear_ibuf [dreg:s7], $0x2FFFF;
	_ =	strace $0x9FFFFFFF  }
0xc3: {  	(tm) =	ssettm $0x7FFFFFFF  }
tec
execute0_lowered:
.L_overlay_start_1:
0x0: {  	(tag) =	ssettag $0x1  }
0x1: {  	s0 =	rddreg [dreg:$0x0]  }
0x2: {  	s1 =	rddreg [dreg:$0x1]  }
0x3: {  	s2 =	rddreg [dreg:$0x2]  }
0x4: {  	s3 =	simm.s32 $0x0;
	s19 =	stileid.u32;
	s5 =	srdreg.scid  }
0x5: {  	[smem:$0x7FF] =	sst s3;
	s6 =	smul.u32 $0x2800, s19;
	s4 =	sadd.s32 $0x108000, s0  }
0x6: {  	s11 =	sand.u32 $0x1, s5;
	s5 =	sadd.s32 $0x90800, s0;
	s17 =	smul.u32 $0x9E00, s19  }
0x7: {  	s7 =	sadd.s32 $0xB8000, s0;
	s13 =	sshll.u32 s19, $0x4;
	s18 =	smul.u32 $0x50000, s19  }
0x8: {  	s22 =	sshll.u32 s19, $0x6;
	_ =	strace $0x80000050;
	s8 =	sshll.u32 s11, $0x4  }
0x9: {  	s13 =	sand.u32 $0x70, s13;
	s15 =	smul.u32 $0x9E000, s11;
	s23 =	sor.u32 $0x1C05, s22  }
0xa: {  	s12 =	sadd.s32 s6, s0;
	s6 =	sadd.s32 $0x158000, s0;
	s9 =	sor.u32 s19, s8  }
0xb: {  	s8 =	sadd.s32 $0x1F8000, s0;
	s21 =	sshrl.u32 s18, $0x2;
	[dreg:$0x6] =	wrdreg s23  }
0xc: {  	s10 =	sshll.u32 s9, $0x5;
	s14 =	smul.u32 $0x6400, s9;
	s9 =	sadd.s32 $0x1A8000, s0  }
0xd: {  	s15 =	sadd.s32 s17, s15;
	s12 =	sadd.s32 $0x18800, s12;
	s10 =	sand.u32 $0x300, s10  }
0xe: {  	s20 =	sshrl.u32 s15, $0x3;
	[dreg:$0x5] =	wrdreg s12;
	s13 =	sor.u32 s13, s10  }
0xf: {  	s10 =	sadd.s32 $0x40800, s0;
	s14 =	sshrl.u32 s14, $0x3;
	s18 =	sadd.s32 s5, s20  }
0x10: {  	s16 =	sadd.s32 s13, s0;
	s1 =	sadd.s32 s1, s13;
	[dreg:$0x4] =	wrdreg s18  }
0x11: {  	s0 =	sadd.s32 s14, s0;
	s24 =	sadd.s32 $0x4800, s16;
	[dreg:$0xb] =	wrdreg s1  }
0x12: {  	s25 =	sadd.s32 $0x248000, s0;
	[dreg:$0x7] =	wrdreg s24  }
0x13: {  	s11 =	ssub.s32 $0x2, s11;
	s26 =	sadd.s32 $0x248800, s0;
	[dreg:$0x8] =	wrdreg s25  }
0x14: {  	s31 =	sshrl.u32 s11, $0x1;
	s30 =	sadd.s32 $0x261000, s0;
	[dreg:$0x9] =	wrdreg s26  }
0x15: {  	s11 =	ssub.s32 s11, s31;
	s31 =	sadd.s32 $0x261800, s0;
	[dreg:$0xa] =	wrdreg s30  }
0x16: {  	s12 =	sadd.s32 $0x27A800, s0;
	[dreg:$0xc] =	wrdreg s31  }
0x17: {  	s13 =	sadd.s32 $0x27A000, s0;
	[dreg:$0xd] =	wrdreg s12  }
0x18: {  	s16 =	sadd.s32 $0x293000, s0;
	[dreg:$0xe] =	wrdreg s13  }
0x19: {  	s17 =	sadd.s32 $0x293800, s0;
	[dreg:$0xf] =	wrdreg s16  }
0x1a: {  	s19 =	sadd.s32 $0x2AC000, s0;
	[dreg:$0x10] =	wrdreg s17  }
0x1b: {  	s20 =	sadd.s32 $0x2AC800, s0;
	[dreg:$0x11] =	wrdreg s19  }
0x1c: {  	s14 =	sadd.s32 s21, s2;
	s21 =	sadd.s32 $0x2C5000, s0;
	[dreg:$0x12] =	wrdreg s20  }
0x1d: {  	s28 =	simm.s32 $0x8280;
	s22 =	sadd.s32 $0x2C5800, s0;
	[dreg:$0x13] =	wrdreg s21  }
0x1e: {  	s29 =	simm.s32 $0x0;
	s23 =	sadd.s32 $0x2DE000, s0;
	[dreg:$0x14] =	wrdreg s22  }
0x1f: {  	s0 =	sadd.s32 $0x2DE800, s0;
	s1 =	sadd.s32 $0x200, s15;
	[dreg:$0x15] =	wrdreg s23  }
0x20: {  	s24 =	sadd.s32 $0x300, s15;
	[dreg:$0x16] =	wrdreg s0;
	s25 =	smax.u32 s11, $0x1  }
0x21: {  	s30 =	sshrl.u32 s14, $0x3;
	s31 =	sadd.s32 $0x20, s18;
	s14 =	simm.s32 $0x100  }
0x22: {  	s15 =	simm.s32 $0x5;
	s16 =	simm.s32 $0x1;
	s17 =	simm.s32 $0x80  }
0x23: {  	s18 =	simm.s32 $0x200;
	s11 =	simm.s32 $0x3;
	s19 =	simm.s32 $0x2  }
0x24: {  	s20 =	simm.s32 $0x4200;
	s21 =	simm.s32 $0x4;
	[dreg:$0x17] =	wrdreg s25  }
0x25: {  	s22 =	simm.s32 $0x180;
	s23 =	simm.s32 $0x400;
	[dreg:$0x18] =	wrdreg s30  }
0x26: {  	s26 =	sshrl.u32 s24, $0x3;
	[dreg:$0x19] =	wrdreg s31;
	s24 =	simm.s32 $0x8200  }
0x27: {  	s25 =	simm.s32 $0x8300;
	s0 =	sadd.s32 s26, s5;
	s26 =	simm.s32 $0x48  }
.LBB2_1:
0x28: {  	s12 =	rddreg [dreg:$0x4]  }
0x29: {  	s13 =	rddreg [dreg:$0x19]  }
0x2a: {  	s30 =	rddreg [dreg:$0x18]  }
0x2b: {  	[tilespmem:s3], [sflag:$0x1] =	stream.linear.gather [hbm4b:s12+s3], $0x100, $0x38;
	[tilespmem:$0x1C400] =	vst v63  }
0x2c: {  	s12 =	rddreg [dreg:$0x5]  }
0x2d: {  	[tilespmem:s14], [sflag:$0x2] =	stream.linear.gather [hbm4b:s13+s3], $0x100, $0x38;
	[tilespmem:$0x1C400] =	vst v63  }
0x2e: {  	s13 =	rddreg [dreg:$0x6]  }
0x2f: {  	[spmem:s30], [sflag:s13] =	dma.local [hbm:s12], $0x2800  }
0x30: {  	_ =	swait.ge [sflag:s15], $0x2800  }
0x31: {  	[sflag:s15] =	ssyncset.done $0x0  }
0x32: {  	[sflag:s15] =	ssyncadd.s32 $0xFFFFD800  }
0x33: {  	[bflag:$0x0] =	sbarrier.arrive $0xFFFF  }
0x34: {  	_ =	swait.ge [sflag:s16], $0x100  }
0x35: {  	[sflag:s16] =	ssyncset.done $0x0  }
0x36: {  	[sflag:s16] =	ssyncadd.s32 $0xFFFFFF00  }
0x37: {  	[tilespmem:s18], [sflag:$0x3] =	stream.indirect.gather [hbm4b:s4+s17], $0x80, s3, s17, $0xb8;
	[tilespmem:$0x1C400] =	vst v63  }
0x38: {  	_ =	swait.ge [sflag:s11], $0x4000  }
0x39: {  	[sflag:s11] =	ssyncset.done $0x0  }
0x3a: {  	[sflag:s11] =	ssyncadd.s32 $0xFFFFC000  }
0x3b: {  	_ =	swait.ge [sflag:s19], $0x100  }
0x3c: {  	[sflag:s19] =	ssyncset.done $0x0  }
0x3d: {  	[sflag:s19] =	ssyncadd.s32 $0xFFFFFF00  }
0x3e: {  	[tilespmem:s20], [sflag:$0x4] =	stream.indirect.gather [hbm4b:s4+s17], $0x80, s14, s17, $0xb8;
	[tilespmem:$0x1C400] =	vst v63  }
0x3f: {  	_ = 	snop  }
0x40: {  	[spmem:s2] =	stream.indirect.scatter.add.f32 [tilespmem:s18], [sflag:$0x5], $0x80, s17, s17, $0xb8;
	[tilespmem:$0x1C400] =	vst v63  }
0x41: {  	_ =	swait.ge [sflag:s15], $0x4000  }
0x42: {  	s13 =	sshrl.u32 s1, $0x3;
	[sflag:s15] =	ssyncset.done $0x0  }
0x43: {  	s12 =	sadd.s32 s5, s13;
	[sflag:s15] =	ssyncadd.s32 $0xFFFFC000  }
0x44: {  	[tilespmem:s3], [sflag:$0x1] =	stream.linear.gather [hbm4b:s12+s3], $0x100, $0x38;
	[tilespmem:$0x1C400] =	vst v63  }
0x45: {  	_ =	swait.ge [sflag:s21], $0x4000  }
0x46: {  	[sflag:s21] =	ssyncset.done $0x0  }
0x47: {  	[sflag:s21] =	ssyncadd.s32 $0xFFFFC000  }
0x48: {  	_ =	swait.ge [sflag:s16], $0x100  }
0x49: {  	[sflag:s16] =	ssyncset.done $0x0  }
0x4a: {  	[sflag:s16] =	ssyncadd.s32 $0xFFFFFF00  }
0x4b: {  	[tilespmem:s18], [sflag:$0x3] =	stream.indirect.gather [hbm4b:s4+s17], $0x80, s3, s17, $0xb8;
	[tilespmem:$0x1C400] =	vst v63  }
0x4c: {  	_ = 	snop  }
0x4d: {  	[spmem:s2] =	stream.indirect.scatter.add.f32 [tilespmem:s20], [sflag:$0x5], $0x80, s22, s17, $0xb8;
	[tilespmem:$0x1C400] =	vst v63  }
0x4e: {  	_ =	swait.ge [sflag:s15], $0x4000  }
0x4f: {  	s31 =	sadd.s32 $0x200, s1;
	[sflag:s15] =	ssyncset.done $0x0  }
0x50: {  	s30 =	simm.s32 $0x40;
	s12 =	sadd.s32 $0x0, s0;
	[sflag:s15] =	ssyncadd.s32 $0xFFFFC000  }
.LBB2_2:
0x51: {  	[tilespmem:s14], [sflag:$0x2] =	stream.linear.gather [hbm4b:s12+s3], $0x100, $0x38;
	[tilespmem:$0x1C400] =	vst v63  }
0x52: {  	s12 =	smov.u32 s30  }
0x53: {  	p0 =	sne.s32 s30, $0x1340;
	s30 =	sadd.s32 $0x40, s30;
	_ =	swait.ge [sflag:s11], $0x4000  }
0x54: {  	[sflag:s11] =	ssyncset.done $0x0  }
0x55: {  	[sflag:s11] =	ssyncadd.s32 $0xFFFFC000  }
0x56: {  	_ =	swait.ge [sflag:s19], $0x100  }
0x57: {  	[sflag:s19] =	ssyncset.done $0x0  }
0x58: {  	[sflag:s19] =	ssyncadd.s32 $0xFFFFFF00  }
0x59: {  	[tilespmem:s20], [sflag:$0x4] =	stream.indirect.gather [hbm4b:s4+s17], $0x80, s14, s17, $0xb8;
	[tilespmem:$0x1C400] =	vst v63  }
0x5a: {  	_ = 	snop  }
0x5b: {  	[spmem:s2] =	stream.indirect.scatter.add.f32 [tilespmem:s18], [sflag:$0x5], $0x80, s17, s17, $0xb8;
	[tilespmem:$0x1C400] =	vst v63  }
0x5c: {  	_ =	swait.ge [sflag:s15], $0x4000  }
0x5d: {  	s13 =	sshrl.u32 s31, $0x3;
	[sflag:s15] =	ssyncset.done $0x0  }
0x5e: {  	s13 =	sadd.s32 s5, s13;
	[sflag:s15] =	ssyncadd.s32 $0xFFFFC000  }
0x5f: {  	[tilespmem:s3], [sflag:$0x1] =	stream.linear.gather [hbm4b:s13+s3], $0x100, $0x38;
	[tilespmem:$0x1C400] =	vst v63  }
0x60: {  	_ =	swait.ge [sflag:s21], $0x4000  }
0x61: {  	[sflag:s21] =	ssyncset.done $0x0  }
0x62: {  	[sflag:s21] =	ssyncadd.s32 $0xFFFFC000  }
0x63: {  	_ =	swait.ge [sflag:s16], $0x100  }
0x64: {  	[sflag:s16] =	ssyncset.done $0x0  }
0x65: {  	[sflag:s16] =	ssyncadd.s32 $0xFFFFFF00  }
0x66: {  	[tilespmem:s18], [sflag:$0x3] =	stream.indirect.gather [hbm4b:s4+s17], $0x80, s3, s17, $0xb8;
	[tilespmem:$0x1C400] =	vst v63  }
.Ltmp0:
0x67: {  	(pc) =	sbr.rel @p0 .LBB2_2-.Ltmp0, $4  }
0x68: {  	[spmem:s2] =	stream.indirect.scatter.add.f32 [tilespmem:s20], [sflag:$0x5], $0x80, s22, s17, $0xb8;
	[tilespmem:$0x1C400] =	vst v63  }
0x69: {  	_ =	swait.ge [sflag:s15], $0x4000  }
0x6a: {  	[sflag:s15] =	ssyncset.done $0x0  }
0x6b: {  	s31 =	sadd.s32 $0x200, s31;
	s12 =	sadd.s32 s12, s0;
	[sflag:s15] =	ssyncadd.s32 $0xFFFFC000  }
0x6c: {  	[tilespmem:s14], [sflag:$0x2] =	stream.linear.gather [hbm4b:s12+s3], $0x100, $0x38;
	[tilespmem:$0x1C400] =	vst v63  }
0x6d: {  	_ =	swait.ge [sflag:s11], $0x4000  }
0x6e: {  	[sflag:s11] =	ssyncset.done $0x0  }
0x6f: {  	[sflag:s11] =	ssyncadd.s32 $0xFFFFC000  }
0x70: {  	_ =	swait.ge [sflag:s19], $0x100  }
0x71: {  	[sflag:s19] =	ssyncset.done $0x0  }
0x72: {  	[sflag:s19] =	ssyncadd.s32 $0xFFFFFF00  }
0x73: {  	[tilespmem:s20], [sflag:$0x4] =	stream.indirect.gather [hbm4b:s4+s17], $0x80, s14, s17, $0xb8;
	[tilespmem:$0x1C400] =	vst v63  }
0x74: {  	_ = 	snop  }
0x75: {  	[spmem:s2] =	stream.indirect.scatter.add.f32 [tilespmem:s18], [sflag:$0x5], $0x80, s17, s17, $0xb8;
	[tilespmem:$0x1C400] =	vst v63  }
0x76: {  	_ =	swait.ge [sflag:s15], $0x4000  }
0x77: {  	[sflag:s15] =	ssyncset.done $0x0  }
0x78: {  	[sflag:s15] =	ssyncadd.s32 $0xFFFFC000  }
0x79: {  	_ =	swait.ge [sflag:s21], $0x4000  }
0x7a: {  	[sflag:s21] =	ssyncset.done $0x0  }
0x7b: {  	[sflag:s21] =	ssyncadd.s32 $0xFFFFC000  }
0x7c: {  	[spmem:s2] =	stream.indirect.scatter.add.f32 [tilespmem:s20], [sflag:$0x5], $0x80, s22, s17, $0xb8;
	[tilespmem:$0x1C400] =	vst v63  }
0x7d: {  	_ =	swait.ge [sflag:s15], $0x4000  }
0x7e: {  	[sflag:s15] =	ssyncset.done $0x0  }
0x7f: {  	[sflag:s15] =	ssyncadd.s32 $0xFFFFC000  }
0x80: {  	[bflag:$0x0] =	sbarrier.arrive $0xFFFF  }
0x81: {  	s13 =	rddreg [dreg:$0xb]  }
0x82: {  	[tilespmem:s24], [sflag:$0x5] =	stream.strided.gather [hbm4b:s13+s17], $0x100, s23, s17, $0x38;
	[tilespmem:$0x1C400] =	vst v63  }
0x83: {  	_ =	swait.ge [sflag:s15], $0x100  }
0x84: {  	[sflag:s15] =	ssyncset.done $0x0  }
0x85: {  	s30 =	rddreg [dreg:$0x7];
	[sflag:s15] =	ssyncadd.s32 $0xFFFFFF00  }
0x86: {  	[tilespmem:s25], [sflag:$0x5] =	stream.strided.gather [hbm4b:s30+s17], $0x100, s23, s17, $0x38;
	[tilespmem:$0x1C400] =	vst v63  }
0x87: {  	_ =	swait.ge [sflag:s15], $0x100  }
0x88: {  	[sflag:s15] =	ssyncset.done $0x0  }
0x89: {  	[sflag:s15] =	ssyncadd.s32 $0xFFFFFF00  }
0x8a: {  	[tilespmem:s18], [sflag:$0x3] =	stream.indirect.gather [hbm4b:s6+s17], $0x80, s24, s17, $0xb8;
	[tilespmem:$0x1C400] =	vst v63  }
0x8b: {  	_ =	swait.ge [sflag:s11], $0x4000  }
0x8c: {  	[sflag:s11] =	ssyncset.done $0x0  }
0x8d: {  	[sflag:s11] =	ssyncadd.s32 $0xFFFFC000  }
0x8e: {  	[tilespmem:s20], [sflag:$0x4] =	stream.indirect.gather [hbm4b:s6+s26], $0x80, s28, s26, $0xb8;
	[tilespmem:$0x1C400] =	vst v63  }
0x8f: {  	s31 =	rddreg [dreg:$0x8]  }
0x90: {  	[hbm4b:s31+s3] =	stream.linear.scatter [tilespmem:s18], [sflag:$0x5], $0x4000, $0x38;
	[tilespmem:$0x1C400] =	vst v63  }
0x91: {  	_ =	swait.ge [sflag:s15], $0x4000  }
0x92: {  	[sflag:s15] =	ssyncset.done $0x0  }
0x93: {  	[sflag:s15] =	ssyncadd.s32 $0xFFFFC000  }
0x94: {  	_ =	swait.ge [sflag:s21], $0x2400  }
0x95: {  	[sflag:s21] =	ssyncset.done $0x0  }
0x96: {  	[sflag:s21] =	ssyncadd.s32 $0xFFFFDC00  }
0x97: {  	[tilespmem:s18], [sflag:$0x3] =	stream.indirect.gather [hbm4b:s7+s17], $0x80, s24, s17, $0xb8;
	[tilespmem:$0x1C400] =	vst v63  }
0x98: {  	s13 =	rddreg [dreg:$0x9]  }
0x99: {  	[hbm4b:s13+s3] =	stream.linear.scatter [tilespmem:s20], [sflag:$0x5], $0x2400, $0x38;
	[tilespmem:$0x1C400] =	vst v63  }
0x9a: {  	_ =	swait.ge [sflag:s15], $0x2400  }
0x9b: {  	[sflag:s15] =	ssyncset.done $0x0  }
0x9c: {  	[sflag:s15] =	ssyncadd.s32 $0xFFFFDC00  }
0x9d: {  	_ =	swait.ge [sflag:s11], $0x4000  }
0x9e: {  	[sflag:s11] =	ssyncset.done $0x0  }
0x9f: {  	[sflag:s11] =	ssyncadd.s32 $0xFFFFC000  }
0xa0: {  	[tilespmem:s20], [sflag:$0x4] =	stream.indirect.gather [hbm4b:s7+s26], $0x80, s28, s26, $0xb8;
	[tilespmem:$0x1C400] =	vst v63  }
0xa1: {  	s30 =	rddreg [dreg:$0xa]  }
0xa2: {  	[hbm4b:s30+s3] =	stream.linear.scatter [tilespmem:s18], [sflag:$0x5], $0x4000, $0x38;
	[tilespmem:$0x1C400] =	vst v63  }
0xa3: {  	_ =	swait.ge [sflag:s15], $0x4000  }
0xa4: {  	[sflag:s15] =	ssyncset.done $0x0  }
0xa5: {  	[sflag:s15] =	ssyncadd.s32 $0xFFFFC000  }
0xa6: {  	_ =	swait.ge [sflag:s21], $0x2400  }
0xa7: {  	[sflag:s21] =	ssyncset.done $0x0  }
0xa8: {  	[sflag:s21] =	ssyncadd.s32 $0xFFFFDC00  }
0xa9: {  	[tilespmem:s18], [sflag:$0x3] =	stream.indirect.gather [hbm4b:s8+s17], $0x80, s24, s17, $0xb8;
	[tilespmem:$0x1C400] =	vst v63  }
0xaa: {  	s31 =	rddreg [dreg:$0xc]  }
0xab: {  	[hbm4b:s31+s3] =	stream.linear.scatter [tilespmem:s20], [sflag:$0x5], $0x2400, $0x38;
	[tilespmem:$0x1C400] =	vst v63  }
0xac: {  	_ =	swait.ge [sflag:s15], $0x2400  }
0xad: {  	[sflag:s15] =	ssyncset.done $0x0  }
0xae: {  	[sflag:s15] =	ssyncadd.s32 $0xFFFFDC00  }
0xaf: {  	_ =	swait.ge [sflag:s11], $0x4000  }
0xb0: {  	[sflag:s11] =	ssyncset.done $0x0  }
0xb1: {  	[sflag:s11] =	ssyncadd.s32 $0xFFFFC000  }
0xb2: {  	[tilespmem:s20], [sflag:$0x4] =	stream.indirect.gather [hbm4b:s8+s26], $0x80, s28, s26, $0xb8;
	[tilespmem:$0x1C400] =	vst v63  }
0xb3: {  	s13 =	rddreg [dreg:$0xe]  }
0xb4: {  	[hbm4b:s13+s3] =	stream.linear.scatter [tilespmem:s18], [sflag:$0x5], $0x4000, $0x38;
	[tilespmem:$0x1C400] =	vst v63  }
0xb5: {  	_ =	swait.ge [sflag:s15], $0x4000  }
0xb6: {  	[sflag:s15] =	ssyncset.done $0x0  }
0xb7: {  	[sflag:s15] =	ssyncadd.s32 $0xFFFFC000  }
0xb8: {  	_ =	swait.ge [sflag:s21], $0x2400  }
0xb9: {  	[sflag:s21] =	ssyncset.done $0x0  }
0xba: {  	[sflag:s21] =	ssyncadd.s32 $0xFFFFDC00  }
0xbb: {  	[tilespmem:s18], [sflag:$0x3] =	stream.indirect.gather [hbm4b:s9+s17], $0x80, s24, s17, $0xb8;
	[tilespmem:$0x1C400] =	vst v63  }
0xbc: {  	s30 =	rddreg [dreg:$0xd]  }
0xbd: {  	[hbm4b:s30+s3] =	stream.linear.scatter [tilespmem:s20], [sflag:$0x5], $0x2400, $0x38;
	[tilespmem:$0x1C400] =	vst v63  }
0xbe: {  	_ =	swait.ge [sflag:s15], $0x2400  }
0xbf: {  	[sflag:s15] =	ssyncset.done $0x0  }
0xc0: {  	[sflag:s15] =	ssyncadd.s32 $0xFFFFDC00  }
0xc1: {  	_ =	swait.ge [sflag:s11], $0x4000  }
0xc2: {  	[sflag:s11] =	ssyncset.done $0x0  }
0xc3: {  	[sflag:s11] =	ssyncadd.s32 $0xFFFFC000  }
0xc4: {  	[tilespmem:s20], [sflag:$0x4] =	stream.indirect.gather [hbm4b:s9+s26], $0x80, s28, s26, $0xb8;
	[tilespmem:$0x1C400] =	vst v63  }
0xc5: {  	s31 =	rddreg [dreg:$0xf]  }
0xc6: {  	[hbm4b:s31+s3] =	stream.linear.scatter [tilespmem:s18], [sflag:$0x5], $0x4000, $0x38;
	[tilespmem:$0x1C400] =	vst v63  }
0xc7: {  	_ =	swait.ge [sflag:s15], $0x4000  }
0xc8: {  	[sflag:s15] =	ssyncset.done $0x0  }
0xc9: {  	[sflag:s15] =	ssyncadd.s32 $0xFFFFC000  }
0xca: {  	_ =	swait.ge [sflag:s21], $0x2400  }
0xcb: {  	[sflag:s21] =	ssyncset.done $0x0  }
0xcc: {  	[sflag:s21] =	ssyncadd.s32 $0xFFFFDC00  }
0xcd: {  	[tilespmem:s18], [sflag:$0x3] =	stream.indirect.gather [hbm4b:s4+s17], $0x80, s24, s17, $0xb8;
	[tilespmem:$0x1C400] =	vst v63  }
0xce: {  	s13 =	rddreg [dreg:$0x10]  }
0xcf: {  	[hbm4b:s13+s3] =	stream.linear.scatter [tilespmem:s20], [sflag:$0x5], $0x2400, $0x38;
	[tilespmem:$0x1C400] =	vst v63  }
0xd0: {  	_ =	swait.ge [sflag:s15], $0x2400  }
0xd1: {  	[sflag:s15] =	ssyncset.done $0x0  }
0xd2: {  	[sflag:s15] =	ssyncadd.s32 $0xFFFFDC00  }
0xd3: {  	_ =	swait.ge [sflag:s11], $0x4000  }
0xd4: {  	[sflag:s11] =	ssyncset.done $0x0  }
0xd5: {  	[sflag:s11] =	ssyncadd.s32 $0xFFFFC000  }
0xd6: {  	[tilespmem:s20], [sflag:$0x4] =	stream.indirect.gather [hbm4b:s4+s26], $0x80, s28, s26, $0xb8;
	[tilespmem:$0x1C400] =	vst v63  }
0xd7: {  	s30 =	rddreg [dreg:$0x11]  }
0xd8: {  	[hbm4b:s30+s3] =	stream.linear.scatter [tilespmem:s18], [sflag:$0x5], $0x4000, $0x38;
	[tilespmem:$0x1C400] =	vst v63  }
0xd9: {  	_ =	swait.ge [sflag:s15], $0x4000  }
0xda: {  	[sflag:s15] =	ssyncset.done $0x0  }
0xdb: {  	[sflag:s15] =	ssyncadd.s32 $0xFFFFC000  }
0xdc: {  	_ =	swait.ge [sflag:s21], $0x2400  }
0xdd: {  	[sflag:s21] =	ssyncset.done $0x0  }
0xde: {  	[sflag:s21] =	ssyncadd.s32 $0xFFFFDC00  }
0xdf: {  	[tilespmem:s18], [sflag:$0x3] =	stream.indirect.gather [hbm4b:s10+s17], $0x80, s24, s17, $0xb8;
	[tilespmem:$0x1C400] =	vst v63  }
0xe0: {  	s31 =	rddreg [dreg:$0x12]  }
0xe1: {  	[hbm4b:s31+s3] =	stream.linear.scatter [tilespmem:s20], [sflag:$0x5], $0x2400, $0x38;
	[tilespmem:$0x1C400] =	vst v63  }
0xe2: {  	_ =	swait.ge [sflag:s15], $0x2400  }
0xe3: {  	[sflag:s15] =	ssyncset.done $0x0  }
0xe4: {  	[sflag:s15] =	ssyncadd.s32 $0xFFFFDC00  }
0xe5: {  	_ =	swait.ge [sflag:s11], $0x4000  }
0xe6: {  	[sflag:s11] =	ssyncset.done $0x0  }
0xe7: {  	[sflag:s11] =	ssyncadd.s32 $0xFFFFC000  }
0xe8: {  	[tilespmem:s20], [sflag:$0x4] =	stream.indirect.gather [hbm4b:s10+s26], $0x80, s28, s26, $0xb8;
	[tilespmem:$0x1C400] =	vst v63  }
0xe9: {  	s13 =	rddreg [dreg:$0x13]  }
0xea: {  	[hbm4b:s13+s3] =	stream.linear.scatter [tilespmem:s18], [sflag:$0x5], $0x4000, $0x38;
	[tilespmem:$0x1C400] =	vst v63  }
0xeb: {  	_ =	swait.ge [sflag:s15], $0x4000  }
0xec: {  	[sflag:s15] =	ssyncset.done $0x0  }
0xed: {  	[sflag:s15] =	ssyncadd.s32 $0xFFFFC000  }
0xee: {  	_ =	swait.ge [sflag:s21], $0x2400  }
0xef: {  	[sflag:s21] =	ssyncset.done $0x0  }
0xf0: {  	[sflag:s21] =	ssyncadd.s32 $0xFFFFDC00  }
0xf1: {  	[tilespmem:s18], [sflag:$0x3] =	stream.indirect.gather [spmem:s2], $0x80, s25, s17, $0xb8;
	[tilespmem:$0x1C400] =	vst v63  }
0xf2: {  	s30 =	rddreg [dreg:$0x14]  }
0xf3: {  	[hbm4b:s30+s3] =	stream.linear.scatter [tilespmem:s20], [sflag:$0x5], $0x2400, $0x38;
	[tilespmem:$0x1C400] =	vst v63  }
0xf4: {  	_ =	swait.ge [sflag:s15], $0x2400  }
0xf5: {  	[sflag:s15] =	ssyncset.done $0x0  }
0xf6: {  	[sflag:s15] =	ssyncadd.s32 $0xFFFFDC00  }
0xf7: {  	_ =	swait.ge [sflag:s11], $0x4000  }
0xf8: {  	[sflag:s11] =	ssyncset.done $0x0  }
0xf9: {  	s31 =	simm.s32 $0x8380;
	[sflag:s11] =	ssyncadd.s32 $0xFFFFC000  }
0xfa: {  	[tilespmem:s20], [sflag:$0x4] =	stream.indirect.gather [spmem:s2], $0x80, s31, s26, $0xb8;
	[tilespmem:$0x1C400] =	vst v63  }
0xfb: {  	s13 =	rddreg [dreg:$0x15]  }
0xfc: {  	[hbm4b:s13+s3] =	stream.linear.scatter [tilespmem:s18], [sflag:$0x5], $0x4000, $0x38;
	[tilespmem:$0x1C400] =	vst v63  }
0xfd: {  	_ =	swait.ge [sflag:s15], $0x4000  }
0xfe: {  	[sflag:s15] =	ssyncset.done $0x0  }
0xff: {  	[sflag:s15] =	ssyncadd.s32 $0xFFFFC000  }
0x100: {  	_ =	swait.ge [sflag:s21], $0x2400  }
0x101: {  	[sflag:s21] =	ssyncset.done $0x0  }
0x102: {  	s30 =	rddreg [dreg:$0x16];
	[sflag:s21] =	ssyncadd.s32 $0xFFFFDC00  }
0x103: {  	[hbm4b:s30+s3] =	stream.linear.scatter [tilespmem:s20], [sflag:$0x5], $0x2400, $0x38;
	[tilespmem:$0x1C400] =	vst v63  }
0x104: {  	_ =	swait.ge [sflag:s15], $0x2400  }
0x105: {  	s29 =	sadd.s32 $0x1, s29;
	s31 =	rddreg [dreg:$0x17]  }
0x106: {  	p0 =	sne.s32 s29, s31  }
.Ltmp1:
0x107: {  	_ = 	snop;
	(pc) =	sbr.rel @p0 .LBB2_1-.Ltmp1, $3  }
0x108: {  	_ =	sdelay $0x1  }
0x109: {  	[sflag:s15] =	ssyncset.done $0x0  }
0x10a: {  	[sflag:s15] =	ssyncadd.s32 $0xFFFFDC00  }
0x10b: {  	_ =	sfence.sel $0x180000  }
0x10c: {  	[bflag:$0x0] =	sbarrier.arrive $0xFFFF  }
0x10d: {  	_ =	strace $0x90000050  }
0x10e: {  	s0 =	stileid.u32;
	[bflag:$0x2] =	sbarrier.arrive $0xFFFF  }
0x10f: {  	p0 =	sne.s32 s0, $0x0;
	s0 =	rddreg [dreg:$0x3]  }
0x110: {  	s0 =	sadd.s32 @!p0 $0x100000, s0  }
0x111: {  	[sflag:s0] =	ssyncadd.tile.s32 @!p0 $0x1;
	_ =	shalt  }
.Lfunc_end2:
_tile_overlayer_lowered:
.L_overlay_start_2:
0x112: {  	(tag) =	ssettag $0x2  }
0x113: {  	s0 =	rddreg [dreg:$0x0];
	s2 =	stileid.u32  }
0x114: {  	s1 =	rddreg [dreg:$0x1];
	p0 =	sne.s32 s2, $0x0  }
0x115: {  	s3 =	rddreg [dreg:$0x2];
	[bflag:$0x3] =	sbarrier.arrive $0xFFFF;
	s2 =	simm.s32 @!p0 $0x1C05  }
0x116: {  	[timem:s3], [sflag:s2] =	dma.local @!p0 [hbm:s0], s1  }
0x117: {  	s0 =	simm.s32 @!p0 $0x5  }
0x118: {  	_ =	swait.ge @!p0 [sflag:s0], s1  }
0x119: {  	s1 =	ssub.s32 @!p0 $0x0, s1;
	[sflag:s0] =	ssyncset.done @!p0 $0x0  }
0x11a: {  	[sflag:s0] =	ssyncadd.s32 @!p0 s1  }
0x11b: {  	[bflag:$0x3] =	sbarrier.arrive $0xFFFF  }
0x11c: {  	_ =	shalt  }

</sc_bundles>
